<compile_context>
chip_gen: v7x
topology: tpu7x:2x2x1
jax: 0.10.2.dev20260603
libtpu: 0.0.44.dev20260713+nightly
codegen_flags: <defaults>
</compile_context>

<pallas_src>
import functools

import jax
import jax.numpy as jnp
from jax import lax
from jax.experimental import pallas as pl
from jax.experimental.pallas import tpu as pltpu
from jax.experimental.pallas import tpu_sc as plsc

N = 10000
E = 320000
F = 128
L = 3

LANES = 16
NC = 2
NS = 16
NW = NC * NS

C = 128
KCH = -(-E // (NW * C))
EPW = KCH * C
EPAD = NW * EPW
NPAD = N + NS * 8 - N % (NS * 8)
RPT = NPAD // NS

_f32 = jnp.float32


def _agg_body(h_hbm, src_hbm, dst_hbm, ee_hbm, out_hbm,
              sidx_v, didx_v, ee_v, rows_v, agg_sh, gsem):
    c = lax.axis_index("c")
    s = lax.axis_index("s")
    wid = c * NS + s
    base = wid * EPW
    r0 = s * RPT

    zeros16 = jnp.zeros((LANES,), _f32)

    @pl.loop(0, C)
    def _zr(r):
        for j in range(8):
            rows_v[r, pl.ds(16 * j, 16)] = zeros16

    for t in range(RPT // C):
        pltpu.sync_copy(rows_v, agg_sh.at[pl.ds(r0 + t * C, C)])
    rem = RPT % C
    if rem:
        pltpu.sync_copy(rows_v.at[pl.ds(0, rem)],
                        agg_sh.at[pl.ds(r0 + (RPT // C) * C, rem)])
    plsc.subcore_barrier()

    @pl.loop(0, KCH)
    def _chunk(k):
        off = pl.multiple_of(base + k * C, C)
        pltpu.sync_copy(src_hbm.at[pl.ds(off, C)], sidx_v)
        pltpu.sync_copy(dst_hbm.at[pl.ds(off, C)], didx_v)
        pltpu.sync_copy(ee_hbm.at[pl.ds(off, C)], ee_v)
        pltpu.async_copy(h_hbm.at[sidx_v], rows_v, gsem).wait()

        @pl.loop(0, C)
        def _edge(e):
            for j in range(8):
                sl = pl.ds(16 * j, 16)
                rows_v[e, sl] = jnp.maximum(rows_v[e, sl] + ee_v[e, sl], 0.0)

        pltpu.sync_copy(rows_v, agg_sh.at[didx_v], add=True)

    plsc.subcore_barrier()
    pltpu.sync_copy(agg_sh.at[pl.ds(r0, RPT)], out_hbm.at[c, pl.ds(r0, RPT)])


@functools.cache
def _agg():
    return functools.partial(
        pl.kernel,
        out_type=jax.ShapeDtypeStruct((NC, NPAD, F), _f32),
        mesh=plsc.VectorSubcoreMesh(core_axis_name="c", subcore_axis_name="s",
                                    num_cores=NC, num_subcores=NS),
        scratch_types=[
            pltpu.VMEM((C,), jnp.int32),
            pltpu.VMEM((C,), jnp.int32),
            pltpu.VMEM((C, F), _f32),
            pltpu.VMEM((C, F), _f32),
            pltpu.VMEM_SHARED((NPAD, F), _f32),
            pltpu.SemaphoreType.DMA,
        ],
    )(_agg_body)


def _dot(a, b):
    return jnp.dot(a, b, preferred_element_type=_f32)


def _fc_body(x_ref, w_ref, o_ref):
    o_ref[...] = _dot(x_ref[...], w_ref[...])


def _ee_body(a_ref, w_ref, b_ref, o_ref):
    o_ref[...] = _dot(a_ref[...], w_ref[...]) + b_ref[...]


def _mlp_body(h_ref, p0_ref, p1_ref, eps_ref, w1_ref, b1_ref, g1_ref, bb1_ref,
              w2_ref, b2_ref, g2_ref, bb2_ref, o_ref, *, last):
    z = eps_ref[...] * h_ref[...] + (p0_ref[...] + p1_ref[...])
    z = _dot(z, w1_ref[...]) + b1_ref[...]
    m = jnp.mean(z, axis=0, keepdims=True)
    v = jnp.mean((z - m) ** 2, axis=0, keepdims=True)
    z = (z - m) / jnp.sqrt(v + 1e-5) * g1_ref[...] + bb1_ref[...]
    z = jnp.maximum(z, 0.0)
    z = _dot(z, w2_ref[...]) + b2_ref[...]
    m2 = jnp.mean(z, axis=0, keepdims=True)
    v2 = jnp.mean((z - m2) ** 2, axis=0, keepdims=True)
    z = (z - m2) / jnp.sqrt(v2 + 1e-5) * g2_ref[...] + bb2_ref[...]
    if not last:
        z = jnp.maximum(z, 0.0)
    o_ref[...] = z


def kernel(x, edge_index, edge_attr, batch, fc_w, ec_w, ec_b, mlp1_w, mlp1_b,
           bn1_g, bn1_b, mlp2_w, mlp2_b, gin_eps, bn_g, bn_b):
    src = edge_index[0]
    dst = edge_index[1]
    order = jnp.argsort(dst, stable=True)
    src = src[order]
    dst = dst[order]
    edge_attr = edge_attr[order]
    pad = EPAD - E
    src_p = jnp.concatenate([src, jnp.zeros((pad,), jnp.int32)])
    dst_p = jnp.concatenate([dst, jnp.full((pad,), N, jnp.int32)])
    attr_p = jnp.concatenate([edge_attr, jnp.zeros((pad, 4), _f32)])

    h = pl.pallas_call(
        _fc_body, out_shape=jax.ShapeDtypeStruct((N, F), _f32))(x, fc_w)

    for l in range(L):
        ee = pl.pallas_call(
            _ee_body,
            grid=(EPAD // 4096,),
            in_specs=[pl.BlockSpec((4096, 4), lambda i: (i, 0)),
                      pl.BlockSpec((4, F), lambda i: (0, 0)),
                      pl.BlockSpec((1, F), lambda i: (0, 0))],
            out_specs=pl.BlockSpec((4096, F), lambda i: (i, 0)),
            out_shape=jax.ShapeDtypeStruct((EPAD, F), _f32))(
                attr_p, ec_w[l], ec_b[l].reshape(1, -1))
        parts = _agg()(h, src_p, dst_p, ee)
        mlp = pl.pallas_call(
            functools.partial(_mlp_body, last=(l == L - 1)),
            out_shape=jax.ShapeDtypeStruct((N, F), _f32))
        h = mlp(h, parts[0, :N], parts[1, :N],
                (1.0 + gin_eps[l]).reshape(1, 1),
                mlp1_w[l], mlp1_b[l].reshape(1, -1),
                bn1_g[l].reshape(1, -1), bn1_b[l].reshape(1, -1),
                mlp2_w[l], mlp2_b[l].reshape(1, -1),
                bn_g[l].reshape(1, -1), bn_b[l].reshape(1, -1))
    return h

# --- scband reference (transcript-rebuilt; emitter-appended) ---
"""Pipeline reference for scband-gnn-node-23854248362357 (READ-ONLY COPY).

The authoritative reference and input builder live on the scoring server;
editing this copy changes nothing except your own understanding.
"""

import jax, jax.numpy as jnp
import numpy as np

N = 10000
E = 320000
FEAT = 128
EMB = 128
L = 3


def _bn(h, g, b):
    m = h.mean(axis=0)
    v = h.var(axis=0)
    return (h - m) / jnp.sqrt(v + 1e-5) * g + b


def setup_inputs(seed: int = 0) -> dict:
    key = jax.random.key(seed)
    ks = jax.random.split(key, 12)
    x = jax.random.normal(ks[0], (N, FEAT), dtype=jnp.float32)
    edge_index = jax.random.randint(ks[1], (2, E), 0, N, dtype=jnp.int32)
    edge_attr = jax.random.normal(ks[2], (E, 4), dtype=jnp.float32)
    batch = jnp.zeros((N,), dtype=jnp.int32)
    s = 0.05
    fc_w = jax.random.normal(ks[3], (FEAT, EMB), dtype=jnp.float32) * s
    ec_w = jax.random.normal(ks[4], (L, 4, EMB), dtype=jnp.float32) * s
    ec_b = jnp.zeros((L, EMB), dtype=jnp.float32)
    mlp1_w = jax.random.normal(ks[5], (L, EMB, 2 * EMB), dtype=jnp.float32) * s
    mlp1_b = jnp.zeros((L, 2 * EMB), dtype=jnp.float32)
    bn1_g = jnp.ones((L, 2 * EMB), dtype=jnp.float32)
    bn1_b = jnp.zeros((L, 2 * EMB), dtype=jnp.float32)
    mlp2_w = jax.random.normal(ks[6], (L, 2 * EMB, EMB), dtype=jnp.float32) * s
    mlp2_b = jnp.zeros((L, EMB), dtype=jnp.float32)
    gin_eps = jnp.zeros((L,), dtype=jnp.float32)
    bn_g = jnp.ones((L, EMB), dtype=jnp.float32)
    bn_b = jnp.zeros((L, EMB), dtype=jnp.float32)
    return {"x": x, "edge_index": edge_index, "edge_attr": edge_attr, "batch": batch,
            "fc_w": fc_w, "ec_w": ec_w, "ec_b": ec_b,
            "mlp1_w": mlp1_w, "mlp1_b": mlp1_b, "bn1_g": bn1_g, "bn1_b": bn1_b,
            "mlp2_w": mlp2_w, "mlp2_b": mlp2_b, "gin_eps": gin_eps,
            "bn_g": bn_g, "bn_b": bn_b}


def reference(x, edge_index, edge_attr, batch, fc_w, ec_w, ec_b, mlp1_w, mlp1_b,
              bn1_g, bn1_b, mlp2_w, mlp2_b, gin_eps, bn_g, bn_b):
    src = edge_index[0]
    dst = edge_index[1]
    h = x @ fc_w  # node encoder fc (no bias)
    for l in range(L):
        # GINConv: edge encoder + message = relu(x_j + edge_emb), aggr='add'
        ee = edge_attr @ ec_w[l] + ec_b[l]
        msg = jax.nn.relu(h[src] + ee)
        agg = jax.ops.segment_sum(msg, dst, num_segments=N)
        z = (1.0 + gin_eps[l]) * h + agg
        # mlp: Linear -> BatchNorm1d (train mode) -> ReLU -> Linear
        z = z @ mlp1_w[l] + mlp1_b[l]
        z = jax.nn.relu(_bn(z, bn1_g[l], bn1_b[l]))
        z = z @ mlp2_w[l] + mlp2_b[l]
        # outer batch norm (train mode)
        hn = _bn(z, bn_g[l], bn_b[l])
        # dropout(drop_ratio=0) is identity; relu except last layer
        if l < L - 1:
            hn = jax.nn.relu(hn)
        h = hn
    return h  # JK='last'

if __name__ == "__main__":
    import jax
    _d = setup_inputs()
    print(jax.jit(kernel)(*tuple(_d.values())))

</pallas_src>

<mosaic_0001>
#map = affine_map<(d0, d1) -> (0, 0)>
#map1 = affine_map<(d0, d1) -> (0)>
#map2 = affine_map<(d0, d1) -> (0, 0, 0)>
module attributes {stable_mosaic.version = 14 : i64} {
  func.func @_agg_body(%arg0: i32, %arg1: i32, %arg2: memref<10000x128xf32, #tpu.memory_space<hbm>>, %arg3: memref<323584xi32, #tpu.memory_space<hbm>>, %arg4: memref<323584xi32, #tpu.memory_space<hbm>>, %arg5: memref<323584x128xf32, #tpu.memory_space<hbm>>, %arg6: memref<2x10112x128xf32, #tpu.memory_space<hbm>>, %arg7: memref<128xi32, #tpu.memory_space<vmem>>, %arg8: memref<128xi32, #tpu.memory_space<vmem>>, %arg9: memref<128x128xf32, #tpu.memory_space<vmem>>, %arg10: memref<128x128xf32, #tpu.memory_space<vmem>>, %arg11: memref<10112x128xf32, #tpu.memory_space<vmem_shared>>, %arg12: memref<!tpu.dma_semaphore, #tpu.memory_space<semaphore_mem>>) attributes {dimension_semantics = [#tpu.dimension_semantics<core_parallel>, #tpu.dimension_semantics<subcore_parallel>], iteration_bounds = array<i64: 2, 16>, scalar_prefetch = 0 : i64, scratch_operands = 6 : i64, tpu.core_type = #tpu.core_type<sc_vector_subcore>, window_params = [{transform_indices = #map}, {transform_indices = #map1}, {transform_indices = #map1}, {transform_indices = #map}, {transform_indices = #map2}]} {
    %mul3A = arith.constant 16 : i32
    %mul3A_0 = arith.muli %arg0, %mul3A : i32
    %add3A = arith.addi %mul3A_0, %arg1 : i32
    %mul3A_1 = arith.constant 10112 : i32
    %mul3A_2 = arith.muli %add3A, %mul3A_1 : i32
    %mul3A_3 = arith.constant 632 : i32
    %mul3A_4 = arith.muli %arg1, %mul3A_3 : i32
    %broadcast_in_dim3A = arith.constant 0.000000e+00 : f32
    %broadcast_in_dim3A_5 = vector.broadcast %broadcast_in_dim3A : f32 to vector<16xf32>
    %scan3A = arith.constant 0 : i32
    %scan3A_6 = arith.constant 128 : i32
    %scan3A_7 = arith.addi %scan3A, %scan3A_6 : i32
    %scan3A_8 = arith.constant 1 : i32
    scf.for %scan3A_26 = %scan3A to %scan3A_7 step %scan3A_8  : i32 {
      %mul3A_27 = arith.constant 1 : i32
      %mul3A_28 = arith.muli %scan3A_26, %mul3A_27 : i32
      %add3A_29 = arith.constant 0 : i32
      %add3A_30 = arith.addi %add3A_29, %mul3A_28 : i32
      %swap3A = arith.index_cast %add3A_30 : i32 to index
      %swap3A_31 = arith.constant 0 : index
      %swap3A_32 = tpu.vector_load %arg10[%swap3A, %swap3A_31] {strides = array<i32>} : memref<128x128xf32, #tpu.memory_space<vmem>>, vector<1x16xf32>,
      %swap3A_33 = vector.shape_cast %swap3A_32 : vector<1x16xf32> to vector<16xf32>
      %swap3A_34 = vector.shape_cast %broadcast_in_dim3A_5 : vector<16xf32> to vector<1x16xf32>
      tpu.vector_store %arg10[%swap3A, %swap3A_31], %swap3A_34 {strides = array<i32>} : memref<128x128xf32, #tpu.memory_space<vmem>>, vector<1x16xf32>,
      %swap3A_35 = arith.index_cast %add3A_30 : i32 to index
      %swap3A_36 = arith.constant 16 : index
      %swap3A_37 = tpu.vector_load %arg10[%swap3A_35, %swap3A_36] {strides = array<i32>} : memref<128x128xf32, #tpu.memory_space<vmem>>, vector<1x16xf32>,
      %swap3A_38 = vector.shape_cast %swap3A_37 : vector<1x16xf32> to vector<16xf32>
      %swap3A_39 = vector.shape_cast %broadcast_in_dim3A_5 : vector<16xf32> to vector<1x16xf32>
      tpu.vector_store %arg10[%swap3A_35, %swap3A_36], %swap3A_39 {strides = array<i32>} : memref<128x128xf32, #tpu.memory_space<vmem>>, vector<1x16xf32>,
      %swap3A_40 = arith.index_cast %add3A_30 : i32 to index
      %swap3A_41 = arith.constant 32 : index
      %swap3A_42 = tpu.vector_load %arg10[%swap3A_40, %swap3A_41] {strides = array<i32>} : memref<128x128xf32, #tpu.memory_space<vmem>>, vector<1x16xf32>,
      %swap3A_43 = vector.shape_cast %swap3A_42 : vector<1x16xf32> to vector<16xf32>
      %swap3A_44 = vector.shape_cast %broadcast_in_dim3A_5 : vector<16xf32> to vector<1x16xf32>
      tpu.vector_store %arg10[%swap3A_40, %swap3A_41], %swap3A_44 {strides = array<i32>} : memref<128x128xf32, #tpu.memory_space<vmem>>, vector<1x16xf32>,
      %swap3A_45 = arith.index_cast %add3A_30 : i32 to index
      %swap3A_46 = arith.constant 48 : index
      %swap3A_47 = tpu.vector_load %arg10[%swap3A_45, %swap3A_46] {strides = array<i32>} : memref<128x128xf32, #tpu.memory_space<vmem>>, vector<1x16xf32>,
      %swap3A_48 = vector.shape_cast %swap3A_47 : vector<1x16xf32> to vector<16xf32>
      %swap3A_49 = vector.shape_cast %broadcast_in_dim3A_5 : vector<16xf32> to vector<1x16xf32>
      tpu.vector_store %arg10[%swap3A_45, %swap3A_46], %swap3A_49 {strides = array<i32>} : memref<128x128xf32, #tpu.memory_space<vmem>>, vector<1x16xf32>,
      %swap3A_50 = arith.index_cast %add3A_30 : i32 to index
      %swap3A_51 = arith.constant 64 : index
      %swap3A_52 = tpu.vector_load %arg10[%swap3A_50, %swap3A_51] {strides = array<i32>} : memref<128x128xf32, #tpu.memory_space<vmem>>, vector<1x16xf32>,
      %swap3A_53 = vector.shape_cast %swap3A_52 : vector<1x16xf32> to vector<16xf32>
      %swap3A_54 = vector.shape_cast %broadcast_in_dim3A_5 : vector<16xf32> to vector<1x16xf32>
      tpu.vector_store %arg10[%swap3A_50, %swap3A_51], %swap3A_54 {strides = array<i32>} : memref<128x128xf32, #tpu.memory_space<vmem>>, vector<1x16xf32>,
      %swap3A_55 = arith.index_cast %add3A_30 : i32 to index
      %swap3A_56 = arith.constant 80 : index
      %swap3A_57 = tpu.vector_load %arg10[%swap3A_55, %swap3A_56] {strides = array<i32>} : memref<128x128xf32, #tpu.memory_space<vmem>>, vector<1x16xf32>,
      %swap3A_58 = vector.shape_cast %swap3A_57 : vector<1x16xf32> to vector<16xf32>
      %swap3A_59 = vector.shape_cast %broadcast_in_dim3A_5 : vector<16xf32> to vector<1x16xf32>
      tpu.vector_store %arg10[%swap3A_55, %swap3A_56], %swap3A_59 {strides = array<i32>} : memref<128x128xf32, #tpu.memory_space<vmem>>, vector<1x16xf32>,
      %swap3A_60 = arith.index_cast %add3A_30 : i32 to index
      %swap3A_61 = arith.constant 96 : index
      %swap3A_62 = tpu.vector_load %arg10[%swap3A_60, %swap3A_61] {strides = array<i32>} : memref<128x128xf32, #tpu.memory_space<vmem>>, vector<1x16xf32>,
      %swap3A_63 = vector.shape_cast %swap3A_62 : vector<1x16xf32> to vector<16xf32>
      %swap3A_64 = vector.shape_cast %broadcast_in_dim3A_5 : vector<16xf32> to vector<1x16xf32>
      tpu.vector_store %arg10[%swap3A_60, %swap3A_61], %swap3A_64 {strides = array<i32>} : memref<128x128xf32, #tpu.memory_space<vmem>>, vector<1x16xf32>,
      %swap3A_65 = arith.index_cast %add3A_30 : i32 to index
      %swap3A_66 = arith.constant 112 : index
      %swap3A_67 = tpu.vector_load %arg10[%swap3A_65, %swap3A_66] {strides = array<i32>} : memref<128x128xf32, #tpu.memory_space<vmem>>, vector<1x16xf32>,
      %swap3A_68 = vector.shape_cast %swap3A_67 : vector<1x16xf32> to vector<16xf32>
      %swap3A_69 = vector.shape_cast %broadcast_in_dim3A_5 : vector<16xf32> to vector<1x16xf32>
      tpu.vector_store %arg10[%swap3A_65, %swap3A_66], %swap3A_69 {strides = array<i32>} : memref<128x128xf32, #tpu.memory_space<vmem>>, vector<1x16xf32>,
    }
    %scan3A_9 = arith.constant 128 : i32
    %add3A_10 = arith.constant 0 : i32
    %add3A_11 = arith.addi %mul3A_4, %add3A_10 : i32
    "tpu.region"() ({
      %run_scoped3A = tpu.sem_alloc : memref<!tpu.dma_semaphore, #tpu.memory_space<semaphore_mem>>
      %dma_start3A = arith.constant 0 : i32
      %dma_start3A_26 = tpu.memref_slice %arg11[%add3A_11, %dma_start3A] : memref<10112x128xf32, #tpu.memory_space<vmem_shared>> -> memref<128x128xf32, #tpu.memory_space<vmem_shared>>
      %dma_start3A_27 = arith.constant 0 : i32
      %dma_start3A_28 = tpu.memref_slice %arg11[%add3A_11, %dma_start3A_27] : memref<10112x128xf32, #tpu.memory_space<vmem_shared>> -> memref<128x128xf32, #tpu.memory_space<vmem_shared>>
      tpu.enqueue_dma source(%arg10 : memref<128x128xf32, #tpu.memory_space<vmem>>) target(%dma_start3A_28 : memref<128x128xf32, #tpu.memory_space<vmem_shared>>) target_semaphore(%run_scoped3A : memref<!tpu.dma_semaphore, #tpu.memory_space<semaphore_mem>>)
      %dma_wait3A = arith.constant 0 : i32
      %dma_wait3A_29 = tpu.memref_slice %arg11[%add3A_11, %dma_wait3A] : memref<10112x128xf32, #tpu.memory_space<vmem_shared>> -> memref<128x128xf32, #tpu.memory_space<vmem_shared>>
      %dma_wait3A_30 = arith.constant 0 : i32
      %dma_wait3A_31 = tpu.memref_slice %arg11[%add3A_11, %dma_wait3A_30] : memref<10112x128xf32, #tpu.memory_space<vmem_shared>> -> memref<128x128xf32, #tpu.memory_space<vmem_shared>>
      tpu.wait_dma2 semaphore(%run_scoped3A : memref<!tpu.dma_semaphore, #tpu.memory_space<semaphore_mem>>) src(%arg10 : memref<128x128xf32, #tpu.memory_space<vmem>>) dst(%dma_wait3A_31 : memref<128x128xf32, #tpu.memory_space<vmem_shared>>)
      tpu.yield
    }) : () -> ()
    %add3A_12 = arith.constant 128 : i32
    %add3A_13 = arith.addi %mul3A_4, %add3A_12 : i32
    "tpu.region"() ({
      %run_scoped3A = tpu.sem_alloc : memref<!tpu.dma_semaphore, #tpu.memory_space<semaphore_mem>>
      %dma_start3A = arith.constant 0 : i32
      %dma_start3A_26 = tpu.memref_slice %arg11[%add3A_13, %dma_start3A] : memref<10112x128xf32, #tpu.memory_space<vmem_shared>> -> memref<128x128xf32, #tpu.memory_space<vmem_shared>>
      %dma_start3A_27 = arith.constant 0 : i32
      %dma_start3A_28 = tpu.memref_slice %arg11[%add3A_13, %dma_start3A_27] : memref<10112x128xf32, #tpu.memory_space<vmem_shared>> -> memref<128x128xf32, #tpu.memory_space<vmem_shared>>
      tpu.enqueue_dma source(%arg10 : memref<128x128xf32, #tpu.memory_space<vmem>>) target(%dma_start3A_28 : memref<128x128xf32, #tpu.memory_space<vmem_shared>>) target_semaphore(%run_scoped3A : memref<!tpu.dma_semaphore, #tpu.memory_space<semaphore_mem>>)
      %dma_wait3A = arith.constant 0 : i32
      %dma_wait3A_29 = tpu.memref_slice %arg11[%add3A_13, %dma_wait3A] : memref<10112x128xf32, #tpu.memory_space<vmem_shared>> -> memref<128x128xf32, #tpu.memory_space<vmem_shared>>
      %dma_wait3A_30 = arith.constant 0 : i32
      %dma_wait3A_31 = tpu.memref_slice %arg11[%add3A_13, %dma_wait3A_30] : memref<10112x128xf32, #tpu.memory_space<vmem_shared>> -> memref<128x128xf32, #tpu.memory_space<vmem_shared>>
      tpu.wait_dma2 semaphore(%run_scoped3A : memref<!tpu.dma_semaphore, #tpu.memory_space<semaphore_mem>>) src(%arg10 : memref<128x128xf32, #tpu.memory_space<vmem>>) dst(%dma_wait3A_31 : memref<128x128xf32, #tpu.memory_space<vmem_shared>>)
      tpu.yield
    }) : () -> ()
    %add3A_14 = arith.constant 256 : i32
    %add3A_15 = arith.addi %mul3A_4, %add3A_14 : i32
    "tpu.region"() ({
      %run_scoped3A = tpu.sem_alloc : memref<!tpu.dma_semaphore, #tpu.memory_space<semaphore_mem>>
      %dma_start3A = arith.constant 0 : i32
      %dma_start3A_26 = tpu.memref_slice %arg11[%add3A_15, %dma_start3A] : memref<10112x128xf32, #tpu.memory_space<vmem_shared>> -> memref<128x128xf32, #tpu.memory_space<vmem_shared>>
      %dma_start3A_27 = arith.constant 0 : i32
      %dma_start3A_28 = tpu.memref_slice %arg11[%add3A_15, %dma_start3A_27] : memref<10112x128xf32, #tpu.memory_space<vmem_shared>> -> memref<128x128xf32, #tpu.memory_space<vmem_shared>>
      tpu.enqueue_dma source(%arg10 : memref<128x128xf32, #tpu.memory_space<vmem>>) target(%dma_start3A_28 : memref<128x128xf32, #tpu.memory_space<vmem_shared>>) target_semaphore(%run_scoped3A : memref<!tpu.dma_semaphore, #tpu.memory_space<semaphore_mem>>)
      %dma_wait3A = arith.constant 0 : i32
      %dma_wait3A_29 = tpu.memref_slice %arg11[%add3A_15, %dma_wait3A] : memref<10112x128xf32, #tpu.memory_space<vmem_shared>> -> memref<128x128xf32, #tpu.memory_space<vmem_shared>>
      %dma_wait3A_30 = arith.constant 0 : i32
      %dma_wait3A_31 = tpu.memref_slice %arg11[%add3A_15, %dma_wait3A_30] : memref<10112x128xf32, #tpu.memory_space<vmem_shared>> -> memref<128x128xf32, #tpu.memory_space<vmem_shared>>
      tpu.wait_dma2 semaphore(%run_scoped3A : memref<!tpu.dma_semaphore, #tpu.memory_space<semaphore_mem>>) src(%arg10 : memref<128x128xf32, #tpu.memory_space<vmem>>) dst(%dma_wait3A_31 : memref<128x128xf32, #tpu.memory_space<vmem_shared>>)
      tpu.yield
    }) : () -> ()
    %add3A_16 = arith.constant 384 : i32
    %add3A_17 = arith.addi %mul3A_4, %add3A_16 : i32
    "tpu.region"() ({
      %run_scoped3A = tpu.sem_alloc : memref<!tpu.dma_semaphore, #tpu.memory_space<semaphore_mem>>
      %dma_start3A = arith.constant 0 : i32
      %dma_start3A_26 = tpu.memref_slice %arg11[%add3A_17, %dma_start3A] : memref<10112x128xf32, #tpu.memory_space<vmem_shared>> -> memref<128x128xf32, #tpu.memory_space<vmem_shared>>
      %dma_start3A_27 = arith.constant 0 : i32
      %dma_start3A_28 = tpu.memref_slice %arg11[%add3A_17, %dma_start3A_27] : memref<10112x128xf32, #tpu.memory_space<vmem_shared>> -> memref<128x128xf32, #tpu.memory_space<vmem_shared>>
      tpu.enqueue_dma source(%arg10 : memref<128x128xf32, #tpu.memory_space<vmem>>) target(%dma_start3A_28 : memref<128x128xf32, #tpu.memory_space<vmem_shared>>) target_semaphore(%run_scoped3A : memref<!tpu.dma_semaphore, #tpu.memory_space<semaphore_mem>>)
      %dma_wait3A = arith.constant 0 : i32
      %dma_wait3A_29 = tpu.memref_slice %arg11[%add3A_17, %dma_wait3A] : memref<10112x128xf32, #tpu.memory_space<vmem_shared>> -> memref<128x128xf32, #tpu.memory_space<vmem_shared>>
      %dma_wait3A_30 = arith.constant 0 : i32
      %dma_wait3A_31 = tpu.memref_slice %arg11[%add3A_17, %dma_wait3A_30] : memref<10112x128xf32, #tpu.memory_space<vmem_shared>> -> memref<128x128xf32, #tpu.memory_space<vmem_shared>>
      tpu.wait_dma2 semaphore(%run_scoped3A : memref<!tpu.dma_semaphore, #tpu.memory_space<semaphore_mem>>) src(%arg10 : memref<128x128xf32, #tpu.memory_space<vmem>>) dst(%dma_wait3A_31 : memref<128x128xf32, #tpu.memory_space<vmem_shared>>)
      tpu.yield
    }) : () -> ()
    %add3A_18 = arith.constant 512 : i32
    %add3A_19 = arith.addi %mul3A_4, %add3A_18 : i32
    "tpu.region"() ({
      %run_scoped3A = tpu.sem_alloc : memref<!tpu.dma_semaphore, #tpu.memory_space<semaphore_mem>>
      %dma_start3A = arith.constant 0 : i32
      %dma_start3A_26 = arith.constant 0 : i32
      %dma_start3A_27 = tpu.memref_slice %arg10[%dma_start3A, %dma_start3A_26] : memref<128x128xf32, #tpu.memory_space<vmem>> -> memref<120x128xf32, #tpu.memory_space<vmem>>
      %dma_start3A_28 = arith.constant 0 : i32
      %dma_start3A_29 = tpu.memref_slice %arg11[%add3A_19, %dma_start3A_28] : memref<10112x128xf32, #tpu.memory_space<vmem_shared>> -> memref<120x128xf32, #tpu.memory_space<vmem_shared>>
      %dma_start3A_30 = arith.constant 0 : i32
      %dma_start3A_31 = tpu.memref_slice %arg11[%add3A_19, %dma_start3A_30] : memref<10112x128xf32, #tpu.memory_space<vmem_shared>> -> memref<120x128xf32, #tpu.memory_space<vmem_shared>>
      %dma_start3A_32 = arith.constant 0 : i32
      %dma_start3A_33 = arith.constant 0 : i32
      %dma_start3A_34 = tpu.memref_slice %arg10[%dma_start3A_32, %dma_start3A_33] : memref<128x128xf32, #tpu.memory_space<vmem>> -> memref<120x128xf32, #tpu.memory_space<vmem>>
      tpu.enqueue_dma source(%dma_start3A_34 : memref<120x128xf32, #tpu.memory_space<vmem>>) target(%dma_start3A_31 : memref<120x128xf32, #tpu.memory_space<vmem_shared>>) target_semaphore(%run_scoped3A : memref<!tpu.dma_semaphore, #tpu.memory_space<semaphore_mem>>)
      %dma_wait3A = arith.constant 0 : i32
      %dma_wait3A_35 = arith.constant 0 : i32
      %dma_wait3A_36 = tpu.memref_slice %arg10[%dma_wait3A, %dma_wait3A_35] : memref<128x128xf32, #tpu.memory_space<vmem>> -> memref<120x128xf32, #tpu.memory_space<vmem>>
      %dma_wait3A_37 = arith.constant 0 : i32
      %dma_wait3A_38 = tpu.memref_slice %arg11[%add3A_19, %dma_wait3A_37] : memref<10112x128xf32, #tpu.memory_space<vmem_shared>> -> memref<120x128xf32, #tpu.memory_space<vmem_shared>>
      %dma_wait3A_39 = arith.constant 0 : i32
      %dma_wait3A_40 = tpu.memref_slice %arg11[%add3A_19, %dma_wait3A_39] : memref<10112x128xf32, #tpu.memory_space<vmem_shared>> -> memref<120x128xf32, #tpu.memory_space<vmem_shared>>
      %dma_wait3A_41 = arith.constant 0 : i32
      %dma_wait3A_42 = arith.constant 0 : i32
      %dma_wait3A_43 = tpu.memref_slice %arg10[%dma_wait3A_41, %dma_wait3A_42] : memref<128x128xf32, #tpu.memory_space<vmem>> -> memref<120x128xf32, #tpu.memory_space<vmem>>
      tpu.wait_dma2 semaphore(%run_scoped3A : memref<!tpu.dma_semaphore, #tpu.memory_space<semaphore_mem>>) src(%dma_wait3A_43 : memref<120x128xf32, #tpu.memory_space<vmem>>) dst(%dma_wait3A_40 : memref<120x128xf32, #tpu.memory_space<vmem_shared>>)
      tpu.yield
    }) : () -> ()
    %barrier3A = arith.constant 0 : index
    tpu.barrier barrier_id(%barrier3A)
    %scan3A_20 = arith.constant 0 : i32
    %scan3A_21 = arith.constant 79 : i32
    %scan3A_22 = arith.addi %scan3A_20, %scan3A_21 : i32
    %scan3A_23 = arith.constant 1 : i32
    scf.for %scan3A_26 = %scan3A_20 to %scan3A_22 step %scan3A_23  : i32 {
      %mul3A_27 = arith.constant 1 : i32
      %mul3A_28 = arith.muli %scan3A_26, %mul3A_27 : i32
      %add3A_29 = arith.constant 0 : i32
      %add3A_30 = arith.addi %add3A_29, %mul3A_28 : i32
      %mul3A_31 = arith.constant 128 : i32
      %mul3A_32 = arith.muli %add3A_30, %mul3A_31 : i32
      %add3A_33 = arith.addi %mul3A_2, %mul3A_32 : i32
      %multiple_of3A = tpu.assume_multiple %add3A_33, 128 : i32
      "tpu.region"() ({
        %run_scoped3A = tpu.sem_alloc : memref<!tpu.dma_semaphore, #tpu.memory_space<semaphore_mem>>
        %dma_start3A_43 = tpu.memref_slice %arg3[%multiple_of3A] : memref<323584xi32, #tpu.memory_space<hbm>> -> memref<128xi32, #tpu.memory_space<hbm>>
        %dma_start3A_44 = tpu.memref_slice %arg3[%multiple_of3A] : memref<323584xi32, #tpu.memory_space<hbm>> -> memref<128xi32, #tpu.memory_space<hbm>>
        tpu.enqueue_dma source(%dma_start3A_44 : memref<128xi32, #tpu.memory_space<hbm>>) target(%arg7 : memref<128xi32, #tpu.memory_space<vmem>>) target_semaphore(%run_scoped3A : memref<!tpu.dma_semaphore, #tpu.memory_space<semaphore_mem>>)
        %dma_wait3A_45 = tpu.memref_slice %arg3[%multiple_of3A] : memref<323584xi32, #tpu.memory_space<hbm>> -> memref<128xi32, #tpu.memory_space<hbm>>
        %dma_wait3A_46 = tpu.memref_slice %arg3[%multiple_of3A] : memref<323584xi32, #tpu.memory_space<hbm>> -> memref<128xi32, #tpu.memory_space<hbm>>
        tpu.wait_dma2 semaphore(%run_scoped3A : memref<!tpu.dma_semaphore, #tpu.memory_space<semaphore_mem>>) src(%dma_wait3A_46 : memref<128xi32, #tpu.memory_space<hbm>>) dst(%arg7 : memref<128xi32, #tpu.memory_space<vmem>>)
        tpu.yield
      }) : () -> ()
      "tpu.region"() ({
        %run_scoped3A = tpu.sem_alloc : memref<!tpu.dma_semaphore, #tpu.memory_space<semaphore_mem>>
        %dma_start3A_43 = tpu.memref_slice %arg4[%multiple_of3A] : memref<323584xi32, #tpu.memory_space<hbm>> -> memref<128xi32, #tpu.memory_space<hbm>>
        %dma_start3A_44 = tpu.memref_slice %arg4[%multiple_of3A] : memref<323584xi32, #tpu.memory_space<hbm>> -> memref<128xi32, #tpu.memory_space<hbm>>
        tpu.enqueue_dma source(%dma_start3A_44 : memref<128xi32, #tpu.memory_space<hbm>>) target(%arg8 : memref<128xi32, #tpu.memory_space<vmem>>) target_semaphore(%run_scoped3A : memref<!tpu.dma_semaphore, #tpu.memory_space<semaphore_mem>>)
        %dma_wait3A_45 = tpu.memref_slice %arg4[%multiple_of3A] : memref<323584xi32, #tpu.memory_space<hbm>> -> memref<128xi32, #tpu.memory_space<hbm>>
        %dma_wait3A_46 = tpu.memref_slice %arg4[%multiple_of3A] : memref<323584xi32, #tpu.memory_space<hbm>> -> memref<128xi32, #tpu.memory_space<hbm>>
        tpu.wait_dma2 semaphore(%run_scoped3A : memref<!tpu.dma_semaphore, #tpu.memory_space<semaphore_mem>>) src(%dma_wait3A_46 : memref<128xi32, #tpu.memory_space<hbm>>) dst(%arg8 : memref<128xi32, #tpu.memory_space<vmem>>)
        tpu.yield
      }) : () -> ()
      "tpu.region"() ({
        %run_scoped3A = tpu.sem_alloc : memref<!tpu.dma_semaphore, #tpu.memory_space<semaphore_mem>>
        %dma_start3A_43 = arith.constant 0 : i32
        %dma_start3A_44 = tpu.memref_slice %arg5[%multiple_of3A, %dma_start3A_43] : memref<323584x128xf32, #tpu.memory_space<hbm>> -> memref<128x128xf32, #tpu.memory_space<hbm>>
        %dma_start3A_45 = arith.constant 0 : i32
        %dma_start3A_46 = tpu.memref_slice %arg5[%multiple_of3A, %dma_start3A_45] : memref<323584x128xf32, #tpu.memory_space<hbm>> -> memref<128x128xf32, #tpu.memory_space<hbm>>
        tpu.enqueue_dma source(%dma_start3A_46 : memref<128x128xf32, #tpu.memory_space<hbm>>) target(%arg9 : memref<128x128xf32, #tpu.memory_space<vmem>>) target_semaphore(%run_scoped3A : memref<!tpu.dma_semaphore, #tpu.memory_space<semaphore_mem>>)
        %dma_wait3A_47 = arith.constant 0 : i32
        %dma_wait3A_48 = tpu.memref_slice %arg5[%multiple_of3A, %dma_wait3A_47] : memref<323584x128xf32, #tpu.memory_space<hbm>> -> memref<128x128xf32, #tpu.memory_space<hbm>>
        %dma_wait3A_49 = arith.constant 0 : i32
        %dma_wait3A_50 = tpu.memref_slice %arg5[%multiple_of3A, %dma_wait3A_49] : memref<323584x128xf32, #tpu.memory_space<hbm>> -> memref<128x128xf32, #tpu.memory_space<hbm>>
        tpu.wait_dma2 semaphore(%run_scoped3A : memref<!tpu.dma_semaphore, #tpu.memory_space<semaphore_mem>>) src(%dma_wait3A_50 : memref<128x128xf32, #tpu.memory_space<hbm>>) dst(%arg9 : memref<128x128xf32, #tpu.memory_space<vmem>>)
        tpu.yield
      }) : () -> ()
      %dma_start3A = arith.constant 0 : i32
      %dma_start3A_34 = arith.constant 0 : i32
      %dma_start3A_35 = tpu.memref_slice %arg2[%dma_start3A, %dma_start3A_34] : memref<10000x128xf32, #tpu.memory_space<hbm>> -> memref<10000x128xf32, #tpu.memory_space<hbm>>
      tpu.enqueue_indirect_dma source(%dma_start3A_35 : memref<10000x128xf32, #tpu.memory_space<hbm>>) target(%arg10 : memref<128x128xf32, #tpu.memory_space<vmem>>) offsets(%arg7 : memref<128xi32, #tpu.memory_space<vmem>>) semaphore(%arg12 : memref<!tpu.dma_semaphore, #tpu.memory_space<semaphore_mem>>)
      %dma_wait3A = arith.constant 0 : i32
      %dma_wait3A_36 = arith.constant 0 : i32
      %dma_wait3A_37 = tpu.memref_slice %arg2[%dma_wait3A, %dma_wait3A_36] : memref<10000x128xf32, #tpu.memory_space<hbm>> -> memref<10000x128xf32, #tpu.memory_space<hbm>>
      tpu.wait_indirect_dma semaphore(%arg12 : memref<!tpu.dma_semaphore, #tpu.memory_space<semaphore_mem>>) src(%dma_wait3A_37 : memref<10000x128xf32, #tpu.memory_space<hbm>>) dst(%arg10 : memref<128x128xf32, #tpu.memory_space<vmem>>)
      %scan3A_38 = arith.constant 0 : i32
      %scan3A_39 = arith.constant 128 : i32
      %scan3A_40 = arith.addi %scan3A_38, %scan3A_39 : i32
      %scan3A_41 = arith.constant 1 : i32
      scf.for %scan3A_43 = %scan3A_38 to %scan3A_40 step %scan3A_41  : i32 {
        %mul3A_44 = arith.constant 1 : i32
        %mul3A_45 = arith.muli %scan3A_43, %mul3A_44 : i32
        %add3A_46 = arith.constant 0 : i32
        %add3A_47 = arith.addi %add3A_46, %mul3A_45 : i32
        %get3A = arith.index_cast %add3A_47 : i32 to index
        %get3A_48 = arith.constant 0 : index
        %get3A_49 = tpu.vector_load %arg10[%get3A, %get3A_48] {strides = array<i32>} : memref<128x128xf32, #tpu.memory_space<vmem>>, vector<1x16xf32>,
        %get3A_50 = vector.shape_cast %get3A_49 : vector<1x16xf32> to vector<16xf32>
        %get3A_51 = arith.index_cast %add3A_47 : i32 to index
        %get3A_52 = arith.constant 0 : index
        %get3A_53 = tpu.vector_load %arg9[%get3A_51, %get3A_52] {strides = array<i32>} : memref<128x128xf32, #tpu.memory_space<vmem>>, vector<1x16xf32>,
        %get3A_54 = vector.shape_cast %get3A_53 : vector<1x16xf32> to vector<16xf32>
        %add3A_55 = arith.addf %get3A_50, %get3A_54 : vector<16xf32>
        %max3A = arith.constant 0.000000e+00 : f32
        %max3A_56 = vector.broadcast %max3A : f32 to vector<16xf32>
        %max3A_57 = arith.maximumf %add3A_55, %max3A_56 : vector<16xf32>
        %swap3A = arith.index_cast %add3A_47 : i32 to index
        %swap3A_58 = arith.constant 0 : index
        %swap3A_59 = tpu.vector_load %arg10[%swap3A, %swap3A_58] {strides = array<i32>} : memref<128x128xf32, #tpu.memory_space<vmem>>, vector<1x16xf32>,
        %swap3A_60 = vector.shape_cast %swap3A_59 : vector<1x16xf32> to vector<16xf32>
        %swap3A_61 = vector.shape_cast %max3A_57 : vector<16xf32> to vector<1x16xf32>
        tpu.vector_store %arg10[%swap3A, %swap3A_58], %swap3A_61 {strides = array<i32>} : memref<128x128xf32, #tpu.memory_space<vmem>>, vector<1x16xf32>,
        %get3A_62 = arith.index_cast %add3A_47 : i32 to index
        %get3A_63 = arith.constant 16 : index
        %get3A_64 = tpu.vector_load %arg10[%get3A_62, %get3A_63] {strides = array<i32>} : memref<128x128xf32, #tpu.memory_space<vmem>>, vector<1x16xf32>,
        %get3A_65 = vector.shape_cast %get3A_64 : vector<1x16xf32> to vector<16xf32>
        %get3A_66 = arith.index_cast %add3A_47 : i32 to index
        %get3A_67 = arith.constant 16 : index
        %get3A_68 = tpu.vector_load %arg9[%get3A_66, %get3A_67] {strides = array<i32>} : memref<128x128xf32, #tpu.memory_space<vmem>>, vector<1x16xf32>,
        %get3A_69 = vector.shape_cast %get3A_68 : vector<1x16xf32> to vector<16xf32>
        %add3A_70 = arith.addf %get3A_65, %get3A_69 : vector<16xf32>
        %max3A_71 = arith.constant 0.000000e+00 : f32
        %max3A_72 = vector.broadcast %max3A_71 : f32 to vector<16xf32>
        %max3A_73 = arith.maximumf %add3A_70, %max3A_72 : vector<16xf32>
        %swap3A_74 = arith.index_cast %add3A_47 : i32 to index
        %swap3A_75 = arith.constant 16 : index
        %swap3A_76 = tpu.vector_load %arg10[%swap3A_74, %swap3A_75] {strides = array<i32>} : memref<128x128xf32, #tpu.memory_space<vmem>>, vector<1x16xf32>,
        %swap3A_77 = vector.shape_cast %swap3A_76 : vector<1x16xf32> to vector<16xf32>
        %swap3A_78 = vector.shape_cast %max3A_73 : vector<16xf32> to vector<1x16xf32>
        tpu.vector_store %arg10[%swap3A_74, %swap3A_75], %swap3A_78 {strides = array<i32>} : memref<128x128xf32, #tpu.memory_space<vmem>>, vector<1x16xf32>,
        %get3A_79 = arith.index_cast %add3A_47 : i32 to index
        %get3A_80 = arith.constant 32 : index
        %get3A_81 = tpu.vector_load %arg10[%get3A_79, %get3A_80] {strides = array<i32>} : memref<128x128xf32, #tpu.memory_space<vmem>>, vector<1x16xf32>,
        %get3A_82 = vector.shape_cast %get3A_81 : vector<1x16xf32> to vector<16xf32>
        %get3A_83 = arith.index_cast %add3A_47 : i32 to index
        %get3A_84 = arith.constant 32 : index
        %get3A_85 = tpu.vector_load %arg9[%get3A_83, %get3A_84] {strides = array<i32>} : memref<128x128xf32, #tpu.memory_space<vmem>>, vector<1x16xf32>,
        %get3A_86 = vector.shape_cast %get3A_85 : vector<1x16xf32> to vector<16xf32>
        %add3A_87 = arith.addf %get3A_82, %get3A_86 : vector<16xf32>
        %max3A_88 = arith.constant 0.000000e+00 : f32
        %max3A_89 = vector.broadcast %max3A_88 : f32 to vector<16xf32>
        %max3A_90 = arith.maximumf %add3A_87, %max3A_89 : vector<16xf32>
        %swap3A_91 = arith.index_cast %add3A_47 : i32 to index
        %swap3A_92 = arith.constant 32 : index
        %swap3A_93 = tpu.vector_load %arg10[%swap3A_91, %swap3A_92] {strides = array<i32>} : memref<128x128xf32, #tpu.memory_space<vmem>>, vector<1x16xf32>,
        %swap3A_94 = vector.shape_cast %swap3A_93 : vector<1x16xf32> to vector<16xf32>
        %swap3A_95 = vector.shape_cast %max3A_90 : vector<16xf32> to vector<1x16xf32>
        tpu.vector_store %arg10[%swap3A_91, %swap3A_92], %swap3A_95 {strides = array<i32>} : memref<128x128xf32, #tpu.memory_space<vmem>>, vector<1x16xf32>,
        %get3A_96 = arith.index_cast %add3A_47 : i32 to index
        %get3A_97 = arith.constant 48 : index
        %get3A_98 = tpu.vector_load %arg10[%get3A_96, %get3A_97] {strides = array<i32>} : memref<128x128xf32, #tpu.memory_space<vmem>>, vector<1x16xf32>,
        %get3A_99 = vector.shape_cast %get3A_98 : vector<1x16xf32> to vector<16xf32>
        %get3A_100 = arith.index_cast %add3A_47 : i32 to index
        %get3A_101 = arith.constant 48 : index
        %get3A_102 = tpu.vector_load %arg9[%get3A_100, %get3A_101] {strides = array<i32>} : memref<128x128xf32, #tpu.memory_space<vmem>>, vector<1x16xf32>,
        %get3A_103 = vector.shape_cast %get3A_102 : vector<1x16xf32> to vector<16xf32>
        %add3A_104 = arith.addf %get3A_99, %get3A_103 : vector<16xf32>
        %max3A_105 = arith.constant 0.000000e+00 : f32
        %max3A_106 = vector.broadcast %max3A_105 : f32 to vector<16xf32>
        %max3A_107 = arith.maximumf %add3A_104, %max3A_106 : vector<16xf32>
        %swap3A_108 = arith.index_cast %add3A_47 : i32 to index
        %swap3A_109 = arith.constant 48 : index
        %swap3A_110 = tpu.vector_load %arg10[%swap3A_108, %swap3A_109] {strides = array<i32>} : memref<128x128xf32, #tpu.memory_space<vmem>>, vector<1x16xf32>,
        %swap3A_111 = vector.shape_cast %swap3A_110 : vector<1x16xf32> to vector<16xf32>
        %swap3A_112 = vector.shape_cast %max3A_107 : vector<16xf32> to vector<1x16xf32>
        tpu.vector_store %arg10[%swap3A_108, %swap3A_109], %swap3A_112 {strides = array<i32>} : memref<128x128xf32, #tpu.memory_space<vmem>>, vector<1x16xf32>,
        %get3A_113 = arith.index_cast %add3A_47 : i32 to index
        %get3A_114 = arith.constant 64 : index
        %get3A_115 = tpu.vector_load %arg10[%get3A_113, %get3A_114] {strides = array<i32>} : memref<128x128xf32, #tpu.memory_space<vmem>>, vector<1x16xf32>,
        %get3A_116 = vector.shape_cast %get3A_115 : vector<1x16xf32> to vector<16xf32>
        %get3A_117 = arith.index_cast %add3A_47 : i32 to index
        %get3A_118 = arith.constant 64 : index
        %get3A_119 = tpu.vector_load %arg9[%get3A_117, %get3A_118] {strides = array<i32>} : memref<128x128xf32, #tpu.memory_space<vmem>>, vector<1x16xf32>,
        %get3A_120 = vector.shape_cast %get3A_119 : vector<1x16xf32> to vector<16xf32>
        %add3A_121 = arith.addf %get3A_116, %get3A_120 : vector<16xf32>
        %max3A_122 = arith.constant 0.000000e+00 : f32
        %max3A_123 = vector.broadcast %max3A_122 : f32 to vector<16xf32>
        %max3A_124 = arith.maximumf %add3A_121, %max3A_123 : vector<16xf32>
        %swap3A_125 = arith.index_cast %add3A_47 : i32 to index
        %swap3A_126 = arith.constant 64 : index
        %swap3A_127 = tpu.vector_load %arg10[%swap3A_125, %swap3A_126] {strides = array<i32>} : memref<128x128xf32, #tpu.memory_space<vmem>>, vector<1x16xf32>,
        %swap3A_128 = vector.shape_cast %swap3A_127 : vector<1x16xf32> to vector<16xf32>
        %swap3A_129 = vector.shape_cast %max3A_124 : vector<16xf32> to vector<1x16xf32>
        tpu.vector_store %arg10[%swap3A_125, %swap3A_126], %swap3A_129 {strides = array<i32>} : memref<128x128xf32, #tpu.memory_space<vmem>>, vector<1x16xf32>,
        %get3A_130 = arith.index_cast %add3A_47 : i32 to index
        %get3A_131 = arith.constant 80 : index
        %get3A_132 = tpu.vector_load %arg10[%get3A_130, %get3A_131] {strides = array<i32>} : memref<128x128xf32, #tpu.memory_space<vmem>>, vector<1x16xf32>,
        %get3A_133 = vector.shape_cast %get3A_132 : vector<1x16xf32> to vector<16xf32>
        %get3A_134 = arith.index_cast %add3A_47 : i32 to index
        %get3A_135 = arith.constant 80 : index
        %get3A_136 = tpu.vector_load %arg9[%get3A_134, %get3A_135] {strides = array<i32>} : memref<128x128xf32, #tpu.memory_space<vmem>>, vector<1x16xf32>,
        %get3A_137 = vector.shape_cast %get3A_136 : vector<1x16xf32> to vector<16xf32>
        %add3A_138 = arith.addf %get3A_133, %get3A_137 : vector<16xf32>
        %max3A_139 = arith.constant 0.000000e+00 : f32
        %max3A_140 = vector.broadcast %max3A_139 : f32 to vector<16xf32>
        %max3A_141 = arith.maximumf %add3A_138, %max3A_140 : vector<16xf32>
        %swap3A_142 = arith.index_cast %add3A_47 : i32 to index
        %swap3A_143 = arith.constant 80 : index
        %swap3A_144 = tpu.vector_load %arg10[%swap3A_142, %swap3A_143] {strides = array<i32>} : memref<128x128xf32, #tpu.memory_space<vmem>>, vector<1x16xf32>,
        %swap3A_145 = vector.shape_cast %swap3A_144 : vector<1x16xf32> to vector<16xf32>
        %swap3A_146 = vector.shape_cast %max3A_141 : vector<16xf32> to vector<1x16xf32>
        tpu.vector_store %arg10[%swap3A_142, %swap3A_143], %swap3A_146 {strides = array<i32>} : memref<128x128xf32, #tpu.memory_space<vmem>>, vector<1x16xf32>,
        %get3A_147 = arith.index_cast %add3A_47 : i32 to index
        %get3A_148 = arith.constant 96 : index
        %get3A_149 = tpu.vector_load %arg10[%get3A_147, %get3A_148] {strides = array<i32>} : memref<128x128xf32, #tpu.memory_space<vmem>>, vector<1x16xf32>,
        %get3A_150 = vector.shape_cast %get3A_149 : vector<1x16xf32> to vector<16xf32>
        %get3A_151 = arith.index_cast %add3A_47 : i32 to index
        %get3A_152 = arith.constant 96 : index
        %get3A_153 = tpu.vector_load %arg9[%get3A_151, %get3A_152] {strides = array<i32>} : memref<128x128xf32, #tpu.memory_space<vmem>>, vector<1x16xf32>,
        %get3A_154 = vector.shape_cast %get3A_153 : vector<1x16xf32> to vector<16xf32>
        %add3A_155 = arith.addf %get3A_150, %get3A_154 : vector<16xf32>
        %max3A_156 = arith.constant 0.000000e+00 : f32
        %max3A_157 = vector.broadcast %max3A_156 : f32 to vector<16xf32>
        %max3A_158 = arith.maximumf %add3A_155, %max3A_157 : vector<16xf32>
        %swap3A_159 = arith.index_cast %add3A_47 : i32 to index
        %swap3A_160 = arith.constant 96 : index
        %swap3A_161 = tpu.vector_load %arg10[%swap3A_159, %swap3A_160] {strides = array<i32>} : memref<128x128xf32, #tpu.memory_space<vmem>>, vector<1x16xf32>,
        %swap3A_162 = vector.shape_cast %swap3A_161 : vector<1x16xf32> to vector<16xf32>
        %swap3A_163 = vector.shape_cast %max3A_158 : vector<16xf32> to vector<1x16xf32>
        tpu.vector_store %arg10[%swap3A_159, %swap3A_160], %swap3A_163 {strides = array<i32>} : memref<128x128xf32, #tpu.memory_space<vmem>>, vector<1x16xf32>,
        %get3A_164 = arith.index_cast %add3A_47 : i32 to index
        %get3A_165 = arith.constant 112 : index
        %get3A_166 = tpu.vector_load %arg10[%get3A_164, %get3A_165] {strides = array<i32>} : memref<128x128xf32, #tpu.memory_space<vmem>>, vector<1x16xf32>,
        %get3A_167 = vector.shape_cast %get3A_166 : vector<1x16xf32> to vector<16xf32>
        %get3A_168 = arith.index_cast %add3A_47 : i32 to index
        %get3A_169 = arith.constant 112 : index
        %get3A_170 = tpu.vector_load %arg9[%get3A_168, %get3A_169] {strides = array<i32>} : memref<128x128xf32, #tpu.memory_space<vmem>>, vector<1x16xf32>,
        %get3A_171 = vector.shape_cast %get3A_170 : vector<1x16xf32> to vector<16xf32>
        %add3A_172 = arith.addf %get3A_167, %get3A_171 : vector<16xf32>
        %max3A_173 = arith.constant 0.000000e+00 : f32
        %max3A_174 = vector.broadcast %max3A_173 : f32 to vector<16xf32>
        %max3A_175 = arith.maximumf %add3A_172, %max3A_174 : vector<16xf32>
        %swap3A_176 = arith.index_cast %add3A_47 : i32 to index
        %swap3A_177 = arith.constant 112 : index
        %swap3A_178 = tpu.vector_load %arg10[%swap3A_176, %swap3A_177] {strides = array<i32>} : memref<128x128xf32, #tpu.memory_space<vmem>>, vector<1x16xf32>,
        %swap3A_179 = vector.shape_cast %swap3A_178 : vector<1x16xf32> to vector<16xf32>
        %swap3A_180 = vector.shape_cast %max3A_175 : vector<16xf32> to vector<1x16xf32>
        tpu.vector_store %arg10[%swap3A_176, %swap3A_177], %swap3A_180 {strides = array<i32>} : memref<128x128xf32, #tpu.memory_space<vmem>>, vector<1x16xf32>,
      }
      %scan3A_42 = arith.constant 128 : i32
      "tpu.region"() ({
        %run_scoped3A = tpu.sem_alloc : memref<!tpu.dma_semaphore, #tpu.memory_space<semaphore_mem>>
        %dma_start3A_43 = arith.constant 0 : i32
        %dma_start3A_44 = arith.constant 0 : i32
        %dma_start3A_45 = tpu.memref_slice %arg11[%dma_start3A_43, %dma_start3A_44] : memref<10112x128xf32, #tpu.memory_space<vmem_shared>> -> memref<10112x128xf32, #tpu.memory_space<vmem_shared>>
        tpu.enqueue_indirect_dma source(%arg10 : memref<128x128xf32, #tpu.memory_space<vmem>>) target(%dma_start3A_45 : memref<10112x128xf32, #tpu.memory_space<vmem_shared>>) offsets(%arg8 : memref<128xi32, #tpu.memory_space<vmem>>) semaphore(%run_scoped3A : memref<!tpu.dma_semaphore, #tpu.memory_space<semaphore_mem>>) {add = true}
        %dma_wait3A_46 = arith.constant 0 : i32
        %dma_wait3A_47 = arith.constant 0 : i32
        %dma_wait3A_48 = tpu.memref_slice %arg11[%dma_wait3A_46, %dma_wait3A_47] : memref<10112x128xf32, #tpu.memory_space<vmem_shared>> -> memref<10112x128xf32, #tpu.memory_space<vmem_shared>>
        tpu.wait_indirect_dma semaphore(%run_scoped3A : memref<!tpu.dma_semaphore, #tpu.memory_space<semaphore_mem>>) src(%arg10 : memref<128x128xf32, #tpu.memory_space<vmem>>) dst(%dma_wait3A_48 : memref<10112x128xf32, #tpu.memory_space<vmem_shared>>)
        tpu.yield
      }) : () -> ()
    }
    %scan3A_24 = arith.constant 79 : i32
    %barrier3A_25 = arith.constant 0 : index
    tpu.barrier barrier_id(%barrier3A_25)
    "tpu.region"() ({
      %run_scoped3A = tpu.sem_alloc : memref<!tpu.dma_semaphore, #tpu.memory_space<semaphore_mem>>
      %dma_start3A = arith.constant 0 : i32
      %dma_start3A_26 = tpu.memref_slice %arg6[%arg0, %mul3A_4, %dma_start3A] : memref<2x10112x128xf32, #tpu.memory_space<hbm>> -> memref<1x632x128xf32, #tpu.memory_space<hbm>>
      %dma_start3A_27 = tpu.memref_squeeze %dma_start3A_26 : memref<1x632x128xf32, #tpu.memory_space<hbm>> -> memref<632x128xf32, #tpu.memory_space<hbm>>
      %dma_start3A_28 = arith.constant 0 : i32
      %dma_start3A_29 = tpu.memref_slice %arg11[%mul3A_4, %dma_start3A_28] : memref<10112x128xf32, #tpu.memory_space<vmem_shared>> -> memref<632x128xf32, #tpu.memory_space<vmem_shared>>
      tpu.enqueue_dma source(%dma_start3A_29 : memref<632x128xf32, #tpu.memory_space<vmem_shared>>) target(%dma_start3A_27 : memref<632x128xf32, #tpu.memory_space<hbm>>) target_semaphore(%run_scoped3A : memref<!tpu.dma_semaphore, #tpu.memory_space<semaphore_mem>>)
      %dma_wait3A = arith.constant 0 : i32
      %dma_wait3A_30 = tpu.memref_slice %arg6[%arg0, %mul3A_4, %dma_wait3A] : memref<2x10112x128xf32, #tpu.memory_space<hbm>> -> memref<1x632x128xf32, #tpu.memory_space<hbm>>
      %dma_wait3A_31 = tpu.memref_squeeze %dma_wait3A_30 : memref<1x632x128xf32, #tpu.memory_space<hbm>> -> memref<632x128xf32, #tpu.memory_space<hbm>>
      %dma_wait3A_32 = arith.constant 0 : i32
      %dma_wait3A_33 = tpu.memref_slice %arg11[%mul3A_4, %dma_wait3A_32] : memref<10112x128xf32, #tpu.memory_space<vmem_shared>> -> memref<632x128xf32, #tpu.memory_space<vmem_shared>>
      tpu.wait_dma2 semaphore(%run_scoped3A : memref<!tpu.dma_semaphore, #tpu.memory_space<semaphore_mem>>) src(%dma_wait3A_33 : memref<632x128xf32, #tpu.memory_space<vmem_shared>>) dst(%dma_wait3A_31 : memref<632x128xf32, #tpu.memory_space<hbm>>)
      tpu.yield
    }) : () -> ()
    return
  }
}

#map = affine_map<(d0, d1) -> (0, 0)>
#map1 = affine_map<(d0, d1) -> (0)>
#map2 = affine_map<(d0, d1) -> (0, 0, 0)>
module attributes {stable_mosaic.version = 14 : i64} {
  func.func @_agg_body(%arg0: i32, %arg1: i32, %arg2: memref<10000x128xf32, #tpu.memory_space<hbm>>, %arg3: memref<323584xi32, #tpu.memory_space<hbm>>, %arg4: memref<323584xi32, #tpu.memory_space<hbm>>, %arg5: memref<323584x128xf32, #tpu.memory_space<hbm>>, %arg6: memref<2x10112x128xf32, #tpu.memory_space<hbm>>, %arg7: memref<128xi32, #tpu.memory_space<vmem>>, %arg8: memref<128xi32, #tpu.memory_space<vmem>>, %arg9: memref<128x128xf32, #tpu.memory_space<vmem>>, %arg10: memref<128x128xf32, #tpu.memory_space<vmem>>, %arg11: memref<10112x128xf32, #tpu.memory_space<vmem_shared>>, %arg12: memref<!tpu.dma_semaphore, #tpu.memory_space<semaphore_mem>>) attributes {dimension_semantics = [#tpu.dimension_semantics<core_parallel>, #tpu.dimension_semantics<subcore_parallel>], iteration_bounds = array<i64: 2, 16>, scalar_prefetch = 0 : i64, scratch_operands = 6 : i64, tpu.core_type = #tpu.core_type<sc_vector_subcore>, window_params = [{transform_indices = #map}, {transform_indices = #map1}, {transform_indices = #map1}, {transform_indices = #map}, {transform_indices = #map2}]} {
    %mul3A = arith.constant 16 : i32
    %mul3A_0 = arith.muli %arg0, %mul3A : i32
    %add3A = arith.addi %mul3A_0, %arg1 : i32
    %mul3A_1 = arith.constant 10112 : i32
    %mul3A_2 = arith.muli %add3A, %mul3A_1 : i32
    %mul3A_3 = arith.constant 632 : i32
    %mul3A_4 = arith.muli %arg1, %mul3A_3 : i32
    %broadcast_in_dim3A = arith.constant 0.000000e+00 : f32
    %broadcast_in_dim3A_5 = vector.broadcast %broadcast_in_dim3A : f32 to vector<16xf32>
    %scan3A = arith.constant 0 : i32
    %scan3A_6 = arith.constant 128 : i32
    %scan3A_7 = arith.addi %scan3A, %scan3A_6 : i32
    %scan3A_8 = arith.constant 1 : i32
    scf.for %scan3A_26 = %scan3A to %scan3A_7 step %scan3A_8  : i32 {
      %mul3A_27 = arith.constant 1 : i32
      %mul3A_28 = arith.muli %scan3A_26, %mul3A_27 : i32
      %add3A_29 = arith.constant 0 : i32
      %add3A_30 = arith.addi %add3A_29, %mul3A_28 : i32
      %swap3A = arith.index_cast %add3A_30 : i32 to index
      %swap3A_31 = arith.constant 0 : index
      %swap3A_32 = tpu.vector_load %arg10[%swap3A, %swap3A_31] {strides = array<i32>} : memref<128x128xf32, #tpu.memory_space<vmem>>, vector<1x16xf32>,
      %swap3A_33 = vector.shape_cast %swap3A_32 : vector<1x16xf32> to vector<16xf32>
      %swap3A_34 = vector.shape_cast %broadcast_in_dim3A_5 : vector<16xf32> to vector<1x16xf32>
      tpu.vector_store %arg10[%swap3A, %swap3A_31], %swap3A_34 {strides = array<i32>} : memref<128x128xf32, #tpu.memory_space<vmem>>, vector<1x16xf32>,
      %swap3A_35 = arith.index_cast %add3A_30 : i32 to index
      %swap3A_36 = arith.constant 16 : index
      %swap3A_37 = tpu.vector_load %arg10[%swap3A_35, %swap3A_36] {strides = array<i32>} : memref<128x128xf32, #tpu.memory_space<vmem>>, vector<1x16xf32>,
      %swap3A_38 = vector.shape_cast %swap3A_37 : vector<1x16xf32> to vector<16xf32>
      %swap3A_39 = vector.shape_cast %broadcast_in_dim3A_5 : vector<16xf32> to vector<1x16xf32>
      tpu.vector_store %arg10[%swap3A_35, %swap3A_36], %swap3A_39 {strides = array<i32>} : memref<128x128xf32, #tpu.memory_space<vmem>>, vector<1x16xf32>,
      %swap3A_40 = arith.index_cast %add3A_30 : i32 to index
      %swap3A_41 = arith.constant 32 : index
      %swap3A_42 = tpu.vector_load %arg10[%swap3A_40, %swap3A_41] {strides = array<i32>} : memref<128x128xf32, #tpu.memory_space<vmem>>, vector<1x16xf32>,
      %swap3A_43 = vector.shape_cast %swap3A_42 : vector<1x16xf32> to vector<16xf32>
      %swap3A_44 = vector.shape_cast %broadcast_in_dim3A_5 : vector<16xf32> to vector<1x16xf32>
      tpu.vector_store %arg10[%swap3A_40, %swap3A_41], %swap3A_44 {strides = array<i32>} : memref<128x128xf32, #tpu.memory_space<vmem>>, vector<1x16xf32>,
      %swap3A_45 = arith.index_cast %add3A_30 : i32 to index
      %swap3A_46 = arith.constant 48 : index
      %swap3A_47 = tpu.vector_load %arg10[%swap3A_45, %swap3A_46] {strides = array<i32>} : memref<128x128xf32, #tpu.memory_space<vmem>>, vector<1x16xf32>,
      %swap3A_48 = vector.shape_cast %swap3A_47 : vector<1x16xf32> to vector<16xf32>
      %swap3A_49 = vector.shape_cast %broadcast_in_dim3A_5 : vector<16xf32> to vector<1x16xf32>
      tpu.vector_store %arg10[%swap3A_45, %swap3A_46], %swap3A_49 {strides = array<i32>} : memref<128x128xf32, #tpu.memory_space<vmem>>, vector<1x16xf32>,
      %swap3A_50 = arith.index_cast %add3A_30 : i32 to index
      %swap3A_51 = arith.constant 64 : index
      %swap3A_52 = tpu.vector_load %arg10[%swap3A_50, %swap3A_51] {strides = array<i32>} : memref<128x128xf32, #tpu.memory_space<vmem>>, vector<1x16xf32>,
      %swap3A_53 = vector.shape_cast %swap3A_52 : vector<1x16xf32> to vector<16xf32>
      %swap3A_54 = vector.shape_cast %broadcast_in_dim3A_5 : vector<16xf32> to vector<1x16xf32>
      tpu.vector_store %arg10[%swap3A_50, %swap3A_51], %swap3A_54 {strides = array<i32>} : memref<128x128xf32, #tpu.memory_space<vmem>>, vector<1x16xf32>,
      %swap3A_55 = arith.index_cast %add3A_30 : i32 to index
      %swap3A_56 = arith.constant 80 : index
      %swap3A_57 = tpu.vector_load %arg10[%swap3A_55, %swap3A_56] {strides = array<i32>} : memref<128x128xf32, #tpu.memory_space<vmem>>, vector<1x16xf32>,
      %swap3A_58 = vector.shape_cast %swap3A_57 : vector<1x16xf32> to vector<16xf32>
      %swap3A_59 = vector.shape_cast %broadcast_in_dim3A_5 : vector<16xf32> to vector<1x16xf32>
      tpu.vector_store %arg10[%swap3A_55, %swap3A_56], %swap3A_59 {strides = array<i32>} : memref<128x128xf32, #tpu.memory_space<vmem>>, vector<1x16xf32>,
      %swap3A_60 = arith.index_cast %add3A_30 : i32 to index
      %swap3A_61 = arith.constant 96 : index
      %swap3A_62 = tpu.vector_load %arg10[%swap3A_60, %swap3A_61] {strides = array<i32>} : memref<128x128xf32, #tpu.memory_space<vmem>>, vector<1x16xf32>,
      %swap3A_63 = vector.shape_cast %swap3A_62 : vector<1x16xf32> to vector<16xf32>
      %swap3A_64 = vector.shape_cast %broadcast_in_dim3A_5 : vector<16xf32> to vector<1x16xf32>
      tpu.vector_store %arg10[%swap3A_60, %swap3A_61], %swap3A_64 {strides = array<i32>} : memref<128x128xf32, #tpu.memory_space<vmem>>, vector<1x16xf32>,
      %swap3A_65 = arith.index_cast %add3A_30 : i32 to index
      %swap3A_66 = arith.constant 112 : index
      %swap3A_67 = tpu.vector_load %arg10[%swap3A_65, %swap3A_66] {strides = array<i32>} : memref<128x128xf32, #tpu.memory_space<vmem>>, vector<1x16xf32>,
      %swap3A_68 = vector.shape_cast %swap3A_67 : vector<1x16xf32> to vector<16xf32>
      %swap3A_69 = vector.shape_cast %broadcast_in_dim3A_5 : vector<16xf32> to vector<1x16xf32>
      tpu.vector_store %arg10[%swap3A_65, %swap3A_66], %swap3A_69 {strides = array<i32>} : memref<128x128xf32, #tpu.memory_space<vmem>>, vector<1x16xf32>,
    }
    %scan3A_9 = arith.constant 128 : i32
    %add3A_10 = arith.constant 0 : i32
    %add3A_11 = arith.addi %mul3A_4, %add3A_10 : i32
    "tpu.region"() ({
      %run_scoped3A = tpu.sem_alloc : memref<!tpu.dma_semaphore, #tpu.memory_space<semaphore_mem>>
      %dma_start3A = arith.constant 0 : i32
      %dma_start3A_26 = tpu.memref_slice %arg11[%add3A_11, %dma_start3A] : memref<10112x128xf32, #tpu.memory_space<vmem_shared>> -> memref<128x128xf32, #tpu.memory_space<vmem_shared>>
      %dma_start3A_27 = arith.constant 0 : i32
      %dma_start3A_28 = tpu.memref_slice %arg11[%add3A_11, %dma_start3A_27] : memref<10112x128xf32, #tpu.memory_space<vmem_shared>> -> memref<128x128xf32, #tpu.memory_space<vmem_shared>>
      tpu.enqueue_dma source(%arg10 : memref<128x128xf32, #tpu.memory_space<vmem>>) target(%dma_start3A_28 : memref<128x128xf32, #tpu.memory_space<vmem_shared>>) target_semaphore(%run_scoped3A : memref<!tpu.dma_semaphore, #tpu.memory_space<semaphore_mem>>)
      %dma_wait3A = arith.constant 0 : i32
      %dma_wait3A_29 = tpu.memref_slice %arg11[%add3A_11, %dma_wait3A] : memref<10112x128xf32, #tpu.memory_space<vmem_shared>> -> memref<128x128xf32, #tpu.memory_space<vmem_shared>>
      %dma_wait3A_30 = arith.constant 0 : i32
      %dma_wait3A_31 = tpu.memref_slice %arg11[%add3A_11, %dma_wait3A_30] : memref<10112x128xf32, #tpu.memory_space<vmem_shared>> -> memref<128x128xf32, #tpu.memory_space<vmem_shared>>
      tpu.wait_dma2 semaphore(%run_scoped3A : memref<!tpu.dma_semaphore, #tpu.memory_space<semaphore_mem>>) src(%arg10 : memref<128x128xf32, #tpu.memory_space<vmem>>) dst(%dma_wait3A_31 : memref<128x128xf32, #tpu.memory_space<vmem_shared>>)
      tpu.yield
    }) : () -> ()
    %add3A_12 = arith.constant 128 : i32
    %add3A_13 = arith.addi %mul3A_4, %add3A_12 : i32
    "tpu.region"() ({
      %run_scoped3A = tpu.sem_alloc : memref<!tpu.dma_semaphore, #tpu.memory_space<semaphore_mem>>
      %dma_start3A = arith.constant 0 : i32
      %dma_start3A_26 = tpu.memref_slice %arg11[%add3A_13, %dma_start3A] : memref<10112x128xf32, #tpu.memory_space<vmem_shared>> -> memref<128x128xf32, #tpu.memory_space<vmem_shared>>
      %dma_start3A_27 = arith.constant 0 : i32
      %dma_start3A_28 = tpu.memref_slice %arg11[%add3A_13, %dma_start3A_27] : memref<10112x128xf32, #tpu.memory_space<vmem_shared>> -> memref<128x128xf32, #tpu.memory_space<vmem_shared>>
      tpu.enqueue_dma source(%arg10 : memref<128x128xf32, #tpu.memory_space<vmem>>) target(%dma_start3A_28 : memref<128x128xf32, #tpu.memory_space<vmem_shared>>) target_semaphore(%run_scoped3A : memref<!tpu.dma_semaphore, #tpu.memory_space<semaphore_mem>>)
      %dma_wait3A = arith.constant 0 : i32
      %dma_wait3A_29 = tpu.memref_slice %arg11[%add3A_13, %dma_wait3A] : memref<10112x128xf32, #tpu.memory_space<vmem_shared>> -> memref<128x128xf32, #tpu.memory_space<vmem_shared>>
      %dma_wait3A_30 = arith.constant 0 : i32
      %dma_wait3A_31 = tpu.memref_slice %arg11[%add3A_13, %dma_wait3A_30] : memref<10112x128xf32, #tpu.memory_space<vmem_shared>> -> memref<128x128xf32, #tpu.memory_space<vmem_shared>>
      tpu.wait_dma2 semaphore(%run_scoped3A : memref<!tpu.dma_semaphore, #tpu.memory_space<semaphore_mem>>) src(%arg10 : memref<128x128xf32, #tpu.memory_space<vmem>>) dst(%dma_wait3A_31 : memref<128x128xf32, #tpu.memory_space<vmem_shared>>)
      tpu.yield
    }) : () -> ()
    %add3A_14 = arith.constant 256 : i32
    %add3A_15 = arith.addi %mul3A_4, %add3A_14 : i32
    "tpu.region"() ({
      %run_scoped3A = tpu.sem_alloc : memref<!tpu.dma_semaphore, #tpu.memory_space<semaphore_mem>>
      %dma_start3A = arith.constant 0 : i32
      %dma_start3A_26 = tpu.memref_slice %arg11[%add3A_15, %dma_start3A] : memref<10112x128xf32, #tpu.memory_space<vmem_shared>> -> memref<128x128xf32, #tpu.memory_space<vmem_shared>>
      %dma_start3A_27 = arith.constant 0 : i32
      %dma_start3A_28 = tpu.memref_slice %arg11[%add3A_15, %dma_start3A_27] : memref<10112x128xf32, #tpu.memory_space<vmem_shared>> -> memref<128x128xf32, #tpu.memory_space<vmem_shared>>
      tpu.enqueue_dma source(%arg10 : memref<128x128xf32, #tpu.memory_space<vmem>>) target(%dma_start3A_28 : memref<128x128xf32, #tpu.memory_space<vmem_shared>>) target_semaphore(%run_scoped3A : memref<!tpu.dma_semaphore, #tpu.memory_space<semaphore_mem>>)
      %dma_wait3A = arith.constant 0 : i32
      %dma_wait3A_29 = tpu.memref_slice %arg11[%add3A_15, %dma_wait3A] : memref<10112x128xf32, #tpu.memory_space<vmem_shared>> -> memref<128x128xf32, #tpu.memory_space<vmem_shared>>
      %dma_wait3A_30 = arith.constant 0 : i32
      %dma_wait3A_31 = tpu.memref_slice %arg11[%add3A_15, %dma_wait3A_30] : memref<10112x128xf32, #tpu.memory_space<vmem_shared>> -> memref<128x128xf32, #tpu.memory_space<vmem_shared>>
      tpu.wait_dma2 semaphore(%run_scoped3A : memref<!tpu.dma_semaphore, #tpu.memory_space<semaphore_mem>>) src(%arg10 : memref<128x128xf32, #tpu.memory_space<vmem>>) dst(%dma_wait3A_31 : memref<128x128xf32, #tpu.memory_space<vmem_shared>>)
      tpu.yield
    }) : () -> ()
    %add3A_16 = arith.constant 384 : i32
    %add3A_17 = arith.addi %mul3A_4, %add3A_16 : i32
    "tpu.region"() ({
      %run_scoped3A = tpu.sem_alloc : memref<!tpu.dma_semaphore, #tpu.memory_space<semaphore_mem>>
      %dma_start3A = arith.constant 0 : i32
      %dma_start3A_26 = tpu.memref_slice %arg11[%add3A_17, %dma_start3A] : memref<10112x128xf32, #tpu.memory_space<vmem_shared>> -> memref<128x128xf32, #tpu.memory_space<vmem_shared>>
      %dma_start3A_27 = arith.constant 0 : i32
      %dma_start3A_28 = tpu.memref_slice %arg11[%add3A_17, %dma_start3A_27] : memref<10112x128xf32, #tpu.memory_space<vmem_shared>> -> memref<128x128xf32, #tpu.memory_space<vmem_shared>>
      tpu.enqueue_dma source(%arg10 : memref<128x128xf32, #tpu.memory_space<vmem>>) target(%dma_start3A_28 : memref<128x128xf32, #tpu.memory_space<vmem_shared>>) target_semaphore(%run_scoped3A : memref<!tpu.dma_semaphore, #tpu.memory_space<semaphore_mem>>)
      %dma_wait3A = arith.constant 0 : i32
      %dma_wait3A_29 = tpu.memref_slice %arg11[%add3A_17, %dma_wait3A] : memref<10112x128xf32, #tpu.memory_space<vmem_shared>> -> memref<128x128xf32, #tpu.memory_space<vmem_shared>>
      %dma_wait3A_30 = arith.constant 0 : i32
      %dma_wait3A_31 = tpu.memref_slice %arg11[%add3A_17, %dma_wait3A_30] : memref<10112x128xf32, #tpu.memory_space<vmem_shared>> -> memref<128x128xf32, #tpu.memory_space<vmem_shared>>
      tpu.wait_dma2 semaphore(%run_scoped3A : memref<!tpu.dma_semaphore, #tpu.memory_space<semaphore_mem>>) src(%arg10 : memref<128x128xf32, #tpu.memory_space<vmem>>) dst(%dma_wait3A_31 : memref<128x128xf32, #tpu.memory_space<vmem_shared>>)
      tpu.yield
    }) : () -> ()
    %add3A_18 = arith.constant 512 : i32
    %add3A_19 = arith.addi %mul3A_4, %add3A_18 : i32
    "tpu.region"() ({
      %run_scoped3A = tpu.sem_alloc : memref<!tpu.dma_semaphore, #tpu.memory_space<semaphore_mem>>
      %dma_start3A = arith.constant 0 : i32
      %dma_start3A_26 = arith.constant 0 : i32
      %dma_start3A_27 = tpu.memref_slice %arg10[%dma_start3A, %dma_start3A_26] : memref<128x128xf32, #tpu.memory_space<vmem>> -> memref<120x128xf32, #tpu.memory_space<vmem>>
      %dma_start3A_28 = arith.constant 0 : i32
      %dma_start3A_29 = tpu.memref_slice %arg11[%add3A_19, %dma_start3A_28] : memref<10112x128xf32, #tpu.memory_space<vmem_shared>> -> memref<120x128xf32, #tpu.memory_space<vmem_shared>>
      %dma_start3A_30 = arith.constant 0 : i32
      %dma_start3A_31 = tpu.memref_slice %arg11[%add3A_19, %dma_start3A_30] : memref<10112x128xf32, #tpu.memory_space<vmem_shared>> -> memref<120x128xf32, #tpu.memory_space<vmem_shared>>
      %dma_start3A_32 = arith.constant 0 : i32
      %dma_start3A_33 = arith.constant 0 : i32
      %dma_start3A_34 = tpu.memref_slice %arg10[%dma_start3A_32, %dma_start3A_33] : memref<128x128xf32, #tpu.memory_space<vmem>> -> memref<120x128xf32, #tpu.memory_space<vmem>>
      tpu.enqueue_dma source(%dma_start3A_34 : memref<120x128xf32, #tpu.memory_space<vmem>>) target(%dma_start3A_31 : memref<120x128xf32, #tpu.memory_space<vmem_shared>>) target_semaphore(%run_scoped3A : memref<!tpu.dma_semaphore, #tpu.memory_space<semaphore_mem>>)
      %dma_wait3A = arith.constant 0 : i32
      %dma_wait3A_35 = arith.constant 0 : i32
      %dma_wait3A_36 = tpu.memref_slice %arg10[%dma_wait3A, %dma_wait3A_35] : memref<128x128xf32, #tpu.memory_space<vmem>> -> memref<120x128xf32, #tpu.memory_space<vmem>>
      %dma_wait3A_37 = arith.constant 0 : i32
      %dma_wait3A_38 = tpu.memref_slice %arg11[%add3A_19, %dma_wait3A_37] : memref<10112x128xf32, #tpu.memory_space<vmem_shared>> -> memref<120x128xf32, #tpu.memory_space<vmem_shared>>
      %dma_wait3A_39 = arith.constant 0 : i32
      %dma_wait3A_40 = tpu.memref_slice %arg11[%add3A_19, %dma_wait3A_39] : memref<10112x128xf32, #tpu.memory_space<vmem_shared>> -> memref<120x128xf32, #tpu.memory_space<vmem_shared>>
      %dma_wait3A_41 = arith.constant 0 : i32
      %dma_wait3A_42 = arith.constant 0 : i32
      %dma_wait3A_43 = tpu.memref_slice %arg10[%dma_wait3A_41, %dma_wait3A_42] : memref<128x128xf32, #tpu.memory_space<vmem>> -> memref<120x128xf32, #tpu.memory_space<vmem>>
      tpu.wait_dma2 semaphore(%run_scoped3A : memref<!tpu.dma_semaphore, #tpu.memory_space<semaphore_mem>>) src(%dma_wait3A_43 : memref<120x128xf32, #tpu.memory_space<vmem>>) dst(%dma_wait3A_40 : memref<120x128xf32, #tpu.memory_space<vmem_shared>>)
      tpu.yield
    }) : () -> ()
    %barrier3A = arith.constant 0 : index
    tpu.barrier barrier_id(%barrier3A)
    %scan3A_20 = arith.constant 0 : i32
    %scan3A_21 = arith.constant 79 : i32
    %scan3A_22 = arith.addi %scan3A_20, %scan3A_21 : i32
    %scan3A_23 = arith.constant 1 : i32
    scf.for %scan3A_26 = %scan3A_20 to %scan3A_22 step %scan3A_23  : i32 {
      %mul3A_27 = arith.constant 1 : i32
      %mul3A_28 = arith.muli %scan3A_26, %mul3A_27 : i32
      %add3A_29 = arith.constant 0 : i32
      %add3A_30 = arith.addi %add3A_29, %mul3A_28 : i32
      %mul3A_31 = arith.constant 128 : i32
      %mul3A_32 = arith.muli %add3A_30, %mul3A_31 : i32
      %add3A_33 = arith.addi %mul3A_2, %mul3A_32 : i32
      %multiple_of3A = tpu.assume_multiple %add3A_33, 128 : i32
      "tpu.region"() ({
        %run_scoped3A = tpu.sem_alloc : memref<!tpu.dma_semaphore, #tpu.memory_space<semaphore_mem>>
        %dma_start3A_43 = tpu.memref_slice %arg3[%multiple_of3A] : memref<323584xi32, #tpu.memory_space<hbm>> -> memref<128xi32, #tpu.memory_space<hbm>>
        %dma_start3A_44 = tpu.memref_slice %arg3[%multiple_of3A] : memref<323584xi32, #tpu.memory_space<hbm>> -> memref<128xi32, #tpu.memory_space<hbm>>
        tpu.enqueue_dma source(%dma_start3A_44 : memref<128xi32, #tpu.memory_space<hbm>>) target(%arg7 : memref<128xi32, #tpu.memory_space<vmem>>) target_semaphore(%run_scoped3A : memref<!tpu.dma_semaphore, #tpu.memory_space<semaphore_mem>>)
        %dma_wait3A_45 = tpu.memref_slice %arg3[%multiple_of3A] : memref<323584xi32, #tpu.memory_space<hbm>> -> memref<128xi32, #tpu.memory_space<hbm>>
        %dma_wait3A_46 = tpu.memref_slice %arg3[%multiple_of3A] : memref<323584xi32, #tpu.memory_space<hbm>> -> memref<128xi32, #tpu.memory_space<hbm>>
        tpu.wait_dma2 semaphore(%run_scoped3A : memref<!tpu.dma_semaphore, #tpu.memory_space<semaphore_mem>>) src(%dma_wait3A_46 : memref<128xi32, #tpu.memory_space<hbm>>) dst(%arg7 : memref<128xi32, #tpu.memory_space<vmem>>)
        tpu.yield
      }) : () -> ()
      "tpu.region"() ({
        %run_scoped3A = tpu.sem_alloc : memref<!tpu.dma_semaphore, #tpu.memory_space<semaphore_mem>>
        %dma_start3A_43 = tpu.memref_slice %arg4[%multiple_of3A] : memref<323584xi32, #tpu.memory_space<hbm>> -> memref<128xi32, #tpu.memory_space<hbm>>
        %dma_start3A_44 = tpu.memref_slice %arg4[%multiple_of3A] : memref<323584xi32, #tpu.memory_space<hbm>> -> memref<128xi32, #tpu.memory_space<hbm>>
        tpu.enqueue_dma source(%dma_start3A_44 : memref<128xi32, #tpu.memory_space<hbm>>) target(%arg8 : memref<128xi32, #tpu.memory_space<vmem>>) target_semaphore(%run_scoped3A : memref<!tpu.dma_semaphore, #tpu.memory_space<semaphore_mem>>)
        %dma_wait3A_45 = tpu.memref_slice %arg4[%multiple_of3A] : memref<323584xi32, #tpu.memory_space<hbm>> -> memref<128xi32, #tpu.memory_space<hbm>>
        %dma_wait3A_46 = tpu.memref_slice %arg4[%multiple_of3A] : memref<323584xi32, #tpu.memory_space<hbm>> -> memref<128xi32, #tpu.memory_space<hbm>>
        tpu.wait_dma2 semaphore(%run_scoped3A : memref<!tpu.dma_semaphore, #tpu.memory_space<semaphore_mem>>) src(%dma_wait3A_46 : memref<128xi32, #tpu.memory_space<hbm>>) dst(%arg8 : memref<128xi32, #tpu.memory_space<vmem>>)
        tpu.yield
      }) : () -> ()
      "tpu.region"() ({
        %run_scoped3A = tpu.sem_alloc : memref<!tpu.dma_semaphore, #tpu.memory_space<semaphore_mem>>
        %dma_start3A_43 = arith.constant 0 : i32
        %dma_start3A_44 = tpu.memref_slice %arg5[%multiple_of3A, %dma_start3A_43] : memref<323584x128xf32, #tpu.memory_space<hbm>> -> memref<128x128xf32, #tpu.memory_space<hbm>>
        %dma_start3A_45 = arith.constant 0 : i32
        %dma_start3A_46 = tpu.memref_slice %arg5[%multiple_of3A, %dma_start3A_45] : memref<323584x128xf32, #tpu.memory_space<hbm>> -> memref<128x128xf32, #tpu.memory_space<hbm>>
        tpu.enqueue_dma source(%dma_start3A_46 : memref<128x128xf32, #tpu.memory_space<hbm>>) target(%arg9 : memref<128x128xf32, #tpu.memory_space<vmem>>) target_semaphore(%run_scoped3A : memref<!tpu.dma_semaphore, #tpu.memory_space<semaphore_mem>>)
        %dma_wait3A_47 = arith.constant 0 : i32
        %dma_wait3A_48 = tpu.memref_slice %arg5[%multiple_of3A, %dma_wait3A_47] : memref<323584x128xf32, #tpu.memory_space<hbm>> -> memref<128x128xf32, #tpu.memory_space<hbm>>
        %dma_wait3A_49 = arith.constant 0 : i32
        %dma_wait3A_50 = tpu.memref_slice %arg5[%multiple_of3A, %dma_wait3A_49] : memref<323584x128xf32, #tpu.memory_space<hbm>> -> memref<128x128xf32, #tpu.memory_space<hbm>>
        tpu.wait_dma2 semaphore(%run_scoped3A : memref<!tpu.dma_semaphore, #tpu.memory_space<semaphore_mem>>) src(%dma_wait3A_50 : memref<128x128xf32, #tpu.memory_space<hbm>>) dst(%arg9 : memref<128x128xf32, #tpu.memory_space<vmem>>)
        tpu.yield
      }) : () -> ()
      %dma_start3A = arith.constant 0 : i32
      %dma_start3A_34 = arith.constant 0 : i32
      %dma_start3A_35 = tpu.memref_slice %arg2[%dma_start3A, %dma_start3A_34] : memref<10000x128xf32, #tpu.memory_space<hbm>> -> memref<10000x128xf32, #tpu.memory_space<hbm>>
      tpu.enqueue_indirect_dma source(%dma_start3A_35 : memref<10000x128xf32, #tpu.memory_space<hbm>>) target(%arg10 : memref<128x128xf32, #tpu.memory_space<vmem>>) offsets(%arg7 : memref<128xi32, #tpu.memory_space<vmem>>) semaphore(%arg12 : memref<!tpu.dma_semaphore, #tpu.memory_space<semaphore_mem>>)
      %dma_wait3A = arith.constant 0 : i32
      %dma_wait3A_36 = arith.constant 0 : i32
      %dma_wait3A_37 = tpu.memref_slice %arg2[%dma_wait3A, %dma_wait3A_36] : memref<10000x128xf32, #tpu.memory_space<hbm>> -> memref<10000x128xf32, #tpu.memory_space<hbm>>
      tpu.wait_indirect_dma semaphore(%arg12 : memref<!tpu.dma_semaphore, #tpu.memory_space<semaphore_mem>>) src(%dma_wait3A_37 : memref<10000x128xf32, #tpu.memory_space<hbm>>) dst(%arg10 : memref<128x128xf32, #tpu.memory_space<vmem>>)
      %scan3A_38 = arith.constant 0 : i32
      %scan3A_39 = arith.constant 128 : i32
      %scan3A_40 = arith.addi %scan3A_38, %scan3A_39 : i32
      %scan3A_41 = arith.constant 1 : i32
      scf.for %scan3A_43 = %scan3A_38 to %scan3A_40 step %scan3A_41  : i32 {
        %mul3A_44 = arith.constant 1 : i32
        %mul3A_45 = arith.muli %scan3A_43, %mul3A_44 : i32
        %add3A_46 = arith.constant 0 : i32
        %add3A_47 = arith.addi %add3A_46, %mul3A_45 : i32
        %get3A = arith.index_cast %add3A_47 : i32 to index
        %get3A_48 = arith.constant 0 : index
        %get3A_49 = tpu.vector_load %arg10[%get3A, %get3A_48] {strides = array<i32>} : memref<128x128xf32, #tpu.memory_space<vmem>>, vector<1x16xf32>,
        %get3A_50 = vector.shape_cast %get3A_49 : vector<1x16xf32> to vector<16xf32>
        %get3A_51 = arith.index_cast %add3A_47 : i32 to index
        %get3A_52 = arith.constant 0 : index
        %get3A_53 = tpu.vector_load %arg9[%get3A_51, %get3A_52] {strides = array<i32>} : memref<128x128xf32, #tpu.memory_space<vmem>>, vector<1x16xf32>,
        %get3A_54 = vector.shape_cast %get3A_53 : vector<1x16xf32> to vector<16xf32>
        %add3A_55 = arith.addf %get3A_50, %get3A_54 : vector<16xf32>
        %max3A = arith.constant 0.000000e+00 : f32
        %max3A_56 = vector.broadcast %max3A : f32 to vector<16xf32>
        %max3A_57 = arith.maximumf %add3A_55, %max3A_56 : vector<16xf32>
        %swap3A = arith.index_cast %add3A_47 : i32 to index
        %swap3A_58 = arith.constant 0 : index
        %swap3A_59 = tpu.vector_load %arg10[%swap3A, %swap3A_58] {strides = array<i32>} : memref<128x128xf32, #tpu.memory_space<vmem>>, vector<1x16xf32>,
        %swap3A_60 = vector.shape_cast %swap3A_59 : vector<1x16xf32> to vector<16xf32>
        %swap3A_61 = vector.shape_cast %max3A_57 : vector<16xf32> to vector<1x16xf32>
        tpu.vector_store %arg10[%swap3A, %swap3A_58], %swap3A_61 {strides = array<i32>} : memref<128x128xf32, #tpu.memory_space<vmem>>, vector<1x16xf32>,
        %get3A_62 = arith.index_cast %add3A_47 : i32 to index
        %get3A_63 = arith.constant 16 : index
        %get3A_64 = tpu.vector_load %arg10[%get3A_62, %get3A_63] {strides = array<i32>} : memref<128x128xf32, #tpu.memory_space<vmem>>, vector<1x16xf32>,
        %get3A_65 = vector.shape_cast %get3A_64 : vector<1x16xf32> to vector<16xf32>
        %get3A_66 = arith.index_cast %add3A_47 : i32 to index
        %get3A_67 = arith.constant 16 : index
        %get3A_68 = tpu.vector_load %arg9[%get3A_66, %get3A_67] {strides = array<i32>} : memref<128x128xf32, #tpu.memory_space<vmem>>, vector<1x16xf32>,
        %get3A_69 = vector.shape_cast %get3A_68 : vector<1x16xf32> to vector<16xf32>
        %add3A_70 = arith.addf %get3A_65, %get3A_69 : vector<16xf32>
        %max3A_71 = arith.constant 0.000000e+00 : f32
        %max3A_72 = vector.broadcast %max3A_71 : f32 to vector<16xf32>
        %max3A_73 = arith.maximumf %add3A_70, %max3A_72 : vector<16xf32>
        %swap3A_74 = arith.index_cast %add3A_47 : i32 to index
        %swap3A_75 = arith.constant 16 : index
        %swap3A_76 = tpu.vector_load %arg10[%swap3A_74, %swap3A_75] {strides = array<i32>} : memref<128x128xf32, #tpu.memory_space<vmem>>, vector<1x16xf32>,
        %swap3A_77 = vector.shape_cast %swap3A_76 : vector<1x16xf32> to vector<16xf32>
        %swap3A_78 = vector.shape_cast %max3A_73 : vector<16xf32> to vector<1x16xf32>
        tpu.vector_store %arg10[%swap3A_74, %swap3A_75], %swap3A_78 {strides = array<i32>} : memref<128x128xf32, #tpu.memory_space<vmem>>, vector<1x16xf32>,
        %get3A_79 = arith.index_cast %add3A_47 : i32 to index
        %get3A_80 = arith.constant 32 : index
        %get3A_81 = tpu.vector_load %arg10[%get3A_79, %get3A_80] {strides = array<i32>} : memref<128x128xf32, #tpu.memory_space<vmem>>, vector<1x16xf32>,
        %get3A_82 = vector.shape_cast %get3A_81 : vector<1x16xf32> to vector<16xf32>
        %get3A_83 = arith.index_cast %add3A_47 : i32 to index
        %get3A_84 = arith.constant 32 : index
        %get3A_85 = tpu.vector_load %arg9[%get3A_83, %get3A_84] {strides = array<i32>} : memref<128x128xf32, #tpu.memory_space<vmem>>, vector<1x16xf32>,
        %get3A_86 = vector.shape_cast %get3A_85 : vector<1x16xf32> to vector<16xf32>
        %add3A_87 = arith.addf %get3A_82, %get3A_86 : vector<16xf32>
        %max3A_88 = arith.constant 0.000000e+00 : f32
        %max3A_89 = vector.broadcast %max3A_88 : f32 to vector<16xf32>
        %max3A_90 = arith.maximumf %add3A_87, %max3A_89 : vector<16xf32>
        %swap3A_91 = arith.index_cast %add3A_47 : i32 to index
        %swap3A_92 = arith.constant 32 : index
        %swap3A_93 = tpu.vector_load %arg10[%swap3A_91, %swap3A_92] {strides = array<i32>} : memref<128x128xf32, #tpu.memory_space<vmem>>, vector<1x16xf32>,
        %swap3A_94 = vector.shape_cast %swap3A_93 : vector<1x16xf32> to vector<16xf32>
        %swap3A_95 = vector.shape_cast %max3A_90 : vector<16xf32> to vector<1x16xf32>
        tpu.vector_store %arg10[%swap3A_91, %swap3A_92], %swap3A_95 {strides = array<i32>} : memref<128x128xf32, #tpu.memory_space<vmem>>, vector<1x16xf32>,
        %get3A_96 = arith.index_cast %add3A_47 : i32 to index
        %get3A_97 = arith.constant 48 : index
        %get3A_98 = tpu.vector_load %arg10[%get3A_96, %get3A_97] {strides = array<i32>} : memref<128x128xf32, #tpu.memory_space<vmem>>, vector<1x16xf32>,
        %get3A_99 = vector.shape_cast %get3A_98 : vector<1x16xf32> to vector<16xf32>
        %get3A_100 = arith.index_cast %add3A_47 : i32 to index
        %get3A_101 = arith.constant 48 : index
        %get3A_102 = tpu.vector_load %arg9[%get3A_100, %get3A_101] {strides = array<i32>} : memref<128x128xf32, #tpu.memory_space<vmem>>, vector<1x16xf32>,
        %get3A_103 = vector.shape_cast %get3A_102 : vector<1x16xf32> to vector<16xf32>
        %add3A_104 = arith.addf %get3A_99, %get3A_103 : vector<16xf32>
        %max3A_105 = arith.constant 0.000000e+00 : f32
        %max3A_106 = vector.broadcast %max3A_105 : f32 to vector<16xf32>
        %max3A_107 = arith.maximumf %add3A_104, %max3A_106 : vector<16xf32>
        %swap3A_108 = arith.index_cast %add3A_47 : i32 to index
        %swap3A_109 = arith.constant 48 : index
        %swap3A_110 = tpu.vector_load %arg10[%swap3A_108, %swap3A_109] {strides = array<i32>} : memref<128x128xf32, #tpu.memory_space<vmem>>, vector<1x16xf32>,
        %swap3A_111 = vector.shape_cast %swap3A_110 : vector<1x16xf32> to vector<16xf32>
        %swap3A_112 = vector.shape_cast %max3A_107 : vector<16xf32> to vector<1x16xf32>
        tpu.vector_store %arg10[%swap3A_108, %swap3A_109], %swap3A_112 {strides = array<i32>} : memref<128x128xf32, #tpu.memory_space<vmem>>, vector<1x16xf32>,
        %get3A_113 = arith.index_cast %add3A_47 : i32 to index
        %get3A_114 = arith.constant 64 : index
        %get3A_115 = tpu.vector_load %arg10[%get3A_113, %get3A_114] {strides = array<i32>} : memref<128x128xf32, #tpu.memory_space<vmem>>, vector<1x16xf32>,
        %get3A_116 = vector.shape_cast %get3A_115 : vector<1x16xf32> to vector<16xf32>
        %get3A_117 = arith.index_cast %add3A_47 : i32 to index
        %get3A_118 = arith.constant 64 : index
        %get3A_119 = tpu.vector_load %arg9[%get3A_117, %get3A_118] {strides = array<i32>} : memref<128x128xf32, #tpu.memory_space<vmem>>, vector<1x16xf32>,
        %get3A_120 = vector.shape_cast %get3A_119 : vector<1x16xf32> to vector<16xf32>
        %add3A_121 = arith.addf %get3A_116, %get3A_120 : vector<16xf32>
        %max3A_122 = arith.constant 0.000000e+00 : f32
        %max3A_123 = vector.broadcast %max3A_122 : f32 to vector<16xf32>
        %max3A_124 = arith.maximumf %add3A_121, %max3A_123 : vector<16xf32>
        %swap3A_125 = arith.index_cast %add3A_47 : i32 to index
        %swap3A_126 = arith.constant 64 : index
        %swap3A_127 = tpu.vector_load %arg10[%swap3A_125, %swap3A_126] {strides = array<i32>} : memref<128x128xf32, #tpu.memory_space<vmem>>, vector<1x16xf32>,
        %swap3A_128 = vector.shape_cast %swap3A_127 : vector<1x16xf32> to vector<16xf32>
        %swap3A_129 = vector.shape_cast %max3A_124 : vector<16xf32> to vector<1x16xf32>
        tpu.vector_store %arg10[%swap3A_125, %swap3A_126], %swap3A_129 {strides = array<i32>} : memref<128x128xf32, #tpu.memory_space<vmem>>, vector<1x16xf32>,
        %get3A_130 = arith.index_cast %add3A_47 : i32 to index
        %get3A_131 = arith.constant 80 : index
        %get3A_132 = tpu.vector_load %arg10[%get3A_130, %get3A_131] {strides = array<i32>} : memref<128x128xf32, #tpu.memory_space<vmem>>, vector<1x16xf32>,
        %get3A_133 = vector.shape_cast %get3A_132 : vector<1x16xf32> to vector<16xf32>
        %get3A_134 = arith.index_cast %add3A_47 : i32 to index
        %get3A_135 = arith.constant 80 : index
        %get3A_136 = tpu.vector_load %arg9[%get3A_134, %get3A_135] {strides = array<i32>} : memref<128x128xf32, #tpu.memory_space<vmem>>, vector<1x16xf32>,
        %get3A_137 = vector.shape_cast %get3A_136 : vector<1x16xf32> to vector<16xf32>
        %add3A_138 = arith.addf %get3A_133, %get3A_137 : vector<16xf32>
        %max3A_139 = arith.constant 0.000000e+00 : f32
        %max3A_140 = vector.broadcast %max3A_139 : f32 to vector<16xf32>
        %max3A_141 = arith.maximumf %add3A_138, %max3A_140 : vector<16xf32>
        %swap3A_142 = arith.index_cast %add3A_47 : i32 to index
        %swap3A_143 = arith.constant 80 : index
        %swap3A_144 = tpu.vector_load %arg10[%swap3A_142, %swap3A_143] {strides = array<i32>} : memref<128x128xf32, #tpu.memory_space<vmem>>, vector<1x16xf32>,
        %swap3A_145 = vector.shape_cast %swap3A_144 : vector<1x16xf32> to vector<16xf32>
        %swap3A_146 = vector.shape_cast %max3A_141 : vector<16xf32> to vector<1x16xf32>
        tpu.vector_store %arg10[%swap3A_142, %swap3A_143], %swap3A_146 {strides = array<i32>} : memref<128x128xf32, #tpu.memory_space<vmem>>, vector<1x16xf32>,
        %get3A_147 = arith.index_cast %add3A_47 : i32 to index
        %get3A_148 = arith.constant 96 : index
        %get3A_149 = tpu.vector_load %arg10[%get3A_147, %get3A_148] {strides = array<i32>} : memref<128x128xf32, #tpu.memory_space<vmem>>, vector<1x16xf32>,
        %get3A_150 = vector.shape_cast %get3A_149 : vector<1x16xf32> to vector<16xf32>
        %get3A_151 = arith.index_cast %add3A_47 : i32 to index
        %get3A_152 = arith.constant 96 : index
        %get3A_153 = tpu.vector_load %arg9[%get3A_151, %get3A_152] {strides = array<i32>} : memref<128x128xf32, #tpu.memory_space<vmem>>, vector<1x16xf32>,
        %get3A_154 = vector.shape_cast %get3A_153 : vector<1x16xf32> to vector<16xf32>
        %add3A_155 = arith.addf %get3A_150, %get3A_154 : vector<16xf32>
        %max3A_156 = arith.constant 0.000000e+00 : f32
        %max3A_157 = vector.broadcast %max3A_156 : f32 to vector<16xf32>
        %max3A_158 = arith.maximumf %add3A_155, %max3A_157 : vector<16xf32>
        %swap3A_159 = arith.index_cast %add3A_47 : i32 to index
        %swap3A_160 = arith.constant 96 : index
        %swap3A_161 = tpu.vector_load %arg10[%swap3A_159, %swap3A_160] {strides = array<i32>} : memref<128x128xf32, #tpu.memory_space<vmem>>, vector<1x16xf32>,
        %swap3A_162 = vector.shape_cast %swap3A_161 : vector<1x16xf32> to vector<16xf32>
        %swap3A_163 = vector.shape_cast %max3A_158 : vector<16xf32> to vector<1x16xf32>
        tpu.vector_store %arg10[%swap3A_159, %swap3A_160], %swap3A_163 {strides = array<i32>} : memref<128x128xf32, #tpu.memory_space<vmem>>, vector<1x16xf32>,
        %get3A_164 = arith.index_cast %add3A_47 : i32 to index
        %get3A_165 = arith.constant 112 : index
        %get3A_166 = tpu.vector_load %arg10[%get3A_164, %get3A_165] {strides = array<i32>} : memref<128x128xf32, #tpu.memory_space<vmem>>, vector<1x16xf32>,
        %get3A_167 = vector.shape_cast %get3A_166 : vector<1x16xf32> to vector<16xf32>
        %get3A_168 = arith.index_cast %add3A_47 : i32 to index
        %get3A_169 = arith.constant 112 : index
        %get3A_170 = tpu.vector_load %arg9[%get3A_168, %get3A_169] {strides = array<i32>} : memref<128x128xf32, #tpu.memory_space<vmem>>, vector<1x16xf32>,
        %get3A_171 = vector.shape_cast %get3A_170 : vector<1x16xf32> to vector<16xf32>
        %add3A_172 = arith.addf %get3A_167, %get3A_171 : vector<16xf32>
        %max3A_173 = arith.constant 0.000000e+00 : f32
        %max3A_174 = vector.broadcast %max3A_173 : f32 to vector<16xf32>
        %max3A_175 = arith.maximumf %add3A_172, %max3A_174 : vector<16xf32>
        %swap3A_176 = arith.index_cast %add3A_47 : i32 to index
        %swap3A_177 = arith.constant 112 : index
        %swap3A_178 = tpu.vector_load %arg10[%swap3A_176, %swap3A_177] {strides = array<i32>} : memref<128x128xf32, #tpu.memory_space<vmem>>, vector<1x16xf32>,
        %swap3A_179 = vector.shape_cast %swap3A_178 : vector<1x16xf32> to vector<16xf32>
        %swap3A_180 = vector.shape_cast %max3A_175 : vector<16xf32> to vector<1x16xf32>
        tpu.vector_store %arg10[%swap3A_176, %swap3A_177], %swap3A_180 {strides = array<i32>} : memref<128x128xf32, #tpu.memory_space<vmem>>, vector<1x16xf32>,
      }
      %scan3A_42 = arith.constant 128 : i32
      "tpu.region"() ({
        %run_scoped3A = tpu.sem_alloc : memref<!tpu.dma_semaphore, #tpu.memory_space<semaphore_mem>>
        %dma_start3A_43 = arith.constant 0 : i32
        %dma_start3A_44 = arith.constant 0 : i32
        %dma_start3A_45 = tpu.memref_slice %arg11[%dma_start3A_43, %dma_start3A_44] : memref<10112x128xf32, #tpu.memory_space<vmem_shared>> -> memref<10112x128xf32, #tpu.memory_space<vmem_shared>>
        tpu.enqueue_indirect_dma source(%arg10 : memref<128x128xf32, #tpu.memory_space<vmem>>) target(%dma_start3A_45 : memref<10112x128xf32, #tpu.memory_space<vmem_shared>>) offsets(%arg8 : memref<128xi32, #tpu.memory_space<vmem>>) semaphore(%run_scoped3A : memref<!tpu.dma_semaphore, #tpu.memory_space<semaphore_mem>>) {add = true}
        %dma_wait3A_46 = arith.constant 0 : i32
        %dma_wait3A_47 = arith.constant 0 : i32
        %dma_wait3A_48 = tpu.memref_slice %arg11[%dma_wait3A_46, %dma_wait3A_47] : memref<10112x128xf32, #tpu.memory_space<vmem_shared>> -> memref<10112x128xf32, #tpu.memory_space<vmem_shared>>
        tpu.wait_indirect_dma semaphore(%run_scoped3A : memref<!tpu.dma_semaphore, #tpu.memory_space<semaphore_mem>>) src(%arg10 : memref<128x128xf32, #tpu.memory_space<vmem>>) dst(%dma_wait3A_48 : memref<10112x128xf32, #tpu.memory_space<vmem_shared>>)
        tpu.yield
      }) : () -> ()
    }
    %scan3A_24 = arith.constant 79 : i32
    %barrier3A_25 = arith.constant 0 : index
    tpu.barrier barrier_id(%barrier3A_25)
    "tpu.region"() ({
      %run_scoped3A = tpu.sem_alloc : memref<!tpu.dma_semaphore, #tpu.memory_space<semaphore_mem>>
      %dma_start3A = arith.constant 0 : i32
      %dma_start3A_26 = tpu.memref_slice %arg6[%arg0, %mul3A_4, %dma_start3A] : memref<2x10112x128xf32, #tpu.memory_space<hbm>> -> memref<1x632x128xf32, #tpu.memory_space<hbm>>
      %dma_start3A_27 = tpu.memref_squeeze %dma_start3A_26 : memref<1x632x128xf32, #tpu.memory_space<hbm>> -> memref<632x128xf32, #tpu.memory_space<hbm>>
      %dma_start3A_28 = arith.constant 0 : i32
      %dma_start3A_29 = tpu.memref_slice %arg11[%mul3A_4, %dma_start3A_28] : memref<10112x128xf32, #tpu.memory_space<vmem_shared>> -> memref<632x128xf32, #tpu.memory_space<vmem_shared>>
      tpu.enqueue_dma source(%dma_start3A_29 : memref<632x128xf32, #tpu.memory_space<vmem_shared>>) target(%dma_start3A_27 : memref<632x128xf32, #tpu.memory_space<hbm>>) target_semaphore(%run_scoped3A : memref<!tpu.dma_semaphore, #tpu.memory_space<semaphore_mem>>)
      %dma_wait3A = arith.constant 0 : i32
      %dma_wait3A_30 = tpu.memref_slice %arg6[%arg0, %mul3A_4, %dma_wait3A] : memref<2x10112x128xf32, #tpu.memory_space<hbm>> -> memref<1x632x128xf32, #tpu.memory_space<hbm>>
      %dma_wait3A_31 = tpu.memref_squeeze %dma_wait3A_30 : memref<1x632x128xf32, #tpu.memory_space<hbm>> -> memref<632x128xf32, #tpu.memory_space<hbm>>
      %dma_wait3A_32 = arith.constant 0 : i32
      %dma_wait3A_33 = tpu.memref_slice %arg11[%mul3A_4, %dma_wait3A_32] : memref<10112x128xf32, #tpu.memory_space<vmem_shared>> -> memref<632x128xf32, #tpu.memory_space<vmem_shared>>
      tpu.wait_dma2 semaphore(%run_scoped3A : memref<!tpu.dma_semaphore, #tpu.memory_space<semaphore_mem>>) src(%dma_wait3A_33 : memref<632x128xf32, #tpu.memory_space<vmem_shared>>) dst(%dma_wait3A_31 : memref<632x128xf32, #tpu.memory_space<hbm>>)
      tpu.yield
    }) : () -> ()
    return
  }
}

#map = affine_map<(d0, d1) -> (0, 0)>
#map1 = affine_map<(d0, d1) -> (0)>
#map2 = affine_map<(d0, d1) -> (0, 0, 0)>
module attributes {stable_mosaic.version = 14 : i64} {
  func.func @_agg_body(%arg0: i32, %arg1: i32, %arg2: memref<10000x128xf32, #tpu.memory_space<hbm>>, %arg3: memref<323584xi32, #tpu.memory_space<hbm>>, %arg4: memref<323584xi32, #tpu.memory_space<hbm>>, %arg5: memref<323584x128xf32, #tpu.memory_space<hbm>>, %arg6: memref<2x10112x128xf32, #tpu.memory_space<hbm>>, %arg7: memref<128xi32, #tpu.memory_space<vmem>>, %arg8: memref<128xi32, #tpu.memory_space<vmem>>, %arg9: memref<128x128xf32, #tpu.memory_space<vmem>>, %arg10: memref<128x128xf32, #tpu.memory_space<vmem>>, %arg11: memref<10112x128xf32, #tpu.memory_space<vmem_shared>>, %arg12: memref<!tpu.dma_semaphore, #tpu.memory_space<semaphore_mem>>) attributes {dimension_semantics = [#tpu.dimension_semantics<core_parallel>, #tpu.dimension_semantics<subcore_parallel>], iteration_bounds = array<i64: 2, 16>, scalar_prefetch = 0 : i64, scratch_operands = 6 : i64, tpu.core_type = #tpu.core_type<sc_vector_subcore>, window_params = [{transform_indices = #map}, {transform_indices = #map1}, {transform_indices = #map1}, {transform_indices = #map}, {transform_indices = #map2}]} {
    %mul3A = arith.constant 16 : i32
    %mul3A_0 = arith.muli %arg0, %mul3A : i32
    %add3A = arith.addi %mul3A_0, %arg1 : i32
    %mul3A_1 = arith.constant 10112 : i32
    %mul3A_2 = arith.muli %add3A, %mul3A_1 : i32
    %mul3A_3 = arith.constant 632 : i32
    %mul3A_4 = arith.muli %arg1, %mul3A_3 : i32
    %broadcast_in_dim3A = arith.constant 0.000000e+00 : f32
    %broadcast_in_dim3A_5 = vector.broadcast %broadcast_in_dim3A : f32 to vector<16xf32>
    %scan3A = arith.constant 0 : i32
    %scan3A_6 = arith.constant 128 : i32
    %scan3A_7 = arith.addi %scan3A, %scan3A_6 : i32
    %scan3A_8 = arith.constant 1 : i32
    scf.for %scan3A_26 = %scan3A to %scan3A_7 step %scan3A_8  : i32 {
      %mul3A_27 = arith.constant 1 : i32
      %mul3A_28 = arith.muli %scan3A_26, %mul3A_27 : i32
      %add3A_29 = arith.constant 0 : i32
      %add3A_30 = arith.addi %add3A_29, %mul3A_28 : i32
      %swap3A = arith.index_cast %add3A_30 : i32 to index
      %swap3A_31 = arith.constant 0 : index
      %swap3A_32 = tpu.vector_load %arg10[%swap3A, %swap3A_31] {strides = array<i32>} : memref<128x128xf32, #tpu.memory_space<vmem>>, vector<1x16xf32>,
      %swap3A_33 = vector.shape_cast %swap3A_32 : vector<1x16xf32> to vector<16xf32>
      %swap3A_34 = vector.shape_cast %broadcast_in_dim3A_5 : vector<16xf32> to vector<1x16xf32>
      tpu.vector_store %arg10[%swap3A, %swap3A_31], %swap3A_34 {strides = array<i32>} : memref<128x128xf32, #tpu.memory_space<vmem>>, vector<1x16xf32>,
      %swap3A_35 = arith.index_cast %add3A_30 : i32 to index
      %swap3A_36 = arith.constant 16 : index
      %swap3A_37 = tpu.vector_load %arg10[%swap3A_35, %swap3A_36] {strides = array<i32>} : memref<128x128xf32, #tpu.memory_space<vmem>>, vector<1x16xf32>,
      %swap3A_38 = vector.shape_cast %swap3A_37 : vector<1x16xf32> to vector<16xf32>
      %swap3A_39 = vector.shape_cast %broadcast_in_dim3A_5 : vector<16xf32> to vector<1x16xf32>
      tpu.vector_store %arg10[%swap3A_35, %swap3A_36], %swap3A_39 {strides = array<i32>} : memref<128x128xf32, #tpu.memory_space<vmem>>, vector<1x16xf32>,
      %swap3A_40 = arith.index_cast %add3A_30 : i32 to index
      %swap3A_41 = arith.constant 32 : index
      %swap3A_42 = tpu.vector_load %arg10[%swap3A_40, %swap3A_41] {strides = array<i32>} : memref<128x128xf32, #tpu.memory_space<vmem>>, vector<1x16xf32>,
      %swap3A_43 = vector.shape_cast %swap3A_42 : vector<1x16xf32> to vector<16xf32>
      %swap3A_44 = vector.shape_cast %broadcast_in_dim3A_5 : vector<16xf32> to vector<1x16xf32>
      tpu.vector_store %arg10[%swap3A_40, %swap3A_41], %swap3A_44 {strides = array<i32>} : memref<128x128xf32, #tpu.memory_space<vmem>>, vector<1x16xf32>,
      %swap3A_45 = arith.index_cast %add3A_30 : i32 to index
      %swap3A_46 = arith.constant 48 : index
      %swap3A_47 = tpu.vector_load %arg10[%swap3A_45, %swap3A_46] {strides = array<i32>} : memref<128x128xf32, #tpu.memory_space<vmem>>, vector<1x16xf32>,
      %swap3A_48 = vector.shape_cast %swap3A_47 : vector<1x16xf32> to vector<16xf32>
      %swap3A_49 = vector.shape_cast %broadcast_in_dim3A_5 : vector<16xf32> to vector<1x16xf32>
      tpu.vector_store %arg10[%swap3A_45, %swap3A_46], %swap3A_49 {strides = array<i32>} : memref<128x128xf32, #tpu.memory_space<vmem>>, vector<1x16xf32>,
      %swap3A_50 = arith.index_cast %add3A_30 : i32 to index
      %swap3A_51 = arith.constant 64 : index
      %swap3A_52 = tpu.vector_load %arg10[%swap3A_50, %swap3A_51] {strides = array<i32>} : memref<128x128xf32, #tpu.memory_space<vmem>>, vector<1x16xf32>,
      %swap3A_53 = vector.shape_cast %swap3A_52 : vector<1x16xf32> to vector<16xf32>
      %swap3A_54 = vector.shape_cast %broadcast_in_dim3A_5 : vector<16xf32> to vector<1x16xf32>
      tpu.vector_store %arg10[%swap3A_50, %swap3A_51], %swap3A_54 {strides = array<i32>} : memref<128x128xf32, #tpu.memory_space<vmem>>, vector<1x16xf32>,
      %swap3A_55 = arith.index_cast %add3A_30 : i32 to index
      %swap3A_56 = arith.constant 80 : index
      %swap3A_57 = tpu.vector_load %arg10[%swap3A_55, %swap3A_56] {strides = array<i32>} : memref<128x128xf32, #tpu.memory_space<vmem>>, vector<1x16xf32>,
      %swap3A_58 = vector.shape_cast %swap3A_57 : vector<1x16xf32> to vector<16xf32>
      %swap3A_59 = vector.shape_cast %broadcast_in_dim3A_5 : vector<16xf32> to vector<1x16xf32>
      tpu.vector_store %arg10[%swap3A_55, %swap3A_56], %swap3A_59 {strides = array<i32>} : memref<128x128xf32, #tpu.memory_space<vmem>>, vector<1x16xf32>,
      %swap3A_60 = arith.index_cast %add3A_30 : i32 to index
      %swap3A_61 = arith.constant 96 : index
      %swap3A_62 = tpu.vector_load %arg10[%swap3A_60, %swap3A_61] {strides = array<i32>} : memref<128x128xf32, #tpu.memory_space<vmem>>, vector<1x16xf32>,
      %swap3A_63 = vector.shape_cast %swap3A_62 : vector<1x16xf32> to vector<16xf32>
      %swap3A_64 = vector.shape_cast %broadcast_in_dim3A_5 : vector<16xf32> to vector<1x16xf32>
      tpu.vector_store %arg10[%swap3A_60, %swap3A_61], %swap3A_64 {strides = array<i32>} : memref<128x128xf32, #tpu.memory_space<vmem>>, vector<1x16xf32>,
      %swap3A_65 = arith.index_cast %add3A_30 : i32 to index
      %swap3A_66 = arith.constant 112 : index
      %swap3A_67 = tpu.vector_load %arg10[%swap3A_65, %swap3A_66] {strides = array<i32>} : memref<128x128xf32, #tpu.memory_space<vmem>>, vector<1x16xf32>,
      %swap3A_68 = vector.shape_cast %swap3A_67 : vector<1x16xf32> to vector<16xf32>
      %swap3A_69 = vector.shape_cast %broadcast_in_dim3A_5 : vector<16xf32> to vector<1x16xf32>
      tpu.vector_store %arg10[%swap3A_65, %swap3A_66], %swap3A_69 {strides = array<i32>} : memref<128x128xf32, #tpu.memory_space<vmem>>, vector<1x16xf32>,
    }
    %scan3A_9 = arith.constant 128 : i32
    %add3A_10 = arith.constant 0 : i32
    %add3A_11 = arith.addi %mul3A_4, %add3A_10 : i32
    "tpu.region"() ({
      %run_scoped3A = tpu.sem_alloc : memref<!tpu.dma_semaphore, #tpu.memory_space<semaphore_mem>>
      %dma_start3A = arith.constant 0 : i32
      %dma_start3A_26 = tpu.memref_slice %arg11[%add3A_11, %dma_start3A] : memref<10112x128xf32, #tpu.memory_space<vmem_shared>> -> memref<128x128xf32, #tpu.memory_space<vmem_shared>>
      %dma_start3A_27 = arith.constant 0 : i32
      %dma_start3A_28 = tpu.memref_slice %arg11[%add3A_11, %dma_start3A_27] : memref<10112x128xf32, #tpu.memory_space<vmem_shared>> -> memref<128x128xf32, #tpu.memory_space<vmem_shared>>
      tpu.enqueue_dma source(%arg10 : memref<128x128xf32, #tpu.memory_space<vmem>>) target(%dma_start3A_28 : memref<128x128xf32, #tpu.memory_space<vmem_shared>>) target_semaphore(%run_scoped3A : memref<!tpu.dma_semaphore, #tpu.memory_space<semaphore_mem>>)
      %dma_wait3A = arith.constant 0 : i32
      %dma_wait3A_29 = tpu.memref_slice %arg11[%add3A_11, %dma_wait3A] : memref<10112x128xf32, #tpu.memory_space<vmem_shared>> -> memref<128x128xf32, #tpu.memory_space<vmem_shared>>
      %dma_wait3A_30 = arith.constant 0 : i32
      %dma_wait3A_31 = tpu.memref_slice %arg11[%add3A_11, %dma_wait3A_30] : memref<10112x128xf32, #tpu.memory_space<vmem_shared>> -> memref<128x128xf32, #tpu.memory_space<vmem_shared>>
      tpu.wait_dma2 semaphore(%run_scoped3A : memref<!tpu.dma_semaphore, #tpu.memory_space<semaphore_mem>>) src(%arg10 : memref<128x128xf32, #tpu.memory_space<vmem>>) dst(%dma_wait3A_31 : memref<128x128xf32, #tpu.memory_space<vmem_shared>>)
      tpu.yield
    }) : () -> ()
    %add3A_12 = arith.constant 128 : i32
    %add3A_13 = arith.addi %mul3A_4, %add3A_12 : i32
    "tpu.region"() ({
      %run_scoped3A = tpu.sem_alloc : memref<!tpu.dma_semaphore, #tpu.memory_space<semaphore_mem>>
      %dma_start3A = arith.constant 0 : i32
      %dma_start3A_26 = tpu.memref_slice %arg11[%add3A_13, %dma_start3A] : memref<10112x128xf32, #tpu.memory_space<vmem_shared>> -> memref<128x128xf32, #tpu.memory_space<vmem_shared>>
      %dma_start3A_27 = arith.constant 0 : i32
      %dma_start3A_28 = tpu.memref_slice %arg11[%add3A_13, %dma_start3A_27] : memref<10112x128xf32, #tpu.memory_space<vmem_shared>> -> memref<128x128xf32, #tpu.memory_space<vmem_shared>>
      tpu.enqueue_dma source(%arg10 : memref<128x128xf32, #tpu.memory_space<vmem>>) target(%dma_start3A_28 : memref<128x128xf32, #tpu.memory_space<vmem_shared>>) target_semaphore(%run_scoped3A : memref<!tpu.dma_semaphore, #tpu.memory_space<semaphore_mem>>)
      %dma_wait3A = arith.constant 0 : i32
      %dma_wait3A_29 = tpu.memref_slice %arg11[%add3A_13, %dma_wait3A] : memref<10112x128xf32, #tpu.memory_space<vmem_shared>> -> memref<128x128xf32, #tpu.memory_space<vmem_shared>>
      %dma_wait3A_30 = arith.constant 0 : i32
      %dma_wait3A_31 = tpu.memref_slice %arg11[%add3A_13, %dma_wait3A_30] : memref<10112x128xf32, #tpu.memory_space<vmem_shared>> -> memref<128x128xf32, #tpu.memory_space<vmem_shared>>
      tpu.wait_dma2 semaphore(%run_scoped3A : memref<!tpu.dma_semaphore, #tpu.memory_space<semaphore_mem>>) src(%arg10 : memref<128x128xf32, #tpu.memory_space<vmem>>) dst(%dma_wait3A_31 : memref<128x128xf32, #tpu.memory_space<vmem_shared>>)
      tpu.yield
    }) : () -> ()
    %add3A_14 = arith.constant 256 : i32
    %add3A_15 = arith.addi %mul3A_4, %add3A_14 : i32
    "tpu.region"() ({
      %run_scoped3A = tpu.sem_alloc : memref<!tpu.dma_semaphore, #tpu.memory_space<semaphore_mem>>
      %dma_start3A = arith.constant 0 : i32
      %dma_start3A_26 = tpu.memref_slice %arg11[%add3A_15, %dma_start3A] : memref<10112x128xf32, #tpu.memory_space<vmem_shared>> -> memref<128x128xf32, #tpu.memory_space<vmem_shared>>
      %dma_start3A_27 = arith.constant 0 : i32
      %dma_start3A_28 = tpu.memref_slice %arg11[%add3A_15, %dma_start3A_27] : memref<10112x128xf32, #tpu.memory_space<vmem_shared>> -> memref<128x128xf32, #tpu.memory_space<vmem_shared>>
      tpu.enqueue_dma source(%arg10 : memref<128x128xf32, #tpu.memory_space<vmem>>) target(%dma_start3A_28 : memref<128x128xf32, #tpu.memory_space<vmem_shared>>) target_semaphore(%run_scoped3A : memref<!tpu.dma_semaphore, #tpu.memory_space<semaphore_mem>>)
      %dma_wait3A = arith.constant 0 : i32
      %dma_wait3A_29 = tpu.memref_slice %arg11[%add3A_15, %dma_wait3A] : memref<10112x128xf32, #tpu.memory_space<vmem_shared>> -> memref<128x128xf32, #tpu.memory_space<vmem_shared>>
      %dma_wait3A_30 = arith.constant 0 : i32
      %dma_wait3A_31 = tpu.memref_slice %arg11[%add3A_15, %dma_wait3A_30] : memref<10112x128xf32, #tpu.memory_space<vmem_shared>> -> memref<128x128xf32, #tpu.memory_space<vmem_shared>>
      tpu.wait_dma2 semaphore(%run_scoped3A : memref<!tpu.dma_semaphore, #tpu.memory_space<semaphore_mem>>) src(%arg10 : memref<128x128xf32, #tpu.memory_space<vmem>>) dst(%dma_wait3A_31 : memref<128x128xf32, #tpu.memory_space<vmem_shared>>)
      tpu.yield
    }) : () -> ()
    %add3A_16 = arith.constant 384 : i32
    %add3A_17 = arith.addi %mul3A_4, %add3A_16 : i32
    "tpu.region"() ({
      %run_scoped3A = tpu.sem_alloc : memref<!tpu.dma_semaphore, #tpu.memory_space<semaphore_mem>>
      %dma_start3A = arith.constant 0 : i32
      %dma_start3A_26 = tpu.memref_slice %arg11[%add3A_17, %dma_start3A] : memref<10112x128xf32, #tpu.memory_space<vmem_shared>> -> memref<128x128xf32, #tpu.memory_space<vmem_shared>>
      %dma_start3A_27 = arith.constant 0 : i32
      %dma_start3A_28 = tpu.memref_slice %arg11[%add3A_17, %dma_start3A_27] : memref<10112x128xf32, #tpu.memory_space<vmem_shared>> -> memref<128x128xf32, #tpu.memory_space<vmem_shared>>
      tpu.enqueue_dma source(%arg10 : memref<128x128xf32, #tpu.memory_space<vmem>>) target(%dma_start3A_28 : memref<128x128xf32, #tpu.memory_space<vmem_shared>>) target_semaphore(%run_scoped3A : memref<!tpu.dma_semaphore, #tpu.memory_space<semaphore_mem>>)
      %dma_wait3A = arith.constant 0 : i32
      %dma_wait3A_29 = tpu.memref_slice %arg11[%add3A_17, %dma_wait3A] : memref<10112x128xf32, #tpu.memory_space<vmem_shared>> -> memref<128x128xf32, #tpu.memory_space<vmem_shared>>
      %dma_wait3A_30 = arith.constant 0 : i32
      %dma_wait3A_31 = tpu.memref_slice %arg11[%add3A_17, %dma_wait3A_30] : memref<10112x128xf32, #tpu.memory_space<vmem_shared>> -> memref<128x128xf32, #tpu.memory_space<vmem_shared>>
      tpu.wait_dma2 semaphore(%run_scoped3A : memref<!tpu.dma_semaphore, #tpu.memory_space<semaphore_mem>>) src(%arg10 : memref<128x128xf32, #tpu.memory_space<vmem>>) dst(%dma_wait3A_31 : memref<128x128xf32, #tpu.memory_space<vmem_shared>>)
      tpu.yield
    }) : () -> ()
    %add3A_18 = arith.constant 512 : i32
    %add3A_19 = arith.addi %mul3A_4, %add3A_18 : i32
    "tpu.region"() ({
      %run_scoped3A = tpu.sem_alloc : memref<!tpu.dma_semaphore, #tpu.memory_space<semaphore_mem>>
      %dma_start3A = arith.constant 0 : i32
      %dma_start3A_26 = arith.constant 0 : i32
      %dma_start3A_27 = tpu.memref_slice %arg10[%dma_start3A, %dma_start3A_26] : memref<128x128xf32, #tpu.memory_space<vmem>> -> memref<120x128xf32, #tpu.memory_space<vmem>>
      %dma_start3A_28 = arith.constant 0 : i32
      %dma_start3A_29 = tpu.memref_slice %arg11[%add3A_19, %dma_start3A_28] : memref<10112x128xf32, #tpu.memory_space<vmem_shared>> -> memref<120x128xf32, #tpu.memory_space<vmem_shared>>
      %dma_start3A_30 = arith.constant 0 : i32
      %dma_start3A_31 = tpu.memref_slice %arg11[%add3A_19, %dma_start3A_30] : memref<10112x128xf32, #tpu.memory_space<vmem_shared>> -> memref<120x128xf32, #tpu.memory_space<vmem_shared>>
      %dma_start3A_32 = arith.constant 0 : i32
      %dma_start3A_33 = arith.constant 0 : i32
      %dma_start3A_34 = tpu.memref_slice %arg10[%dma_start3A_32, %dma_start3A_33] : memref<128x128xf32, #tpu.memory_space<vmem>> -> memref<120x128xf32, #tpu.memory_space<vmem>>
      tpu.enqueue_dma source(%dma_start3A_34 : memref<120x128xf32, #tpu.memory_space<vmem>>) target(%dma_start3A_31 : memref<120x128xf32, #tpu.memory_space<vmem_shared>>) target_semaphore(%run_scoped3A : memref<!tpu.dma_semaphore, #tpu.memory_space<semaphore_mem>>)
      %dma_wait3A = arith.constant 0 : i32
      %dma_wait3A_35 = arith.constant 0 : i32
      %dma_wait3A_36 = tpu.memref_slice %arg10[%dma_wait3A, %dma_wait3A_35] : memref<128x128xf32, #tpu.memory_space<vmem>> -> memref<120x128xf32, #tpu.memory_space<vmem>>
      %dma_wait3A_37 = arith.constant 0 : i32
      %dma_wait3A_38 = tpu.memref_slice %arg11[%add3A_19, %dma_wait3A_37] : memref<10112x128xf32, #tpu.memory_space<vmem_shared>> -> memref<120x128xf32, #tpu.memory_space<vmem_shared>>
      %dma_wait3A_39 = arith.constant 0 : i32
      %dma_wait3A_40 = tpu.memref_slice %arg11[%add3A_19, %dma_wait3A_39] : memref<10112x128xf32, #tpu.memory_space<vmem_shared>> -> memref<120x128xf32, #tpu.memory_space<vmem_shared>>
      %dma_wait3A_41 = arith.constant 0 : i32
      %dma_wait3A_42 = arith.constant 0 : i32
      %dma_wait3A_43 = tpu.memref_slice %arg10[%dma_wait3A_41, %dma_wait3A_42] : memref<128x128xf32, #tpu.memory_space<vmem>> -> memref<120x128xf32, #tpu.memory_space<vmem>>
      tpu.wait_dma2 semaphore(%run_scoped3A : memref<!tpu.dma_semaphore, #tpu.memory_space<semaphore_mem>>) src(%dma_wait3A_43 : memref<120x128xf32, #tpu.memory_space<vmem>>) dst(%dma_wait3A_40 : memref<120x128xf32, #tpu.memory_space<vmem_shared>>)
      tpu.yield
    }) : () -> ()
    %barrier3A = arith.constant 0 : index
    tpu.barrier barrier_id(%barrier3A)
    %scan3A_20 = arith.constant 0 : i32
    %scan3A_21 = arith.constant 79 : i32
    %scan3A_22 = arith.addi %scan3A_20, %scan3A_21 : i32
    %scan3A_23 = arith.constant 1 : i32
    scf.for %scan3A_26 = %scan3A_20 to %scan3A_22 step %scan3A_23  : i32 {
      %mul3A_27 = arith.constant 1 : i32
      %mul3A_28 = arith.muli %scan3A_26, %mul3A_27 : i32
      %add3A_29 = arith.constant 0 : i32
      %add3A_30 = arith.addi %add3A_29, %mul3A_28 : i32
      %mul3A_31 = arith.constant 128 : i32
      %mul3A_32 = arith.muli %add3A_30, %mul3A_31 : i32
      %add3A_33 = arith.addi %mul3A_2, %mul3A_32 : i32
      %multiple_of3A = tpu.assume_multiple %add3A_33, 128 : i32
      "tpu.region"() ({
        %run_scoped3A = tpu.sem_alloc : memref<!tpu.dma_semaphore, #tpu.memory_space<semaphore_mem>>
        %dma_start3A_43 = tpu.memref_slice %arg3[%multiple_of3A] : memref<323584xi32, #tpu.memory_space<hbm>> -> memref<128xi32, #tpu.memory_space<hbm>>
        %dma_start3A_44 = tpu.memref_slice %arg3[%multiple_of3A] : memref<323584xi32, #tpu.memory_space<hbm>> -> memref<128xi32, #tpu.memory_space<hbm>>
        tpu.enqueue_dma source(%dma_start3A_44 : memref<128xi32, #tpu.memory_space<hbm>>) target(%arg7 : memref<128xi32, #tpu.memory_space<vmem>>) target_semaphore(%run_scoped3A : memref<!tpu.dma_semaphore, #tpu.memory_space<semaphore_mem>>)
        %dma_wait3A_45 = tpu.memref_slice %arg3[%multiple_of3A] : memref<323584xi32, #tpu.memory_space<hbm>> -> memref<128xi32, #tpu.memory_space<hbm>>
        %dma_wait3A_46 = tpu.memref_slice %arg3[%multiple_of3A] : memref<323584xi32, #tpu.memory_space<hbm>> -> memref<128xi32, #tpu.memory_space<hbm>>
        tpu.wait_dma2 semaphore(%run_scoped3A : memref<!tpu.dma_semaphore, #tpu.memory_space<semaphore_mem>>) src(%dma_wait3A_46 : memref<128xi32, #tpu.memory_space<hbm>>) dst(%arg7 : memref<128xi32, #tpu.memory_space<vmem>>)
        tpu.yield
      }) : () -> ()
      "tpu.region"() ({
        %run_scoped3A = tpu.sem_alloc : memref<!tpu.dma_semaphore, #tpu.memory_space<semaphore_mem>>
        %dma_start3A_43 = tpu.memref_slice %arg4[%multiple_of3A] : memref<323584xi32, #tpu.memory_space<hbm>> -> memref<128xi32, #tpu.memory_space<hbm>>
        %dma_start3A_44 = tpu.memref_slice %arg4[%multiple_of3A] : memref<323584xi32, #tpu.memory_space<hbm>> -> memref<128xi32, #tpu.memory_space<hbm>>
        tpu.enqueue_dma source(%dma_start3A_44 : memref<128xi32, #tpu.memory_space<hbm>>) target(%arg8 : memref<128xi32, #tpu.memory_space<vmem>>) target_semaphore(%run_scoped3A : memref<!tpu.dma_semaphore, #tpu.memory_space<semaphore_mem>>)
        %dma_wait3A_45 = tpu.memref_slice %arg4[%multiple_of3A] : memref<323584xi32, #tpu.memory_space<hbm>> -> memref<128xi32, #tpu.memory_space<hbm>>
        %dma_wait3A_46 = tpu.memref_slice %arg4[%multiple_of3A] : memref<323584xi32, #tpu.memory_space<hbm>> -> memref<128xi32, #tpu.memory_space<hbm>>
        tpu.wait_dma2 semaphore(%run_scoped3A : memref<!tpu.dma_semaphore, #tpu.memory_space<semaphore_mem>>) src(%dma_wait3A_46 : memref<128xi32, #tpu.memory_space<hbm>>) dst(%arg8 : memref<128xi32, #tpu.memory_space<vmem>>)
        tpu.yield
      }) : () -> ()
      "tpu.region"() ({
        %run_scoped3A = tpu.sem_alloc : memref<!tpu.dma_semaphore, #tpu.memory_space<semaphore_mem>>
        %dma_start3A_43 = arith.constant 0 : i32
        %dma_start3A_44 = tpu.memref_slice %arg5[%multiple_of3A, %dma_start3A_43] : memref<323584x128xf32, #tpu.memory_space<hbm>> -> memref<128x128xf32, #tpu.memory_space<hbm>>
        %dma_start3A_45 = arith.constant 0 : i32
        %dma_start3A_46 = tpu.memref_slice %arg5[%multiple_of3A, %dma_start3A_45] : memref<323584x128xf32, #tpu.memory_space<hbm>> -> memref<128x128xf32, #tpu.memory_space<hbm>>
        tpu.enqueue_dma source(%dma_start3A_46 : memref<128x128xf32, #tpu.memory_space<hbm>>) target(%arg9 : memref<128x128xf32, #tpu.memory_space<vmem>>) target_semaphore(%run_scoped3A : memref<!tpu.dma_semaphore, #tpu.memory_space<semaphore_mem>>)
        %dma_wait3A_47 = arith.constant 0 : i32
        %dma_wait3A_48 = tpu.memref_slice %arg5[%multiple_of3A, %dma_wait3A_47] : memref<323584x128xf32, #tpu.memory_space<hbm>> -> memref<128x128xf32, #tpu.memory_space<hbm>>
        %dma_wait3A_49 = arith.constant 0 : i32
        %dma_wait3A_50 = tpu.memref_slice %arg5[%multiple_of3A, %dma_wait3A_49] : memref<323584x128xf32, #tpu.memory_space<hbm>> -> memref<128x128xf32, #tpu.memory_space<hbm>>
        tpu.wait_dma2 semaphore(%run_scoped3A : memref<!tpu.dma_semaphore, #tpu.memory_space<semaphore_mem>>) src(%dma_wait3A_50 : memref<128x128xf32, #tpu.memory_space<hbm>>) dst(%arg9 : memref<128x128xf32, #tpu.memory_space<vmem>>)
        tpu.yield
      }) : () -> ()
      %dma_start3A = arith.constant 0 : i32
      %dma_start3A_34 = arith.constant 0 : i32
      %dma_start3A_35 = tpu.memref_slice %arg2[%dma_start3A, %dma_start3A_34] : memref<10000x128xf32, #tpu.memory_space<hbm>> -> memref<10000x128xf32, #tpu.memory_space<hbm>>
      tpu.enqueue_indirect_dma source(%dma_start3A_35 : memref<10000x128xf32, #tpu.memory_space<hbm>>) target(%arg10 : memref<128x128xf32, #tpu.memory_space<vmem>>) offsets(%arg7 : memref<128xi32, #tpu.memory_space<vmem>>) semaphore(%arg12 : memref<!tpu.dma_semaphore, #tpu.memory_space<semaphore_mem>>)
      %dma_wait3A = arith.constant 0 : i32
      %dma_wait3A_36 = arith.constant 0 : i32
      %dma_wait3A_37 = tpu.memref_slice %arg2[%dma_wait3A, %dma_wait3A_36] : memref<10000x128xf32, #tpu.memory_space<hbm>> -> memref<10000x128xf32, #tpu.memory_space<hbm>>
      tpu.wait_indirect_dma semaphore(%arg12 : memref<!tpu.dma_semaphore, #tpu.memory_space<semaphore_mem>>) src(%dma_wait3A_37 : memref<10000x128xf32, #tpu.memory_space<hbm>>) dst(%arg10 : memref<128x128xf32, #tpu.memory_space<vmem>>)
      %scan3A_38 = arith.constant 0 : i32
      %scan3A_39 = arith.constant 128 : i32
      %scan3A_40 = arith.addi %scan3A_38, %scan3A_39 : i32
      %scan3A_41 = arith.constant 1 : i32
      scf.for %scan3A_43 = %scan3A_38 to %scan3A_40 step %scan3A_41  : i32 {
        %mul3A_44 = arith.constant 1 : i32
        %mul3A_45 = arith.muli %scan3A_43, %mul3A_44 : i32
        %add3A_46 = arith.constant 0 : i32
        %add3A_47 = arith.addi %add3A_46, %mul3A_45 : i32
        %get3A = arith.index_cast %add3A_47 : i32 to index
        %get3A_48 = arith.constant 0 : index
        %get3A_49 = tpu.vector_load %arg10[%get3A, %get3A_48] {strides = array<i32>} : memref<128x128xf32, #tpu.memory_space<vmem>>, vector<1x16xf32>,
        %get3A_50 = vector.shape_cast %get3A_49 : vector<1x16xf32> to vector<16xf32>
        %get3A_51 = arith.index_cast %add3A_47 : i32 to index
        %get3A_52 = arith.constant 0 : index
        %get3A_53 = tpu.vector_load %arg9[%get3A_51, %get3A_52] {strides = array<i32>} : memref<128x128xf32, #tpu.memory_space<vmem>>, vector<1x16xf32>,
        %get3A_54 = vector.shape_cast %get3A_53 : vector<1x16xf32> to vector<16xf32>
        %add3A_55 = arith.addf %get3A_50, %get3A_54 : vector<16xf32>
        %max3A = arith.constant 0.000000e+00 : f32
        %max3A_56 = vector.broadcast %max3A : f32 to vector<16xf32>
        %max3A_57 = arith.maximumf %add3A_55, %max3A_56 : vector<16xf32>
        %swap3A = arith.index_cast %add3A_47 : i32 to index
        %swap3A_58 = arith.constant 0 : index
        %swap3A_59 = tpu.vector_load %arg10[%swap3A, %swap3A_58] {strides = array<i32>} : memref<128x128xf32, #tpu.memory_space<vmem>>, vector<1x16xf32>,
        %swap3A_60 = vector.shape_cast %swap3A_59 : vector<1x16xf32> to vector<16xf32>
        %swap3A_61 = vector.shape_cast %max3A_57 : vector<16xf32> to vector<1x16xf32>
        tpu.vector_store %arg10[%swap3A, %swap3A_58], %swap3A_61 {strides = array<i32>} : memref<128x128xf32, #tpu.memory_space<vmem>>, vector<1x16xf32>,
        %get3A_62 = arith.index_cast %add3A_47 : i32 to index
        %get3A_63 = arith.constant 16 : index
        %get3A_64 = tpu.vector_load %arg10[%get3A_62, %get3A_63] {strides = array<i32>} : memref<128x128xf32, #tpu.memory_space<vmem>>, vector<1x16xf32>,
        %get3A_65 = vector.shape_cast %get3A_64 : vector<1x16xf32> to vector<16xf32>
        %get3A_66 = arith.index_cast %add3A_47 : i32 to index
        %get3A_67 = arith.constant 16 : index
        %get3A_68 = tpu.vector_load %arg9[%get3A_66, %get3A_67] {strides = array<i32>} : memref<128x128xf32, #tpu.memory_space<vmem>>, vector<1x16xf32>,
        %get3A_69 = vector.shape_cast %get3A_68 : vector<1x16xf32> to vector<16xf32>
        %add3A_70 = arith.addf %get3A_65, %get3A_69 : vector<16xf32>
        %max3A_71 = arith.constant 0.000000e+00 : f32
        %max3A_72 = vector.broadcast %max3A_71 : f32 to vector<16xf32>
        %max3A_73 = arith.maximumf %add3A_70, %max3A_72 : vector<16xf32>
        %swap3A_74 = arith.index_cast %add3A_47 : i32 to index
        %swap3A_75 = arith.constant 16 : index
        %swap3A_76 = tpu.vector_load %arg10[%swap3A_74, %swap3A_75] {strides = array<i32>} : memref<128x128xf32, #tpu.memory_space<vmem>>, vector<1x16xf32>,
        %swap3A_77 = vector.shape_cast %swap3A_76 : vector<1x16xf32> to vector<16xf32>
        %swap3A_78 = vector.shape_cast %max3A_73 : vector<16xf32> to vector<1x16xf32>
        tpu.vector_store %arg10[%swap3A_74, %swap3A_75], %swap3A_78 {strides = array<i32>} : memref<128x128xf32, #tpu.memory_space<vmem>>, vector<1x16xf32>,
        %get3A_79 = arith.index_cast %add3A_47 : i32 to index
        %get3A_80 = arith.constant 32 : index
        %get3A_81 = tpu.vector_load %arg10[%get3A_79, %get3A_80] {strides = array<i32>} : memref<128x128xf32, #tpu.memory_space<vmem>>, vector<1x16xf32>,
        %get3A_82 = vector.shape_cast %get3A_81 : vector<1x16xf32> to vector<16xf32>
        %get3A_83 = arith.index_cast %add3A_47 : i32 to index
        %get3A_84 = arith.constant 32 : index
        %get3A_85 = tpu.vector_load %arg9[%get3A_83, %get3A_84] {strides = array<i32>} : memref<128x128xf32, #tpu.memory_space<vmem>>, vector<1x16xf32>,
        %get3A_86 = vector.shape_cast %get3A_85 : vector<1x16xf32> to vector<16xf32>
        %add3A_87 = arith.addf %get3A_82, %get3A_86 : vector<16xf32>
        %max3A_88 = arith.constant 0.000000e+00 : f32
        %max3A_89 = vector.broadcast %max3A_88 : f32 to vector<16xf32>
        %max3A_90 = arith.maximumf %add3A_87, %max3A_89 : vector<16xf32>
        %swap3A_91 = arith.index_cast %add3A_47 : i32 to index
        %swap3A_92 = arith.constant 32 : index
        %swap3A_93 = tpu.vector_load %arg10[%swap3A_91, %swap3A_92] {strides = array<i32>} : memref<128x128xf32, #tpu.memory_space<vmem>>, vector<1x16xf32>,
        %swap3A_94 = vector.shape_cast %swap3A_93 : vector<1x16xf32> to vector<16xf32>
        %swap3A_95 = vector.shape_cast %max3A_90 : vector<16xf32> to vector<1x16xf32>
        tpu.vector_store %arg10[%swap3A_91, %swap3A_92], %swap3A_95 {strides = array<i32>} : memref<128x128xf32, #tpu.memory_space<vmem>>, vector<1x16xf32>,
        %get3A_96 = arith.index_cast %add3A_47 : i32 to index
        %get3A_97 = arith.constant 48 : index
        %get3A_98 = tpu.vector_load %arg10[%get3A_96, %get3A_97] {strides = array<i32>} : memref<128x128xf32, #tpu.memory_space<vmem>>, vector<1x16xf32>,
        %get3A_99 = vector.shape_cast %get3A_98 : vector<1x16xf32> to vector<16xf32>
        %get3A_100 = arith.index_cast %add3A_47 : i32 to index
        %get3A_101 = arith.constant 48 : index
        %get3A_102 = tpu.vector_load %arg9[%get3A_100, %get3A_101] {strides = array<i32>} : memref<128x128xf32, #tpu.memory_space<vmem>>, vector<1x16xf32>,
        %get3A_103 = vector.shape_cast %get3A_102 : vector<1x16xf32> to vector<16xf32>
        %add3A_104 = arith.addf %get3A_99, %get3A_103 : vector<16xf32>
        %max3A_105 = arith.constant 0.000000e+00 : f32
        %max3A_106 = vector.broadcast %max3A_105 : f32 to vector<16xf32>
        %max3A_107 = arith.maximumf %add3A_104, %max3A_106 : vector<16xf32>
        %swap3A_108 = arith.index_cast %add3A_47 : i32 to index
        %swap3A_109 = arith.constant 48 : index
        %swap3A_110 = tpu.vector_load %arg10[%swap3A_108, %swap3A_109] {strides = array<i32>} : memref<128x128xf32, #tpu.memory_space<vmem>>, vector<1x16xf32>,
        %swap3A_111 = vector.shape_cast %swap3A_110 : vector<1x16xf32> to vector<16xf32>
        %swap3A_112 = vector.shape_cast %max3A_107 : vector<16xf32> to vector<1x16xf32>
        tpu.vector_store %arg10[%swap3A_108, %swap3A_109], %swap3A_112 {strides = array<i32>} : memref<128x128xf32, #tpu.memory_space<vmem>>, vector<1x16xf32>,
        %get3A_113 = arith.index_cast %add3A_47 : i32 to index
        %get3A_114 = arith.constant 64 : index
        %get3A_115 = tpu.vector_load %arg10[%get3A_113, %get3A_114] {strides = array<i32>} : memref<128x128xf32, #tpu.memory_space<vmem>>, vector<1x16xf32>,
        %get3A_116 = vector.shape_cast %get3A_115 : vector<1x16xf32> to vector<16xf32>
        %get3A_117 = arith.index_cast %add3A_47 : i32 to index
        %get3A_118 = arith.constant 64 : index
        %get3A_119 = tpu.vector_load %arg9[%get3A_117, %get3A_118] {strides = array<i32>} : memref<128x128xf32, #tpu.memory_space<vmem>>, vector<1x16xf32>,
        %get3A_120 = vector.shape_cast %get3A_119 : vector<1x16xf32> to vector<16xf32>
        %add3A_121 = arith.addf %get3A_116, %get3A_120 : vector<16xf32>
        %max3A_122 = arith.constant 0.000000e+00 : f32
        %max3A_123 = vector.broadcast %max3A_122 : f32 to vector<16xf32>
        %max3A_124 = arith.maximumf %add3A_121, %max3A_123 : vector<16xf32>
        %swap3A_125 = arith.index_cast %add3A_47 : i32 to index
        %swap3A_126 = arith.constant 64 : index
        %swap3A_127 = tpu.vector_load %arg10[%swap3A_125, %swap3A_126] {strides = array<i32>} : memref<128x128xf32, #tpu.memory_space<vmem>>, vector<1x16xf32>,
        %swap3A_128 = vector.shape_cast %swap3A_127 : vector<1x16xf32> to vector<16xf32>
        %swap3A_129 = vector.shape_cast %max3A_124 : vector<16xf32> to vector<1x16xf32>
        tpu.vector_store %arg10[%swap3A_125, %swap3A_126], %swap3A_129 {strides = array<i32>} : memref<128x128xf32, #tpu.memory_space<vmem>>, vector<1x16xf32>,
        %get3A_130 = arith.index_cast %add3A_47 : i32 to index
        %get3A_131 = arith.constant 80 : index
        %get3A_132 = tpu.vector_load %arg10[%get3A_130, %get3A_131] {strides = array<i32>} : memref<128x128xf32, #tpu.memory_space<vmem>>, vector<1x16xf32>,
        %get3A_133 = vector.shape_cast %get3A_132 : vector<1x16xf32> to vector<16xf32>
        %get3A_134 = arith.index_cast %add3A_47 : i32 to index
        %get3A_135 = arith.constant 80 : index
        %get3A_136 = tpu.vector_load %arg9[%get3A_134, %get3A_135] {strides = array<i32>} : memref<128x128xf32, #tpu.memory_space<vmem>>, vector<1x16xf32>,
        %get3A_137 = vector.shape_cast %get3A_136 : vector<1x16xf32> to vector<16xf32>
        %add3A_138 = arith.addf %get3A_133, %get3A_137 : vector<16xf32>
        %max3A_139 = arith.constant 0.000000e+00 : f32
        %max3A_140 = vector.broadcast %max3A_139 : f32 to vector<16xf32>
        %max3A_141 = arith.maximumf %add3A_138, %max3A_140 : vector<16xf32>
        %swap3A_142 = arith.index_cast %add3A_47 : i32 to index
        %swap3A_143 = arith.constant 80 : index
        %swap3A_144 = tpu.vector_load %arg10[%swap3A_142, %swap3A_143] {strides = array<i32>} : memref<128x128xf32, #tpu.memory_space<vmem>>, vector<1x16xf32>,
        %swap3A_145 = vector.shape_cast %swap3A_144 : vector<1x16xf32> to vector<16xf32>
        %swap3A_146 = vector.shape_cast %max3A_141 : vector<16xf32> to vector<1x16xf32>
        tpu.vector_store %arg10[%swap3A_142, %swap3A_143], %swap3A_146 {strides = array<i32>} : memref<128x128xf32, #tpu.memory_space<vmem>>, vector<1x16xf32>,
        %get3A_147 = arith.index_cast %add3A_47 : i32 to index
        %get3A_148 = arith.constant 96 : index
        %get3A_149 = tpu.vector_load %arg10[%get3A_147, %get3A_148] {strides = array<i32>} : memref<128x128xf32, #tpu.memory_space<vmem>>, vector<1x16xf32>,
        %get3A_150 = vector.shape_cast %get3A_149 : vector<1x16xf32> to vector<16xf32>
        %get3A_151 = arith.index_cast %add3A_47 : i32 to index
        %get3A_152 = arith.constant 96 : index
        %get3A_153 = tpu.vector_load %arg9[%get3A_151, %get3A_152] {strides = array<i32>} : memref<128x128xf32, #tpu.memory_space<vmem>>, vector<1x16xf32>,
        %get3A_154 = vector.shape_cast %get3A_153 : vector<1x16xf32> to vector<16xf32>
        %add3A_155 = arith.addf %get3A_150, %get3A_154 : vector<16xf32>
        %max3A_156 = arith.constant 0.000000e+00 : f32
        %max3A_157 = vector.broadcast %max3A_156 : f32 to vector<16xf32>
        %max3A_158 = arith.maximumf %add3A_155, %max3A_157 : vector<16xf32>
        %swap3A_159 = arith.index_cast %add3A_47 : i32 to index
        %swap3A_160 = arith.constant 96 : index
        %swap3A_161 = tpu.vector_load %arg10[%swap3A_159, %swap3A_160] {strides = array<i32>} : memref<128x128xf32, #tpu.memory_space<vmem>>, vector<1x16xf32>,
        %swap3A_162 = vector.shape_cast %swap3A_161 : vector<1x16xf32> to vector<16xf32>
        %swap3A_163 = vector.shape_cast %max3A_158 : vector<16xf32> to vector<1x16xf32>
        tpu.vector_store %arg10[%swap3A_159, %swap3A_160], %swap3A_163 {strides = array<i32>} : memref<128x128xf32, #tpu.memory_space<vmem>>, vector<1x16xf32>,
        %get3A_164 = arith.index_cast %add3A_47 : i32 to index
        %get3A_165 = arith.constant 112 : index
        %get3A_166 = tpu.vector_load %arg10[%get3A_164, %get3A_165] {strides = array<i32>} : memref<128x128xf32, #tpu.memory_space<vmem>>, vector<1x16xf32>,
        %get3A_167 = vector.shape_cast %get3A_166 : vector<1x16xf32> to vector<16xf32>
        %get3A_168 = arith.index_cast %add3A_47 : i32 to index
        %get3A_169 = arith.constant 112 : index
        %get3A_170 = tpu.vector_load %arg9[%get3A_168, %get3A_169] {strides = array<i32>} : memref<128x128xf32, #tpu.memory_space<vmem>>, vector<1x16xf32>,
        %get3A_171 = vector.shape_cast %get3A_170 : vector<1x16xf32> to vector<16xf32>
        %add3A_172 = arith.addf %get3A_167, %get3A_171 : vector<16xf32>
        %max3A_173 = arith.constant 0.000000e+00 : f32
        %max3A_174 = vector.broadcast %max3A_173 : f32 to vector<16xf32>
        %max3A_175 = arith.maximumf %add3A_172, %max3A_174 : vector<16xf32>
        %swap3A_176 = arith.index_cast %add3A_47 : i32 to index
        %swap3A_177 = arith.constant 112 : index
        %swap3A_178 = tpu.vector_load %arg10[%swap3A_176, %swap3A_177] {strides = array<i32>} : memref<128x128xf32, #tpu.memory_space<vmem>>, vector<1x16xf32>,
        %swap3A_179 = vector.shape_cast %swap3A_178 : vector<1x16xf32> to vector<16xf32>
        %swap3A_180 = vector.shape_cast %max3A_175 : vector<16xf32> to vector<1x16xf32>
        tpu.vector_store %arg10[%swap3A_176, %swap3A_177], %swap3A_180 {strides = array<i32>} : memref<128x128xf32, #tpu.memory_space<vmem>>, vector<1x16xf32>,
      }
      %scan3A_42 = arith.constant 128 : i32
      "tpu.region"() ({
        %run_scoped3A = tpu.sem_alloc : memref<!tpu.dma_semaphore, #tpu.memory_space<semaphore_mem>>
        %dma_start3A_43 = arith.constant 0 : i32
        %dma_start3A_44 = arith.constant 0 : i32
        %dma_start3A_45 = tpu.memref_slice %arg11[%dma_start3A_43, %dma_start3A_44] : memref<10112x128xf32, #tpu.memory_space<vmem_shared>> -> memref<10112x128xf32, #tpu.memory_space<vmem_shared>>
        tpu.enqueue_indirect_dma source(%arg10 : memref<128x128xf32, #tpu.memory_space<vmem>>) target(%dma_start3A_45 : memref<10112x128xf32, #tpu.memory_space<vmem_shared>>) offsets(%arg8 : memref<128xi32, #tpu.memory_space<vmem>>) semaphore(%run_scoped3A : memref<!tpu.dma_semaphore, #tpu.memory_space<semaphore_mem>>) {add = true}
        %dma_wait3A_46 = arith.constant 0 : i32
        %dma_wait3A_47 = arith.constant 0 : i32
        %dma_wait3A_48 = tpu.memref_slice %arg11[%dma_wait3A_46, %dma_wait3A_47] : memref<10112x128xf32, #tpu.memory_space<vmem_shared>> -> memref<10112x128xf32, #tpu.memory_space<vmem_shared>>
        tpu.wait_indirect_dma semaphore(%run_scoped3A : memref<!tpu.dma_semaphore, #tpu.memory_space<semaphore_mem>>) src(%arg10 : memref<128x128xf32, #tpu.memory_space<vmem>>) dst(%dma_wait3A_48 : memref<10112x128xf32, #tpu.memory_space<vmem_shared>>)
        tpu.yield
      }) : () -> ()
    }
    %scan3A_24 = arith.constant 79 : i32
    %barrier3A_25 = arith.constant 0 : index
    tpu.barrier barrier_id(%barrier3A_25)
    "tpu.region"() ({
      %run_scoped3A = tpu.sem_alloc : memref<!tpu.dma_semaphore, #tpu.memory_space<semaphore_mem>>
      %dma_start3A = arith.constant 0 : i32
      %dma_start3A_26 = tpu.memref_slice %arg6[%arg0, %mul3A_4, %dma_start3A] : memref<2x10112x128xf32, #tpu.memory_space<hbm>> -> memref<1x632x128xf32, #tpu.memory_space<hbm>>
      %dma_start3A_27 = tpu.memref_squeeze %dma_start3A_26 : memref<1x632x128xf32, #tpu.memory_space<hbm>> -> memref<632x128xf32, #tpu.memory_space<hbm>>
      %dma_start3A_28 = arith.constant 0 : i32
      %dma_start3A_29 = tpu.memref_slice %arg11[%mul3A_4, %dma_start3A_28] : memref<10112x128xf32, #tpu.memory_space<vmem_shared>> -> memref<632x128xf32, #tpu.memory_space<vmem_shared>>
      tpu.enqueue_dma source(%dma_start3A_29 : memref<632x128xf32, #tpu.memory_space<vmem_shared>>) target(%dma_start3A_27 : memref<632x128xf32, #tpu.memory_space<hbm>>) target_semaphore(%run_scoped3A : memref<!tpu.dma_semaphore, #tpu.memory_space<semaphore_mem>>)
      %dma_wait3A = arith.constant 0 : i32
      %dma_wait3A_30 = tpu.memref_slice %arg6[%arg0, %mul3A_4, %dma_wait3A] : memref<2x10112x128xf32, #tpu.memory_space<hbm>> -> memref<1x632x128xf32, #tpu.memory_space<hbm>>
      %dma_wait3A_31 = tpu.memref_squeeze %dma_wait3A_30 : memref<1x632x128xf32, #tpu.memory_space<hbm>> -> memref<632x128xf32, #tpu.memory_space<hbm>>
      %dma_wait3A_32 = arith.constant 0 : i32
      %dma_wait3A_33 = tpu.memref_slice %arg11[%mul3A_4, %dma_wait3A_32] : memref<10112x128xf32, #tpu.memory_space<vmem_shared>> -> memref<632x128xf32, #tpu.memory_space<vmem_shared>>
      tpu.wait_dma2 semaphore(%run_scoped3A : memref<!tpu.dma_semaphore, #tpu.memory_space<semaphore_mem>>) src(%dma_wait3A_33 : memref<632x128xf32, #tpu.memory_space<vmem_shared>>) dst(%dma_wait3A_31 : memref<632x128xf32, #tpu.memory_space<hbm>>)
      tpu.yield
    }) : () -> ()
    return
  }
}

module attributes {stable_mosaic.version = 14 : i64} {
  func.func @_fc_body(%arg0: memref<10000x128xf32, #tpu.memory_space<vmem>>, %arg1: memref<128x128xf32, #tpu.memory_space<vmem>>, %arg2: memref<10000x128xf32, #tpu.memory_space<vmem>>) attributes {dimension_semantics = [], scalar_prefetch = 0 : i64, scratch_operands = 0 : i64, tpu.core_type = #tpu.core_type<tc>} {
    %get3A = arith.constant 0 : index
    %get3A_0 = arith.constant 0 : index
    %get3A_1 = vector.load %arg0[%get3A, %get3A_0] : memref<10000x128xf32, #tpu.memory_space<vmem>>, vector<10000x128xf32>
    %get3A_2 = arith.constant 0 : index
    %get3A_3 = arith.constant 0 : index
    %get3A_4 = vector.load %arg1[%get3A_2, %get3A_3] : memref<128x128xf32, #tpu.memory_space<vmem>>, vector<128x128xf32>
    %dot_general3A = arith.constant dense<0.000000e+00> : vector<10000x128xf32>
    %dot_general3A_5 = tpu.matmul %get3A_1, %get3A_4, %dot_general3A {dimension_numbers = #tpu.dot_dimension_numbers<[1], [0], [0], [1], [0, 0, 1, 1], [], []>, transpose_lhs_hint = false} : vector<10000x128xf32>, vector<128x128xf32>, vector<10000x128xf32> -> vector<10000x128xf32>
    %swap3A = arith.constant 0 : index
    %swap3A_6 = arith.constant 0 : index
    %swap3A_7 = vector.load %arg2[%swap3A, %swap3A_6] : memref<10000x128xf32, #tpu.memory_space<vmem>>, vector<10000x128xf32>
    tpu.vector_store %arg2[%swap3A, %swap3A_6], %dot_general3A_5 {strides = array<i32>} : memref<10000x128xf32, #tpu.memory_space<vmem>>, vector<10000x128xf32>,
    return
  }
}

module attributes {stable_mosaic.version = 14 : i64} {
  func.func @_ee_body(%arg0: i32, %arg1: memref<4096x4xf32, #tpu.memory_space<vmem>>, %arg2: memref<4x128xf32, #tpu.memory_space<vmem>>, %arg3: memref<1x128xf32, #tpu.memory_space<vmem>>, %arg4: memref<4096x128xf32, #tpu.memory_space<vmem>>) attributes {dimension_semantics = [#tpu.dimension_semantics<arbitrary>], iteration_bounds = array<i64: 79>, scalar_prefetch = 0 : i64, scratch_operands = 0 : i64, tpu.core_type = #tpu.core_type<tc>, window_params = [{transform_indices = @transform_0, window_bounds = array<i64: 4096, 4>}, {pipeline_mode = #tpu.pipeline_mode<synchronous>, transform_indices = @transform_1, window_bounds = array<i64: 4, 128>}, {pipeline_mode = #tpu.pipeline_mode<synchronous>, transform_indices = @transform_2, window_bounds = array<i64: 1, 128>}, {transform_indices = @transform_3, window_bounds = array<i64: 4096, 128>}]} {
    %get3A = arith.constant 0 : index
    %get3A_0 = arith.constant 0 : index
    %get3A_1 = vector.load %arg1[%get3A, %get3A_0] : memref<4096x4xf32, #tpu.memory_space<vmem>>, vector<4096x4xf32>
    %get3A_2 = arith.constant 0 : index
    %get3A_3 = arith.constant 0 : index
    %get3A_4 = vector.load %arg2[%get3A_2, %get3A_3] : memref<4x128xf32, #tpu.memory_space<vmem>>, vector<4x128xf32>
    %dot_general3A = arith.constant dense<0.000000e+00> : vector<4096x128xf32>
    %dot_general3A_5 = tpu.matmul %get3A_1, %get3A_4, %dot_general3A {dimension_numbers = #tpu.dot_dimension_numbers<[1], [0], [0], [1], [0, 0, 1, 1], [], []>, transpose_lhs_hint = false} : vector<4096x4xf32>, vector<4x128xf32>, vector<4096x128xf32> -> vector<4096x128xf32>
    %get3A_6 = arith.constant 0 : index
    %get3A_7 = arith.constant 0 : index
    %get3A_8 = vector.load %arg3[%get3A_6, %get3A_7] : memref<1x128xf32, #tpu.memory_space<vmem>>, vector<1x128xf32>
    %add3A = vector.broadcast %get3A_8 : vector<1x128xf32> to vector<4096x128xf32>
    %add3A_9 = arith.addf %dot_general3A_5, %add3A : vector<4096x128xf32>
    %swap3A = arith.constant 0 : index
    %swap3A_10 = arith.constant 0 : index
    %swap3A_11 = vector.load %arg4[%swap3A, %swap3A_10] : memref<4096x128xf32, #tpu.memory_space<vmem>>, vector<4096x128xf32>
    tpu.vector_store %arg4[%swap3A, %swap3A_10], %add3A_9 {strides = array<i32>} : memref<4096x128xf32, #tpu.memory_space<vmem>>, vector<4096x128xf32>,
    return
  }
  func.func @transform_0(%arg0: i32) -> (i32, i32) {
    %c0_i32 = arith.constant 0 : i32
    %c0_i32_0 = arith.constant 0 : i32
    return %arg0, %c0_i32 : i32, i32
  }
  func.func @transform_1(%arg0: i32) -> (i32, i32) {
    %c0_i32 = arith.constant 0 : i32
    %c0_i32_0 = arith.constant 0 : i32
    %c0_i32_1 = arith.constant 0 : i32
    return %c0_i32, %c0_i32_0 : i32, i32
  }
  func.func @transform_2(%arg0: i32) -> (i32, i32) {
    %c0_i32 = arith.constant 0 : i32
    %c0_i32_0 = arith.constant 0 : i32
    %c0_i32_1 = arith.constant 0 : i32
    return %c0_i32, %c0_i32_0 : i32, i32
  }
  func.func @transform_3(%arg0: i32) -> (i32, i32) {
    %c0_i32 = arith.constant 0 : i32
    %c0_i32_0 = arith.constant 0 : i32
    return %arg0, %c0_i32 : i32, i32
  }
}

module attributes {stable_mosaic.version = 14 : i64} {
  func.func @_mlp_body(%arg0: memref<10000x128xf32, #tpu.memory_space<vmem>>, %arg1: memref<10000x128xf32, #tpu.memory_space<vmem>>, %arg2: memref<10000x128xf32, #tpu.memory_space<vmem>>, %arg3: memref<1x1xf32, #tpu.memory_space<vmem>>, %arg4: memref<128x256xf32, #tpu.memory_space<vmem>>, %arg5: memref<1x256xf32, #tpu.memory_space<vmem>>, %arg6: memref<1x256xf32, #tpu.memory_space<vmem>>, %arg7: memref<1x256xf32, #tpu.memory_space<vmem>>, %arg8: memref<256x128xf32, #tpu.memory_space<vmem>>, %arg9: memref<1x128xf32, #tpu.memory_space<vmem>>, %arg10: memref<1x128xf32, #tpu.memory_space<vmem>>, %arg11: memref<1x128xf32, #tpu.memory_space<vmem>>, %arg12: memref<10000x128xf32, #tpu.memory_space<vmem>>) attributes {dimension_semantics = [], scalar_prefetch = 0 : i64, scratch_operands = 0 : i64, tpu.core_type = #tpu.core_type<tc>} {
    %get3A = arith.constant 0 : index
    %get3A_0 = arith.constant 0 : index
    %get3A_1 = vector.load %arg3[%get3A, %get3A_0] : memref<1x1xf32, #tpu.memory_space<vmem>>, vector<1x1xf32>
    %get3A_2 = arith.constant 0 : index
    %get3A_3 = arith.constant 0 : index
    %get3A_4 = vector.load %arg0[%get3A_2, %get3A_3] : memref<10000x128xf32, #tpu.memory_space<vmem>>, vector<10000x128xf32>
    %mul3A = vector.broadcast %get3A_1 : vector<1x1xf32> to vector<10000x128xf32>
    %mul3A_5 = arith.mulf %mul3A, %get3A_4 : vector<10000x128xf32>
    %get3A_6 = arith.constant 0 : index
    %get3A_7 = arith.constant 0 : index
    %get3A_8 = vector.load %arg1[%get3A_6, %get3A_7] : memref<10000x128xf32, #tpu.memory_space<vmem>>, vector<10000x128xf32>
    %get3A_9 = arith.constant 0 : index
    %get3A_10 = arith.constant 0 : index
    %get3A_11 = vector.load %arg2[%get3A_9, %get3A_10] : memref<10000x128xf32, #tpu.memory_space<vmem>>, vector<10000x128xf32>
    %add3A = arith.addf %get3A_8, %get3A_11 : vector<10000x128xf32>
    %add3A_12 = arith.addf %mul3A_5, %add3A : vector<10000x128xf32>
    %get3A_13 = arith.constant 0 : index
    %get3A_14 = arith.constant 0 : index
    %get3A_15 = vector.load %arg4[%get3A_13, %get3A_14] : memref<128x256xf32, #tpu.memory_space<vmem>>, vector<128x256xf32>
    %dot_general3A = arith.constant dense<0.000000e+00> : vector<10000x256xf32>
    %dot_general3A_16 = tpu.matmul %add3A_12, %get3A_15, %dot_general3A {dimension_numbers = #tpu.dot_dimension_numbers<[1], [0], [0], [1], [0, 0, 1, 1], [], []>, transpose_lhs_hint = false} : vector<10000x128xf32>, vector<128x256xf32>, vector<10000x256xf32> -> vector<10000x256xf32>
    %get3A_17 = arith.constant 0 : index
    %get3A_18 = arith.constant 0 : index
    %get3A_19 = vector.load %arg5[%get3A_17, %get3A_18] : memref<1x256xf32, #tpu.memory_space<vmem>>, vector<1x256xf32>
    %add3A_20 = vector.broadcast %get3A_19 : vector<1x256xf32> to vector<10000x256xf32>
    %add3A_21 = arith.addf %dot_general3A_16, %add3A_20 : vector<10000x256xf32>
    %reduce_sum3A = arith.constant dense<0.000000e+00> : vector<256xf32>
    %reduce_sum3A_22 = vector.multi_reduction <add>, %add3A_21, %reduce_sum3A [0] : vector<10000x256xf32> to vector<256xf32>
    %broadcast_in_dim3A = vector.shape_cast %reduce_sum3A_22 : vector<256xf32> to vector<1x256xf32>
    %div3A = arith.constant 1.000000e+04 : f32
    %div3A_23 = vector.broadcast %div3A : f32 to vector<1x256xf32>
    %div3A_24 = arith.divf %broadcast_in_dim3A, %div3A_23 : vector<1x256xf32>
    %sub3A = vector.broadcast %div3A_24 : vector<1x256xf32> to vector<10000x256xf32>
    %sub3A_25 = arith.subf %add3A_21, %sub3A : vector<10000x256xf32>
    %integer_pow3A = arith.mulf %sub3A_25, %sub3A_25 : vector<10000x256xf32>
    %reduce_sum3A_26 = arith.constant dense<0.000000e+00> : vector<256xf32>
    %reduce_sum3A_27 = vector.multi_reduction <add>, %integer_pow3A, %reduce_sum3A_26 [0] : vector<10000x256xf32> to vector<256xf32>
    %broadcast_in_dim3A_28 = vector.shape_cast %reduce_sum3A_27 : vector<256xf32> to vector<1x256xf32>
    %div3A_29 = arith.constant 1.000000e+04 : f32
    %div3A_30 = vector.broadcast %div3A_29 : f32 to vector<1x256xf32>
    %div3A_31 = arith.divf %broadcast_in_dim3A_28, %div3A_30 : vector<1x256xf32>
    %sub3A_32 = vector.broadcast %div3A_24 : vector<1x256xf32> to vector<10000x256xf32>
    %sub3A_33 = arith.subf %add3A_21, %sub3A_32 : vector<10000x256xf32>
    %add3A_34 = arith.constant 9.99999974E-6 : f32
    %add3A_35 = vector.broadcast %add3A_34 : f32 to vector<1x256xf32>
    %add3A_36 = arith.addf %div3A_31, %add3A_35 : vector<1x256xf32>
    %sqrt3A = math.sqrt %add3A_36 : vector<1x256xf32>
    %div3A_37 = vector.broadcast %sqrt3A : vector<1x256xf32> to vector<10000x256xf32>
    %div3A_38 = arith.divf %sub3A_33, %div3A_37 : vector<10000x256xf32>
    %get3A_39 = arith.constant 0 : index
    %get3A_40 = arith.constant 0 : index
    %get3A_41 = vector.load %arg6[%get3A_39, %get3A_40] : memref<1x256xf32, #tpu.memory_space<vmem>>, vector<1x256xf32>
    %mul3A_42 = vector.broadcast %get3A_41 : vector<1x256xf32> to vector<10000x256xf32>
    %mul3A_43 = arith.mulf %div3A_38, %mul3A_42 : vector<10000x256xf32>
    %get3A_44 = arith.constant 0 : index
    %get3A_45 = arith.constant 0 : index
    %get3A_46 = vector.load %arg7[%get3A_44, %get3A_45] : memref<1x256xf32, #tpu.memory_space<vmem>>, vector<1x256xf32>
    %add3A_47 = vector.broadcast %get3A_46 : vector<1x256xf32> to vector<10000x256xf32>
    %add3A_48 = arith.addf %mul3A_43, %add3A_47 : vector<10000x256xf32>
    %max3A = arith.constant 0.000000e+00 : f32
    %max3A_49 = vector.broadcast %max3A : f32 to vector<10000x256xf32>
    %max3A_50 = arith.maximumf %add3A_48, %max3A_49 : vector<10000x256xf32>
    %get3A_51 = arith.constant 0 : index
    %get3A_52 = arith.constant 0 : index
    %get3A_53 = vector.load %arg8[%get3A_51, %get3A_52] : memref<256x128xf32, #tpu.memory_space<vmem>>, vector<256x128xf32>
    %dot_general3A_54 = arith.constant dense<0.000000e+00> : vector<10000x128xf32>
    %dot_general3A_55 = tpu.matmul %max3A_50, %get3A_53, %dot_general3A_54 {dimension_numbers = #tpu.dot_dimension_numbers<[1], [0], [0], [1], [0, 0, 1, 1], [], []>, transpose_lhs_hint = false} : vector<10000x256xf32>, vector<256x128xf32>, vector<10000x128xf32> -> vector<10000x128xf32>
    %get3A_56 = arith.constant 0 : index
    %get3A_57 = arith.constant 0 : index
    %get3A_58 = vector.load %arg9[%get3A_56, %get3A_57] : memref<1x128xf32, #tpu.memory_space<vmem>>, vector<1x128xf32>
    %add3A_59 = vector.broadcast %get3A_58 : vector<1x128xf32> to vector<10000x128xf32>
    %add3A_60 = arith.addf %dot_general3A_55, %add3A_59 : vector<10000x128xf32>
    %reduce_sum3A_61 = arith.constant dense<0.000000e+00> : vector<128xf32>
    %reduce_sum3A_62 = vector.multi_reduction <add>, %add3A_60, %reduce_sum3A_61 [0] : vector<10000x128xf32> to vector<128xf32>
    %broadcast_in_dim3A_63 = vector.shape_cast %reduce_sum3A_62 : vector<128xf32> to vector<1x128xf32>
    %div3A_64 = arith.constant 1.000000e+04 : f32
    %div3A_65 = vector.broadcast %div3A_64 : f32 to vector<1x128xf32>
    %div3A_66 = arith.divf %broadcast_in_dim3A_63, %div3A_65 : vector<1x128xf32>
    %sub3A_67 = vector.broadcast %div3A_66 : vector<1x128xf32> to vector<10000x128xf32>
    %sub3A_68 = arith.subf %add3A_60, %sub3A_67 : vector<10000x128xf32>
    %integer_pow3A_69 = arith.mulf %sub3A_68, %sub3A_68 : vector<10000x128xf32>
    %reduce_sum3A_70 = arith.constant dense<0.000000e+00> : vector<128xf32>
    %reduce_sum3A_71 = vector.multi_reduction <add>, %integer_pow3A_69, %reduce_sum3A_70 [0] : vector<10000x128xf32> to vector<128xf32>
    %broadcast_in_dim3A_72 = vector.shape_cast %reduce_sum3A_71 : vector<128xf32> to vector<1x128xf32>
    %div3A_73 = arith.constant 1.000000e+04 : f32
    %div3A_74 = vector.broadcast %div3A_73 : f32 to vector<1x128xf32>
    %div3A_75 = arith.divf %broadcast_in_dim3A_72, %div3A_74 : vector<1x128xf32>
    %sub3A_76 = vector.broadcast %div3A_66 : vector<1x128xf32> to vector<10000x128xf32>
    %sub3A_77 = arith.subf %add3A_60, %sub3A_76 : vector<10000x128xf32>
    %add3A_78 = arith.constant 9.99999974E-6 : f32
    %add3A_79 = vector.broadcast %add3A_78 : f32 to vector<1x128xf32>
    %add3A_80 = arith.addf %div3A_75, %add3A_79 : vector<1x128xf32>
    %sqrt3A_81 = math.sqrt %add3A_80 : vector<1x128xf32>
    %div3A_82 = vector.broadcast %sqrt3A_81 : vector<1x128xf32> to vector<10000x128xf32>
    %div3A_83 = arith.divf %sub3A_77, %div3A_82 : vector<10000x128xf32>
    %get3A_84 = arith.constant 0 : index
    %get3A_85 = arith.constant 0 : index
    %get3A_86 = vector.load %arg10[%get3A_84, %get3A_85] : memref<1x128xf32, #tpu.memory_space<vmem>>, vector<1x128xf32>
    %mul3A_87 = vector.broadcast %get3A_86 : vector<1x128xf32> to vector<10000x128xf32>
    %mul3A_88 = arith.mulf %div3A_83, %mul3A_87 : vector<10000x128xf32>
    %get3A_89 = arith.constant 0 : index
    %get3A_90 = arith.constant 0 : index
    %get3A_91 = vector.load %arg11[%get3A_89, %get3A_90] : memref<1x128xf32, #tpu.memory_space<vmem>>, vector<1x128xf32>
    %add3A_92 = vector.broadcast %get3A_91 : vector<1x128xf32> to vector<10000x128xf32>
    %add3A_93 = arith.addf %mul3A_88, %add3A_92 : vector<10000x128xf32>
    %max3A_94 = arith.constant 0.000000e+00 : f32
    %max3A_95 = vector.broadcast %max3A_94 : f32 to vector<10000x128xf32>
    %max3A_96 = arith.maximumf %add3A_93, %max3A_95 : vector<10000x128xf32>
    %swap3A = arith.constant 0 : index
    %swap3A_97 = arith.constant 0 : index
    %swap3A_98 = vector.load %arg12[%swap3A, %swap3A_97] : memref<10000x128xf32, #tpu.memory_space<vmem>>, vector<10000x128xf32>
    tpu.vector_store %arg12[%swap3A, %swap3A_97], %max3A_96 {strides = array<i32>} : memref<10000x128xf32, #tpu.memory_space<vmem>>, vector<10000x128xf32>,
    return
  }
}

module attributes {stable_mosaic.version = 14 : i64} {
  func.func @_mlp_body(%arg0: memref<10000x128xf32, #tpu.memory_space<vmem>>, %arg1: memref<10000x128xf32, #tpu.memory_space<vmem>>, %arg2: memref<10000x128xf32, #tpu.memory_space<vmem>>, %arg3: memref<1x1xf32, #tpu.memory_space<vmem>>, %arg4: memref<128x256xf32, #tpu.memory_space<vmem>>, %arg5: memref<1x256xf32, #tpu.memory_space<vmem>>, %arg6: memref<1x256xf32, #tpu.memory_space<vmem>>, %arg7: memref<1x256xf32, #tpu.memory_space<vmem>>, %arg8: memref<256x128xf32, #tpu.memory_space<vmem>>, %arg9: memref<1x128xf32, #tpu.memory_space<vmem>>, %arg10: memref<1x128xf32, #tpu.memory_space<vmem>>, %arg11: memref<1x128xf32, #tpu.memory_space<vmem>>, %arg12: memref<10000x128xf32, #tpu.memory_space<vmem>>) attributes {dimension_semantics = [], scalar_prefetch = 0 : i64, scratch_operands = 0 : i64, tpu.core_type = #tpu.core_type<tc>} {
    %get3A = arith.constant 0 : index
    %get3A_0 = arith.constant 0 : index
    %get3A_1 = vector.load %arg3[%get3A, %get3A_0] : memref<1x1xf32, #tpu.memory_space<vmem>>, vector<1x1xf32>
    %get3A_2 = arith.constant 0 : index
    %get3A_3 = arith.constant 0 : index
    %get3A_4 = vector.load %arg0[%get3A_2, %get3A_3] : memref<10000x128xf32, #tpu.memory_space<vmem>>, vector<10000x128xf32>
    %mul3A = vector.broadcast %get3A_1 : vector<1x1xf32> to vector<10000x128xf32>
    %mul3A_5 = arith.mulf %mul3A, %get3A_4 : vector<10000x128xf32>
    %get3A_6 = arith.constant 0 : index
    %get3A_7 = arith.constant 0 : index
    %get3A_8 = vector.load %arg1[%get3A_6, %get3A_7] : memref<10000x128xf32, #tpu.memory_space<vmem>>, vector<10000x128xf32>
    %get3A_9 = arith.constant 0 : index
    %get3A_10 = arith.constant 0 : index
    %get3A_11 = vector.load %arg2[%get3A_9, %get3A_10] : memref<10000x128xf32, #tpu.memory_space<vmem>>, vector<10000x128xf32>
    %add3A = arith.addf %get3A_8, %get3A_11 : vector<10000x128xf32>
    %add3A_12 = arith.addf %mul3A_5, %add3A : vector<10000x128xf32>
    %get3A_13 = arith.constant 0 : index
    %get3A_14 = arith.constant 0 : index
    %get3A_15 = vector.load %arg4[%get3A_13, %get3A_14] : memref<128x256xf32, #tpu.memory_space<vmem>>, vector<128x256xf32>
    %dot_general3A = arith.constant dense<0.000000e+00> : vector<10000x256xf32>
    %dot_general3A_16 = tpu.matmul %add3A_12, %get3A_15, %dot_general3A {dimension_numbers = #tpu.dot_dimension_numbers<[1], [0], [0], [1], [0, 0, 1, 1], [], []>, transpose_lhs_hint = false} : vector<10000x128xf32>, vector<128x256xf32>, vector<10000x256xf32> -> vector<10000x256xf32>
    %get3A_17 = arith.constant 0 : index
    %get3A_18 = arith.constant 0 : index
    %get3A_19 = vector.load %arg5[%get3A_17, %get3A_18] : memref<1x256xf32, #tpu.memory_space<vmem>>, vector<1x256xf32>
    %add3A_20 = vector.broadcast %get3A_19 : vector<1x256xf32> to vector<10000x256xf32>
    %add3A_21 = arith.addf %dot_general3A_16, %add3A_20 : vector<10000x256xf32>
    %reduce_sum3A = arith.constant dense<0.000000e+00> : vector<256xf32>
    %reduce_sum3A_22 = vector.multi_reduction <add>, %add3A_21, %reduce_sum3A [0] : vector<10000x256xf32> to vector<256xf32>
    %broadcast_in_dim3A = vector.shape_cast %reduce_sum3A_22 : vector<256xf32> to vector<1x256xf32>
    %div3A = arith.constant 1.000000e+04 : f32
    %div3A_23 = vector.broadcast %div3A : f32 to vector<1x256xf32>
    %div3A_24 = arith.divf %broadcast_in_dim3A, %div3A_23 : vector<1x256xf32>
    %sub3A = vector.broadcast %div3A_24 : vector<1x256xf32> to vector<10000x256xf32>
    %sub3A_25 = arith.subf %add3A_21, %sub3A : vector<10000x256xf32>
    %integer_pow3A = arith.mulf %sub3A_25, %sub3A_25 : vector<10000x256xf32>
    %reduce_sum3A_26 = arith.constant dense<0.000000e+00> : vector<256xf32>
    %reduce_sum3A_27 = vector.multi_reduction <add>, %integer_pow3A, %reduce_sum3A_26 [0] : vector<10000x256xf32> to vector<256xf32>
    %broadcast_in_dim3A_28 = vector.shape_cast %reduce_sum3A_27 : vector<256xf32> to vector<1x256xf32>
    %div3A_29 = arith.constant 1.000000e+04 : f32
    %div3A_30 = vector.broadcast %div3A_29 : f32 to vector<1x256xf32>
    %div3A_31 = arith.divf %broadcast_in_dim3A_28, %div3A_30 : vector<1x256xf32>
    %sub3A_32 = vector.broadcast %div3A_24 : vector<1x256xf32> to vector<10000x256xf32>
    %sub3A_33 = arith.subf %add3A_21, %sub3A_32 : vector<10000x256xf32>
    %add3A_34 = arith.constant 9.99999974E-6 : f32
    %add3A_35 = vector.broadcast %add3A_34 : f32 to vector<1x256xf32>
    %add3A_36 = arith.addf %div3A_31, %add3A_35 : vector<1x256xf32>
    %sqrt3A = math.sqrt %add3A_36 : vector<1x256xf32>
    %div3A_37 = vector.broadcast %sqrt3A : vector<1x256xf32> to vector<10000x256xf32>
    %div3A_38 = arith.divf %sub3A_33, %div3A_37 : vector<10000x256xf32>
    %get3A_39 = arith.constant 0 : index
    %get3A_40 = arith.constant 0 : index
    %get3A_41 = vector.load %arg6[%get3A_39, %get3A_40] : memref<1x256xf32, #tpu.memory_space<vmem>>, vector<1x256xf32>
    %mul3A_42 = vector.broadcast %get3A_41 : vector<1x256xf32> to vector<10000x256xf32>
    %mul3A_43 = arith.mulf %div3A_38, %mul3A_42 : vector<10000x256xf32>
    %get3A_44 = arith.constant 0 : index
    %get3A_45 = arith.constant 0 : index
    %get3A_46 = vector.load %arg7[%get3A_44, %get3A_45] : memref<1x256xf32, #tpu.memory_space<vmem>>, vector<1x256xf32>
    %add3A_47 = vector.broadcast %get3A_46 : vector<1x256xf32> to vector<10000x256xf32>
    %add3A_48 = arith.addf %mul3A_43, %add3A_47 : vector<10000x256xf32>
    %max3A = arith.constant 0.000000e+00 : f32
    %max3A_49 = vector.broadcast %max3A : f32 to vector<10000x256xf32>
    %max3A_50 = arith.maximumf %add3A_48, %max3A_49 : vector<10000x256xf32>
    %get3A_51 = arith.constant 0 : index
    %get3A_52 = arith.constant 0 : index
    %get3A_53 = vector.load %arg8[%get3A_51, %get3A_52] : memref<256x128xf32, #tpu.memory_space<vmem>>, vector<256x128xf32>
    %dot_general3A_54 = arith.constant dense<0.000000e+00> : vector<10000x128xf32>
    %dot_general3A_55 = tpu.matmul %max3A_50, %get3A_53, %dot_general3A_54 {dimension_numbers = #tpu.dot_dimension_numbers<[1], [0], [0], [1], [0, 0, 1, 1], [], []>, transpose_lhs_hint = false} : vector<10000x256xf32>, vector<256x128xf32>, vector<10000x128xf32> -> vector<10000x128xf32>
    %get3A_56 = arith.constant 0 : index
    %get3A_57 = arith.constant 0 : index
    %get3A_58 = vector.load %arg9[%get3A_56, %get3A_57] : memref<1x128xf32, #tpu.memory_space<vmem>>, vector<1x128xf32>
    %add3A_59 = vector.broadcast %get3A_58 : vector<1x128xf32> to vector<10000x128xf32>
    %add3A_60 = arith.addf %dot_general3A_55, %add3A_59 : vector<10000x128xf32>
    %reduce_sum3A_61 = arith.constant dense<0.000000e+00> : vector<128xf32>
    %reduce_sum3A_62 = vector.multi_reduction <add>, %add3A_60, %reduce_sum3A_61 [0] : vector<10000x128xf32> to vector<128xf32>
    %broadcast_in_dim3A_63 = vector.shape_cast %reduce_sum3A_62 : vector<128xf32> to vector<1x128xf32>
    %div3A_64 = arith.constant 1.000000e+04 : f32
    %div3A_65 = vector.broadcast %div3A_64 : f32 to vector<1x128xf32>
    %div3A_66 = arith.divf %broadcast_in_dim3A_63, %div3A_65 : vector<1x128xf32>
    %sub3A_67 = vector.broadcast %div3A_66 : vector<1x128xf32> to vector<10000x128xf32>
    %sub3A_68 = arith.subf %add3A_60, %sub3A_67 : vector<10000x128xf32>
    %integer_pow3A_69 = arith.mulf %sub3A_68, %sub3A_68 : vector<10000x128xf32>
    %reduce_sum3A_70 = arith.constant dense<0.000000e+00> : vector<128xf32>
    %reduce_sum3A_71 = vector.multi_reduction <add>, %integer_pow3A_69, %reduce_sum3A_70 [0] : vector<10000x128xf32> to vector<128xf32>
    %broadcast_in_dim3A_72 = vector.shape_cast %reduce_sum3A_71 : vector<128xf32> to vector<1x128xf32>
    %div3A_73 = arith.constant 1.000000e+04 : f32
    %div3A_74 = vector.broadcast %div3A_73 : f32 to vector<1x128xf32>
    %div3A_75 = arith.divf %broadcast_in_dim3A_72, %div3A_74 : vector<1x128xf32>
    %sub3A_76 = vector.broadcast %div3A_66 : vector<1x128xf32> to vector<10000x128xf32>
    %sub3A_77 = arith.subf %add3A_60, %sub3A_76 : vector<10000x128xf32>
    %add3A_78 = arith.constant 9.99999974E-6 : f32
    %add3A_79 = vector.broadcast %add3A_78 : f32 to vector<1x128xf32>
    %add3A_80 = arith.addf %div3A_75, %add3A_79 : vector<1x128xf32>
    %sqrt3A_81 = math.sqrt %add3A_80 : vector<1x128xf32>
    %div3A_82 = vector.broadcast %sqrt3A_81 : vector<1x128xf32> to vector<10000x128xf32>
    %div3A_83 = arith.divf %sub3A_77, %div3A_82 : vector<10000x128xf32>
    %get3A_84 = arith.constant 0 : index
    %get3A_85 = arith.constant 0 : index
    %get3A_86 = vector.load %arg10[%get3A_84, %get3A_85] : memref<1x128xf32, #tpu.memory_space<vmem>>, vector<1x128xf32>
    %mul3A_87 = vector.broadcast %get3A_86 : vector<1x128xf32> to vector<10000x128xf32>
    %mul3A_88 = arith.mulf %div3A_83, %mul3A_87 : vector<10000x128xf32>
    %get3A_89 = arith.constant 0 : index
    %get3A_90 = arith.constant 0 : index
    %get3A_91 = vector.load %arg11[%get3A_89, %get3A_90] : memref<1x128xf32, #tpu.memory_space<vmem>>, vector<1x128xf32>
    %add3A_92 = vector.broadcast %get3A_91 : vector<1x128xf32> to vector<10000x128xf32>
    %add3A_93 = arith.addf %mul3A_88, %add3A_92 : vector<10000x128xf32>
    %swap3A = arith.constant 0 : index
    %swap3A_94 = arith.constant 0 : index
    %swap3A_95 = vector.load %arg12[%swap3A, %swap3A_94] : memref<10000x128xf32, #tpu.memory_space<vmem>>, vector<10000x128xf32>
    tpu.vector_store %arg12[%swap3A, %swap3A_94], %add3A_93 {strides = array<i32>} : memref<10000x128xf32, #tpu.memory_space<vmem>>, vector<10000x128xf32>,
    return
  }
}

</mosaic_0001>

<sc_bundles>
// kernel: gather_offload_async_start.1
scs
__scs_entry_jumppad:
0x0: {  	(pc) =	sbr.rel $0x88, $3  }
0x1: {  	(tag) =	ssettag $0x0;
	lr =	simm.s32 $0x1  }
0x2: {  	[smem:$0x3F92] =	sst lr;
	_ =	strace $0xD0000000  }
0x3: {  	_ = 	snop  }
0x4: {  	_ = 	snop  }
0x5: {  	_ = 	snop  }
0x6: {  	_ = 	snop  }
0x7: {  	_ = 	snop  }
__scs_overlays_trampoline_lowered:
0x8: {  	[smem:$0x3FA1] =	sst s0  }
0x9: {  	[smem:$0x3FA2] =	sst s1  }
0xa: {  	[smem:$0x3FA3] =	sst s2  }
0xb: {  	[smem:$0x3FA4] =	sst s3  }
0xc: {  	[smem:$0x3FA5] =	sst s4  }
0xd: {  	[smem:$0x3FA6] =	sst s5  }
0xe: {  	[smem:$0x3FA7] =	sst s6  }
0xf: {  	[smem:$0x3FA8] =	sst s7  }
0x10: {  	[smem:$0x3FA9] =	sst s8  }
0x11: {  	[smem:$0x3FAA] =	sst s9;
	s0 =	simm.s32 @!p0 $0x0  }
0x12: {  	s1 =	sld [smem:$0x3F90];
	s0 =	simm.s32 @p0 $0x1  }
0x13: {  	[smem:$0x3FAB] =	sst s0;
	s0 =	simm.s32 @!p1 $0x0  }
0x14: {  	s2 =	sld [smem:$0x3F8F];
	s0 =	simm.s32 @p1 $0x1  }
0x15: {  	[smem:$0x3FAC] =	sst s0;
	s0 =	simm.s32 @!p2 $0x0  }
0x16: {  	s3 =	sld [smem:$0x3FDB];
	s0 =	simm.s32 @p2 $0x1  }
0x17: {  	s4 =	simm.s32 $0x1BF5;
	[smem:$0x3FAE] =	sst s0  }
0x18: {  	s0 =	sld [smem:$0x3F91];
	_ =	swait.ge [sflag:s4], $0x0  }
0x19: {  	s7 =	sld [smem:$0x3F92]  }
0x1a: {  	s8 =	sadd.s32 $0xFFFFE003, lr  }
0x1b: {  	s9 =	sadd.s32 $0xFFFFFEF7, lr;
	s5 =	simm.s32 $0xFFFFFFFF;
	p2 =	slt.u32 s8, $0xFFFFF086  }
0x1c: {  	p1 =	slt.u32 s9, $0xF7A;
	s5 =	simm.s32 @!p2 $0x0  }
0x1d: {  	s5 =	simm.s32 @p1 $0x1;
	p0 =	seq.s32 s7, s2  }
0x1e: {  	s7 =	smul.u32 @!p0 $0xF7A, s2;
	p2 =	seq.s32 @!p0 s5, $0x0  }
0x1f: {  	s9 =	smul.u32 $0xF7A, s1;
	s8 =	simm.s32 @!p0 $0x1BF5;
	p2 =	por !p2, p0  }
0x20: {  	[sflag:s8] =	ssyncset.s32 @!p0 $0xFFFFF086;
	s6 =	sadd.s32 @!p0 s3, s7;
	s7 =	simm.s32 @!p0 $0x108  }
0x21: {  	s3 =	sadd.s32 s3, s9;
	s6 =	sadd.s32 @!p0 $0x88, s6;
	s7 =	simm.s32 @p2 $0x1082  }
0x22: {  	[simem:s7], [sflag:s8] =	dma.local @!p0 [hbm:s6], $0xF7A  }
0x23: {  	s9 =	sor.u32 $0xD0000000, s2;
	s6 =	simm.s32 $0x108;
	_ =	swait.ge @!p0 [sflag:s8], $0x0  }
0x24: {  	s3 =	sadd.s32 $0x88, s3;
	s6 =	simm.s32 @!p1 $0x1082;
	[sflag:s4] =	ssyncset.s32 $0xFFFFF086  }
0x25: {  	[simem:s6], [sflag:s4] =	dma.local [hbm:s3], $0xF7A  }
0x26: {  	[smem:$0x3F92] =	sst s1;
	(tag) =	ssettag s2;
	_ =	strace s9  }
0x27: {  	s1 =	sld [smem:$0x3FA2]  }
0x28: {  	s2 =	sld [smem:$0x3FA3]  }
0x29: {  	s4 =	sld [smem:$0x3FA5]  }
0x2a: {  	p0 =	seq.s32 s5, $0x0;
	s5 =	sld [smem:$0x3FA6]  }
0x2b: {  	s6 =	sld [smem:$0x3FA7]  }
0x2c: {  	s7 =	sld [smem:$0x3FA8]  }
0x2d: {  	s3 =	simm.s32 $0x108;
	s8 =	sld [smem:$0x3FA9]  }
0x2e: {  	s3 =	simm.s32 @!p0 $0x1082;
	s9 =	sld [smem:$0x3FAA]  }
0x2f: {  	lr =	sadd.s32 s0, s3;
	s0 =	sld [smem:$0x3FA1]  }
0x30: {  	s3 =	sld [smem:$0x3FA4]  }
0x31: {  	[smem:$0x3FAD] =	sst s10  }
0x32: {  	s10 =	sld [smem:$0x3FAB];
	_ =	sdelay $0x3  }
0x33: {  	p0 =	seq.s32 s10, $0x1;
	s10 =	sld [smem:$0x3FAD];
	_ =	sdelay $0x3  }
0x34: {  	[smem:$0x3FAD] =	sst s10  }
0x35: {  	s10 =	sld [smem:$0x3FAC];
	_ =	sdelay $0x3  }
0x36: {  	p1 =	seq.s32 s10, $0x1;
	s10 =	sld [smem:$0x3FAD];
	_ =	sdelay $0x3  }
0x37: {  	[smem:$0x3FAD] =	sst s10  }
0x38: {  	s10 =	sld [smem:$0x3FAE]  }
0x39: {  	_ = 	snop;
	(pc) =	sbr.ind lr, $3  }
0x3a: {  	_ = 	snop  }
0x3b: {  	_ = 	snop  }
0x3c: {  	p2 =	seq.s32 s10, $0x1;
	s10 =	sld [smem:$0x3FAD]  }
0x3d: {  	_ =	shalt  }
0x3e: {  	_ =	shalt  }
0x3f: {  	_ =	shalt  }
0x40: {  	_ =	shalt  }
0x41: {  	_ =	shalt  }
0x42: {  	_ =	shalt  }
0x43: {  	_ =	shalt  }
0x44: {  	_ =	shalt  }
0x45: {  	_ =	shalt  }
0x46: {  	_ =	shalt  }
0x47: {  	_ =	shalt  }
0x48: {  	_ =	shalt  }
0x49: {  	_ =	shalt  }
0x4a: {  	_ =	shalt  }
0x4b: {  	_ =	shalt  }
0x4c: {  	_ =	shalt  }
0x4d: {  	_ =	shalt  }
0x4e: {  	_ =	shalt  }
0x4f: {  	_ =	shalt  }
0x50: {  	_ =	shalt  }
0x51: {  	_ =	shalt  }
0x52: {  	_ =	shalt  }
0x53: {  	_ =	shalt  }
0x54: {  	_ =	shalt  }
0x55: {  	_ =	shalt  }
0x56: {  	_ =	shalt  }
0x57: {  	_ =	shalt  }
0x58: {  	_ =	shalt  }
0x59: {  	_ =	shalt  }
0x5a: {  	_ =	shalt  }
0x5b: {  	_ =	shalt  }
0x5c: {  	_ =	shalt  }
0x5d: {  	_ =	shalt  }
0x5e: {  	_ =	shalt  }
0x5f: {  	_ =	shalt  }
0x60: {  	_ =	shalt  }
0x61: {  	_ =	shalt  }
0x62: {  	_ =	shalt  }
0x63: {  	_ =	shalt  }
0x64: {  	_ =	shalt  }
0x65: {  	_ =	shalt  }
0x66: {  	_ =	shalt  }
0x67: {  	_ =	shalt  }
0x68: {  	_ =	shalt  }
0x69: {  	_ =	shalt  }
0x6a: {  	_ =	shalt  }
0x6b: {  	_ =	shalt  }
0x6c: {  	_ =	shalt  }
0x6d: {  	_ =	shalt  }
0x6e: {  	_ =	shalt  }
0x6f: {  	_ =	shalt  }
0x70: {  	_ =	shalt  }
0x71: {  	_ =	shalt  }
0x72: {  	_ =	shalt  }
0x73: {  	_ =	shalt  }
0x74: {  	_ =	shalt  }
0x75: {  	_ =	shalt  }
0x76: {  	_ =	shalt  }
0x77: {  	_ =	shalt  }
0x78: {  	_ =	shalt  }
0x79: {  	_ =	shalt  }
0x7a: {  	_ =	shalt  }
0x7b: {  	_ =	shalt  }
0x7c: {  	_ =	shalt  }
0x7d: {  	_ =	shalt  }
0x7e: {  	_ =	shalt  }
0x7f: {  	_ =	shalt  }
0x80: {  	_ =	shalt  }
0x81: {  	_ =	shalt  }
0x82: {  	_ =	shalt  }
0x83: {  	_ =	shalt  }
0x84: {  	_ =	shalt  }
0x85: {  	_ =	shalt  }
0x86: {  	_ =	shalt  }
0x87: {  	_ =	shalt  }
.Lfunc_end0:
.L_simem_size_0:
called_computation.1_lowered:
.L_overlay_start_0:
0x88: {  	s2 =	sld [smem:$0x3FD9]  }
0x89: {  	s3 =	sld [smem:$0x3FFE];
	_ =	sdelay $0x1  }
0x8a: {  	s1 =	srdreg.scid  }
0x8b: {  	s0 =	sand.u32 $0x1, s1  }
0x8c: {  	s16 =	sshll.u32 s0, $0xA;
	s2 =	sadd.s32 s3, s2  }
0x8d: {  	s2 =	sadd.s32 s2, s16  }
0x8e: {  	[smem:$0x3FB9] =	sst s2  }
0x8f: {  	_ = 	snop  }
0x90: {  	(tm) =	ssettm $0x1  }
0x91: {  	s17 =	sld [smem:$0x3FFB];
	_ =	sdelay $0x3  }
0x92: {  	_ =	strace s17  }
0x93: {  	s2 =	sld [smem:$0x3FFC];
	_ =	sdelay $0x3  }
0x94: {  	_ =	strace s2  }
0x95: {  	s2 =	sld [smem:$0x3FFD];
	_ =	sdelay $0x3  }
0x96: {  	_ =	strace s2  }
0x97: {  	_ =	strace $0x8FFFFFFF  }
0x98: {  	s18 =	sld [smem:$0x3FDB];
	_ =	sdelay $0x1  }
0x99: {  	s19 =	simm.s32 $_scs_section_size  }
0x9a: {  	s4 =	simm.s32 $_size__tile_overlayer_lowered;
	s5 =	simm.s32 $_tile_overlayer_lowered  }
0x9b: {  	s22 =	simm.s32 $0x1BFF;
	s21 =	sshll.u32 s5, $0x1;
	s2 =	sadd.s32 s19, s18  }
0x9c: {  	s6 =	simm.s32 $0x0;
	s20 =	sshll.u32 s4, $0x1;
	s4 =	sadd.s32 s21, s2  }
0x9d: {  	[timem:s6], [sflag:s22] =	dma.local [hbm:s4], s20  }
0x9e: {  	_ =	swait.ge [sflag:s22], s20  }
0x9f: {  	s3 =	ssub.s32 $0x0, s20;
	[sflag:s22] =	ssyncset.done $0x0  }
0xa0: {  	[sflag:s22] =	ssyncadd.s32 s3;
	_ =	sdelay $0x1  }
0xa1: {  	s23 =	simm.s32 $0x1B8B  }
0xa2: {  	_ =	swait.ge [sflag:s23], $0x1  }
0xa3: {  	[sflag:s23] =	ssyncset.done $0x0  }
0xa4: {  	s25 =	simm.s32 $0x1B8E;
	s24 =	sld [smem:$0x3FFE];
	[sflag:s23] =	ssyncadd.s32 $0xFFFFFFFF  }
0xa5: {  	s26 =	simm.s32 $execute0_lowered;
	[smem:$0x3FD2] =	sst s25  }
0xa6: {  	s4 =	sshll.u32 s26, $0x1;
	_ =	strace $0x80000046;
	[dreg:$0x1] =	wrdreg $0xFFFFFFFF  }
0xa7: {  	s28 =	simm.s32 $_size_execute0_lowered;
	s2 =	sadd.s32 s2, s4;
	[dreg:$0x0] =	wrdreg $0x0  }
0xa8: {  	s4 =	sshll.u32 s28, $0x1;
	[dreg:$0x2] =	wrdreg s2  }
0xa9: {  	[dreg:$0x3] =	wrdreg s4  }
0xaa: {  	[dreg:$0x4] =	wrdreg $0xC0  }
0xab: {  	_ =	task [dreg:s6], $0x5FFFF  }
0xac: {  	[dreg:$0x1] =	wrdreg $0xFFFFFFFF  }
0xad: {  	[dreg:$0x0] =	wrdreg $0x60  }
0xae: {  	[dreg:$0x2] =	wrdreg s24  }
0xaf: {  	[dreg:$0x3] =	wrdreg $0xA  }
0xb0: {  	_ =	task.clear_ibuf [dreg:s6], $0x4FFFF;
	_ =	strace $0x90000046  }
0xb1: {  	s29 =	simm.s32 $0xA;
	_ =	strace $0x80000048  }
0xb2: {  	_ =	swait.ge [sflag:s29], $0x1  }
0xb3: {  	[sflag:s29] =	ssyncadd.s32 $0xFFFFFFFF  }
0xb4: {  	_ =	strace $0x90000048  }
0xb5: {  	_ =	sfence  }
0xb6: {  	s30 =	sld [smem:$0x0];
	_ =	sdelay $0x2  }
0xb7: {  	s31 =	sshll.u32 s1, $0xD;
	s1 =	sshrl.u32 s1, $0x2  }
0xb8: {  	s3 =	sand.u32 $0x4000, s31;
	s1 =	sadd.s32 s1, s30  }
0xb9: {  	s0 =	sor.u32 s3, s0;
	s1 =	sshll.u32 s1, $0x11  }
0xba: {  	s0 =	sor.u32 s1, s0  }
0xbb: {  	s0 =	sadd.s32 $0x8F2B, s0  }
0xbc: {  	[sflag:s0] =	ssyncadd.remote.s32 $0x1  }
0xbd: {  	_ =	sfence.sel $0xFFFF  }
0xbe: {  	[dreg:$0x0] =	wrdreg $0xFFFFFFFF;
	(pc) =	sbr.abs _section_cstart, $3  }
0xbf: {  	[dreg:$0x1] =	wrdreg $0xFFFFFFFF  }
0xc0: {  	_ =	task.clear_ibuf [dreg:s6], $0x2FFFF;
	_ =	strace $0x9FFFFFFF  }
0xc1: {  	(tm) =	ssettm $0x7FFFFFFF  }
tec
execute0_lowered:
.L_overlay_start_1:
0x0: {  	(tag) =	ssettag $0x1  }
0x1: {  	s8 =	rddreg [dreg:$0x0]  }
0x2: {  	s0 =	rddreg [dreg:$0x1];
	_ =	strace $0x80000047;
	s1 =	stileid.u32  }
0x3: {  	s3 =	srdreg.scid;
	s4 =	simm.s32 $0x1;
	s7 =	simm.s32 $0x1  }
0x4: {  	s9 =	simm.s32 $0x1;
	s10 =	simm.s32 $0x3;
	s13 =	simm.s32 $0x0  }
0x5: {  	s12 =	simm.s32 $0x0;
	s5 =	sand.u32 $0x1, s3;
	s6 =	sshll.u32 s1, $0x1  }
0x6: {  	s2 =	sadd.s32 $0x10C00, s8;
	s3 =	sadd.s32 $0x1AA00, s8;
	s5 =	sor.u32 s6, s5  }
.Ltmp0:
0x7: {  	[sflag:s4] =	ssyncpa.u1 $0x0;
	p0 =	slt.u32 s5, $0x9;
	(pc) =	sbr.rel .LBB2_1-.Ltmp0, $4  }
0x8: {  	s6 =	simm.s32 $0x2;
	s7 =	simm.s32 @!p0 $0x0;
	p0 =	sne.s32 s5, $0x8  }
0x9: {  	[sflag:s6] =	ssyncpa.u1 $0x0;
	s5 =	smul.u32 $0x1F40, s5;
	s9 =	simm.s32 @!p0 $0x0  }
0xa: {  	s8 =	sadd.s32 $0x24800, s8;
	[sflag:s10] =	ssyncpa.u1 $0x0;
	s7 =	sadd.s32 s9, s7  }
0xb: {  	vm0 =	vmmov $0xffff;
	s10 =	simm.s32 $0x0;
	s11 =	smov.u32 s5;
	s9 =	sadd.s32 $0x1, s7  }
.LBB2_4:
0xc: {  	v2 =	vnsel vm1, $0x0, v2  }
0xd: {  	vm1 =	vgt.s32 v0, $0x0;
	v2 =	vmin.u32 v2, $0x4E1FF  }
0xe: {  	v0 =	vnsel vm1, $0x0, v0  }
0xf: {  	v0 =	vmin.u32 v0, $0x4E1FF  }
0x10: {  	[tilespmem:s18], [sflag:$0x1] =	stream.indirect_vreg.gather [hbm4b:s2+s10], $0x1, v1, vm0, $0x4038;
	[tilespmem:$0x7D00] =	vst v63  }
0x11: {  	(ifvalue) =	ssetifvalue $0x7FFFFFFF  }
0x12: {  	[tilespmem:s15], [sflag:$0x1] =	stream.indirect_vreg.gather [hbm4b:s2+s10], $0x1, v2, vm0, $0x4038;
	[tilespmem:$0x7D00] =	vst v63  }
0x13: {  	s29 =	sadd.s32 $0x10, s15;
	(ifvalue) =	ssetifvalue $0x7FFFFFFF  }
0x14: {  	[tilespmem:s29], [sflag:$0x1] =	stream.indirect_vreg.gather [hbm4b:s2+s10], $0x1, v0, vm0, $0x4038;
	[tilespmem:$0x7D00] =	vst v63  }
0x15: {  	_ =	swait.ge [sflag:s4], $0x1F40  }
0x16: {  	s30 =	sshrl.u32 s13, $0x3;
	[sflag:s4] =	ssyncset.done $0x0  }
0x17: {  	s31 =	sand.u32 $0x7, s13;
	s15 =	sadd.s32 s8, s30;
	[sflag:s4] =	ssyncadd.s32 $0xFFFFE0C0  }
0x18: {  	[hbm4b:s15+s31] =	stream.linear.scatter [tilespmem:s14], [sflag:$0x3], $0x1F40, $0x38;
	[tilespmem:$0x7D00] =	vst v63  }
.LBB2_5:
0x19: {  	s15 =	sadd.s32 $0x3E800, s11  }
0x1a: {  	p1 =	sgt.s32 s15, $0x4E1FF  }
0x1b: {  	s15 =	smov.u32 @p1 s5;
	p1 =	sne.s32 s12, s9  }
.Ltmp1:
0x1c: {  	p0 =	slt.u32 s12, $0x2;
	(pc) =	sbr.rel @!p1 .LBB2_6-.Ltmp1, $4  }
0x1d: {  	s14 =	simm.s32 @!p0 $0x3  }
0x1e: {  	_ =	swait.ge @!p0 [sflag:s14], $0x1F40  }
0x1f: {  	s16 =	sadd.s32 $0x1, s12;
	s13 =	smov.u32 s11;
	[sflag:s14] =	ssyncset.done @!p0 $0x0  }
0x20: {  	s12 =	smov.u32 s16;
	s11 =	smov.u32 s15;
	[sflag:s14] =	ssyncadd.s32 @!p0 $0xFFFFE0C0  }
.LBB2_1:
0x21: {  	p0 =	sge.u32 s12, s7  }
0x22: {  	s14 =	sxor.u32 @!p0 $0x1, s12  }
0x23: {  	s14 =	smul.u32 @!p0 $0x7D00, s14  }
0x24: {  	s31 =	sadd.s32 $0xFFFFFFFF, s12;
	s15 =	sshrl.u32 @!p0 s11, $0x3  }
0x25: {  	s16 =	sand.u32 @!p0 $0x7, s11;
	s15 =	sadd.s32 @!p0 s3, s15;
	s14 =	sshra.s32 @!p0 s14, $0x2  }
0x26: {  	[tilespmem:s14], [sflag:$0x2] =	stream.linear.gather @!p0 [hbm4b:s15+s16], $0x1F40, $0x38;
	[tilespmem:$0x7D00] =	vst v63  }
0x27: {  	p0 =	sge.u32 s31, s7  }
.Ltmp2:
0x28: {  	_ = 	snop;
	(pc) =	sbr.rel @p0 .LBB2_5-.Ltmp2, $1  }
0x29: {  	_ =	sdelay $0x3  }
0x2a: {  	s14 =	sand.u32 $0x1, s12  }
0x2b: {  	_ =	swait.ge [sflag:s6], $0x1F40;
	p0 =	seq.s32 s14, $0x1;
	s14 =	simm.s32 $0x1F40  }
0x2c: {  	[sflag:s6] =	ssyncset.done $0x0;
	s14 =	simm.s32 @!p0 $0x0  }
0x2d: {  	[sflag:s6] =	ssyncadd.s32 $0xFFFFE0C0;
	(ifvalue) =	ssetifvalue $0x7FFFFFFF;
	v0 =	vld.msk [tilespmem:s14+$0x0 ss:$0x1], $0xffff;
	_ =	sdelay $0x4  }
0x2e: {  	s15 =	sadd.s32 $0x10, s14;
	vm1 =	vgt.s32 v0, $0x0  }
0x2f: {  	v2 =	vld.msk [tilespmem:s15+$0x0 ss:$0x1], $0xffff;
	v1 =	vnsel vm1, $0x0, v0  }
0x30: {  	v1 =	vmin.u32 v1, $0x4E1FF;
	_ =	sdelay $0x2  }
0x31: {  	s17 =	simm.s32 $0x20;
	s14 =	sadd.s32 $0x3E80, s14;
	s16 =	sadd.s32 $0x10, s15  }
0x32: {  	s15 =	sadd.s32 $0x10, s14;
	s18 =	smov.u32 s14;
	v0 =	vld.msk [tilespmem:s16+$0x0 ss:$0x1], $0xffff;
	vm1 =	vgt.s32 v2, $0x0;
	(ifvalue) =	ssetifvalue $0x7FFFFFFF  }
.LBB2_3:
0x33: {  	[tilespmem:s18], [sflag:$0x1] =	stream.indirect_vreg.gather [hbm4b:s2+s10], $0x1, v1, vm0, $0x4038;
	[tilespmem:$0x7D00] =	vst v63  }
0x34: {  	s17 =	sadd.s32 $0x10, s17  }
0x35: {  	v2 =	vnsel vm1, $0x0, v2;
	p0 =	slt.u32 s17, $0x1F30  }
.Ltmp3:
0x36: {  	s18 =	smov.u32 s15;
	v1 =	vmin.u32 v2, $0x4E1FF;
	(pc) =	sbr.rel @p0 .LBB2_3-.Ltmp3, $3  }
0x37: {  	_ =	sdelay $0x1  }
0x38: {  	s16 =	sadd.s32 $0x10, s16  }
0x39: {  	vm1 =	vgt.s32 v0, $0x0;
	s15 =	sadd.s32 $0x10, s15;
	v2 =	vmov v0;
	(ifvalue) =	ssetifvalue $0x7FFFFFFF;
	v0 =	vld.msk [tilespmem:s16+$0x0 ss:$0x1], $0xffff  }
.Ltmp4:
0x3a: {  	_ = 	snop;
	(pc) =	sbr.rel .LBB2_4-.Ltmp4, $1  }
0x3b: {  	_ =	sdelay $0x3  }
.LBB2_6:
0x3c: {  	_ =	sfence.sel $0x180000  }
0x3d: {  	s2 =	simm.s32 $0x2;
	[bflag:$0x0] =	sbarrier.arrive $0xFFFF  }
0x3e: {  	s30 =	simm.s32 $0x3;
	[sflag:s2] =	ssyncpa.u1 $0x1  }
0x3f: {  	s31 =	simm.s32 $0x1;
	[sflag:s30] =	ssyncpa.u1 $0x1  }
0x40: {  	[sflag:s31] =	ssyncpa.u1 $0x1  }
0x41: {  	p0 =	sne.s32 s1, $0x0;
	_ =	strace $0x90000047  }
0x42: {  	s0 =	sadd.s32 @!p0 $0x100000, s0;
	[bflag:$0x2] =	sbarrier.arrive $0xFFFF  }
0x43: {  	[sflag:s0] =	ssyncadd.tile.s32 @!p0 $0x1;
	_ =	shalt  }
.Lfunc_end2:
_tile_overlayer_lowered:
.L_overlay_start_2:
0x44: {  	(tag) =	ssettag $0x2  }
0x45: {  	s0 =	rddreg [dreg:$0x0];
	s2 =	stileid.u32  }
0x46: {  	s1 =	rddreg [dreg:$0x1];
	p0 =	sne.s32 s2, $0x0  }
0x47: {  	s3 =	rddreg [dreg:$0x2];
	[bflag:$0x3] =	sbarrier.arrive $0xFFFF;
	s2 =	simm.s32 @!p0 $0x1C01  }
0x48: {  	[timem:s3], [sflag:s2] =	dma.local @!p0 [hbm:s0], s1  }
0x49: {  	s0 =	simm.s32 @!p0 $0x1  }
0x4a: {  	_ =	swait.ge @!p0 [sflag:s0], s1  }
0x4b: {  	s1 =	ssub.s32 @!p0 $0x0, s1;
	[sflag:s0] =	ssyncset.done @!p0 $0x0  }
0x4c: {  	[sflag:s0] =	ssyncadd.s32 @!p0 s1  }
0x4d: {  	[bflag:$0x3] =	sbarrier.arrive $0xFFFF  }
0x4e: {  	_ =	shalt  }

// kernel: gather_offload_async_start.2
scs
__scs_entry_jumppad:
0x0: {  	(pc) =	sbr.rel $0x88, $3  }
0x1: {  	(tag) =	ssettag $0x0;
	lr =	simm.s32 $0x1  }
0x2: {  	[smem:$0x3F92] =	sst lr;
	_ =	strace $0xD0000000  }
0x3: {  	_ = 	snop  }
0x4: {  	_ = 	snop  }
0x5: {  	_ = 	snop  }
0x6: {  	_ = 	snop  }
0x7: {  	_ = 	snop  }
__scs_overlays_trampoline_lowered:
0x8: {  	[smem:$0x3FA1] =	sst s0  }
0x9: {  	[smem:$0x3FA2] =	sst s1  }
0xa: {  	[smem:$0x3FA3] =	sst s2  }
0xb: {  	[smem:$0x3FA4] =	sst s3  }
0xc: {  	[smem:$0x3FA5] =	sst s4  }
0xd: {  	[smem:$0x3FA6] =	sst s5  }
0xe: {  	[smem:$0x3FA7] =	sst s6  }
0xf: {  	[smem:$0x3FA8] =	sst s7  }
0x10: {  	[smem:$0x3FA9] =	sst s8  }
0x11: {  	[smem:$0x3FAA] =	sst s9;
	s0 =	simm.s32 @!p0 $0x0  }
0x12: {  	s1 =	sld [smem:$0x3F90];
	s0 =	simm.s32 @p0 $0x1  }
0x13: {  	[smem:$0x3FAB] =	sst s0;
	s0 =	simm.s32 @!p1 $0x0  }
0x14: {  	s2 =	sld [smem:$0x3F8F];
	s0 =	simm.s32 @p1 $0x1  }
0x15: {  	[smem:$0x3FAC] =	sst s0;
	s0 =	simm.s32 @!p2 $0x0  }
0x16: {  	s3 =	sld [smem:$0x3FDB];
	s0 =	simm.s32 @p2 $0x1  }
0x17: {  	s4 =	simm.s32 $0x1BF5;
	[smem:$0x3FAE] =	sst s0  }
0x18: {  	s0 =	sld [smem:$0x3F91];
	_ =	swait.ge [sflag:s4], $0x0  }
0x19: {  	s7 =	sld [smem:$0x3F92]  }
0x1a: {  	s8 =	sadd.s32 $0xFFFFE003, lr  }
0x1b: {  	s9 =	sadd.s32 $0xFFFFFEF7, lr;
	s5 =	simm.s32 $0xFFFFFFFF;
	p2 =	slt.u32 s8, $0xFFFFF086  }
0x1c: {  	p1 =	slt.u32 s9, $0xF7A;
	s5 =	simm.s32 @!p2 $0x0  }
0x1d: {  	s5 =	simm.s32 @p1 $0x1;
	p0 =	seq.s32 s7, s2  }
0x1e: {  	s7 =	smul.u32 @!p0 $0xF7A, s2;
	p2 =	seq.s32 @!p0 s5, $0x0  }
0x1f: {  	s9 =	smul.u32 $0xF7A, s1;
	s8 =	simm.s32 @!p0 $0x1BF5;
	p2 =	por !p2, p0  }
0x20: {  	[sflag:s8] =	ssyncset.s32 @!p0 $0xFFFFF086;
	s6 =	sadd.s32 @!p0 s3, s7;
	s7 =	simm.s32 @!p0 $0x108  }
0x21: {  	s3 =	sadd.s32 s3, s9;
	s6 =	sadd.s32 @!p0 $0x88, s6;
	s7 =	simm.s32 @p2 $0x1082  }
0x22: {  	[simem:s7], [sflag:s8] =	dma.local @!p0 [hbm:s6], $0xF7A  }
0x23: {  	s9 =	sor.u32 $0xD0000000, s2;
	s6 =	simm.s32 $0x108;
	_ =	swait.ge @!p0 [sflag:s8], $0x0  }
0x24: {  	s3 =	sadd.s32 $0x88, s3;
	s6 =	simm.s32 @!p1 $0x1082;
	[sflag:s4] =	ssyncset.s32 $0xFFFFF086  }
0x25: {  	[simem:s6], [sflag:s4] =	dma.local [hbm:s3], $0xF7A  }
0x26: {  	[smem:$0x3F92] =	sst s1;
	(tag) =	ssettag s2;
	_ =	strace s9  }
0x27: {  	s1 =	sld [smem:$0x3FA2]  }
0x28: {  	s2 =	sld [smem:$0x3FA3]  }
0x29: {  	s4 =	sld [smem:$0x3FA5]  }
0x2a: {  	p0 =	seq.s32 s5, $0x0;
	s5 =	sld [smem:$0x3FA6]  }
0x2b: {  	s6 =	sld [smem:$0x3FA7]  }
0x2c: {  	s7 =	sld [smem:$0x3FA8]  }
0x2d: {  	s3 =	simm.s32 $0x108;
	s8 =	sld [smem:$0x3FA9]  }
0x2e: {  	s3 =	simm.s32 @!p0 $0x1082;
	s9 =	sld [smem:$0x3FAA]  }
0x2f: {  	lr =	sadd.s32 s0, s3;
	s0 =	sld [smem:$0x3FA1]  }
0x30: {  	s3 =	sld [smem:$0x3FA4]  }
0x31: {  	[smem:$0x3FAD] =	sst s10  }
0x32: {  	s10 =	sld [smem:$0x3FAB];
	_ =	sdelay $0x3  }
0x33: {  	p0 =	seq.s32 s10, $0x1;
	s10 =	sld [smem:$0x3FAD];
	_ =	sdelay $0x3  }
0x34: {  	[smem:$0x3FAD] =	sst s10  }
0x35: {  	s10 =	sld [smem:$0x3FAC];
	_ =	sdelay $0x3  }
0x36: {  	p1 =	seq.s32 s10, $0x1;
	s10 =	sld [smem:$0x3FAD];
	_ =	sdelay $0x3  }
0x37: {  	[smem:$0x3FAD] =	sst s10  }
0x38: {  	s10 =	sld [smem:$0x3FAE]  }
0x39: {  	_ = 	snop;
	(pc) =	sbr.ind lr, $3  }
0x3a: {  	_ = 	snop  }
0x3b: {  	_ = 	snop  }
0x3c: {  	p2 =	seq.s32 s10, $0x1;
	s10 =	sld [smem:$0x3FAD]  }
0x3d: {  	_ =	shalt  }
0x3e: {  	_ =	shalt  }
0x3f: {  	_ =	shalt  }
0x40: {  	_ =	shalt  }
0x41: {  	_ =	shalt  }
0x42: {  	_ =	shalt  }
0x43: {  	_ =	shalt  }
0x44: {  	_ =	shalt  }
0x45: {  	_ =	shalt  }
0x46: {  	_ =	shalt  }
0x47: {  	_ =	shalt  }
0x48: {  	_ =	shalt  }
0x49: {  	_ =	shalt  }
0x4a: {  	_ =	shalt  }
0x4b: {  	_ =	shalt  }
0x4c: {  	_ =	shalt  }
0x4d: {  	_ =	shalt  }
0x4e: {  	_ =	shalt  }
0x4f: {  	_ =	shalt  }
0x50: {  	_ =	shalt  }
0x51: {  	_ =	shalt  }
0x52: {  	_ =	shalt  }
0x53: {  	_ =	shalt  }
0x54: {  	_ =	shalt  }
0x55: {  	_ =	shalt  }
0x56: {  	_ =	shalt  }
0x57: {  	_ =	shalt  }
0x58: {  	_ =	shalt  }
0x59: {  	_ =	shalt  }
0x5a: {  	_ =	shalt  }
0x5b: {  	_ =	shalt  }
0x5c: {  	_ =	shalt  }
0x5d: {  	_ =	shalt  }
0x5e: {  	_ =	shalt  }
0x5f: {  	_ =	shalt  }
0x60: {  	_ =	shalt  }
0x61: {  	_ =	shalt  }
0x62: {  	_ =	shalt  }
0x63: {  	_ =	shalt  }
0x64: {  	_ =	shalt  }
0x65: {  	_ =	shalt  }
0x66: {  	_ =	shalt  }
0x67: {  	_ =	shalt  }
0x68: {  	_ =	shalt  }
0x69: {  	_ =	shalt  }
0x6a: {  	_ =	shalt  }
0x6b: {  	_ =	shalt  }
0x6c: {  	_ =	shalt  }
0x6d: {  	_ =	shalt  }
0x6e: {  	_ =	shalt  }
0x6f: {  	_ =	shalt  }
0x70: {  	_ =	shalt  }
0x71: {  	_ =	shalt  }
0x72: {  	_ =	shalt  }
0x73: {  	_ =	shalt  }
0x74: {  	_ =	shalt  }
0x75: {  	_ =	shalt  }
0x76: {  	_ =	shalt  }
0x77: {  	_ =	shalt  }
0x78: {  	_ =	shalt  }
0x79: {  	_ =	shalt  }
0x7a: {  	_ =	shalt  }
0x7b: {  	_ =	shalt  }
0x7c: {  	_ =	shalt  }
0x7d: {  	_ =	shalt  }
0x7e: {  	_ =	shalt  }
0x7f: {  	_ =	shalt  }
0x80: {  	_ =	shalt  }
0x81: {  	_ =	shalt  }
0x82: {  	_ =	shalt  }
0x83: {  	_ =	shalt  }
0x84: {  	_ =	shalt  }
0x85: {  	_ =	shalt  }
0x86: {  	_ =	shalt  }
0x87: {  	_ =	shalt  }
.Lfunc_end0:
.L_simem_size_0:
called_computation.2_lowered:
.L_overlay_start_0:
0x88: {  	s2 =	sld [smem:$0x3FD9]  }
0x89: {  	s3 =	sld [smem:$0x3FFE];
	_ =	sdelay $0x1  }
0x8a: {  	s1 =	srdreg.scid  }
0x8b: {  	s0 =	sand.u32 $0x1, s1  }
0x8c: {  	s17 =	sshll.u32 s0, $0xA;
	s2 =	sadd.s32 s3, s2  }
0x8d: {  	s2 =	sadd.s32 s2, s17  }
0x8e: {  	[smem:$0x3FB9] =	sst s2  }
0x8f: {  	_ = 	snop  }
0x90: {  	s18 =	sld [smem:$0x3FC7];
	(tm) =	ssettm $0x1  }
0x91: {  	s19 =	sld [smem:$0x3FFB];
	_ =	sdelay $0x3  }
0x92: {  	_ =	strace s19  }
0x93: {  	s2 =	sld [smem:$0x3FFC];
	_ =	sdelay $0x3  }
0x94: {  	_ =	strace s2  }
0x95: {  	s2 =	sld [smem:$0x3FFD];
	_ =	sdelay $0x3  }
0x96: {  	_ =	strace s2  }
0x97: {  	_ =	strace $0x8FFFFFFF  }
0x98: {  	s20 =	sld [smem:$0x3FDB];
	_ =	sdelay $0x1  }
0x99: {  	s4 =	simm.s32 $_scs_section_size  }
0x9a: {  	s5 =	simm.s32 $_size__tile_overlayer_lowered;
	s6 =	simm.s32 $_tile_overlayer_lowered  }
0x9b: {  	s7 =	simm.s32 $0x1BFF;
	s21 =	sshll.u32 s6, $0x1;
	s4 =	sadd.s32 s4, s20  }
0x9c: {  	s22 =	simm.s32 $0x0;
	s5 =	sshll.u32 s5, $0x1;
	s6 =	sadd.s32 s21, s4  }
0x9d: {  	[timem:s22], [sflag:s7] =	dma.local [hbm:s6], s5  }
0x9e: {  	_ =	swait.ge [sflag:s7], s5  }
0x9f: {  	s5 =	ssub.s32 $0x0, s5;
	[sflag:s7] =	ssyncset.done $0x0  }
0xa0: {  	[sflag:s7] =	ssyncadd.s32 s5;
	_ =	sdelay $0x1  }
0xa1: {  	s23 =	simm.s32 $0x1B8B  }
0xa2: {  	_ =	swait.ge [sflag:s23], $0x1  }
0xa3: {  	[sflag:s23] =	ssyncset.done $0x0  }
0xa4: {  	[sflag:s23] =	ssyncadd.s32 $0xFFFFFFFF  }
0xa5: {  	s5 =	sld [smem:$0x0]  }
0xa6: {  	s6 =	sand.u32 $0xFFFFFFFE, s1  }
0xa7: {  	p0 =	sne.s32 s1, s6  }
0xa8: {  	s6 =	sshll.u32 @p0 s6, $0xE  }
0xa9: {  	s6 =	sadd.s32 @p0 $0x11B8D, s6;
	s7 =	sshll.u32 @p0 s5, $0x11  }
0xaa: {  	s6 =	sor.u32 @p0 s7, s6  }
0xab: {  	[sflag:s6] =	ssyncadd.remote.s32 @p0 $0x1;
	_ =	sdelay $0x1  }
0xac: {  	s6 =	simm.s32 @p0 $0x1B8D  }
0xad: {  	_ =	swait.eq @p0 [sflag:s6], $0x1  }
0xae: {  	[sflag:s6] =	ssyncadd.s32 @p0 $0xFFFFFFFF  }
0xaf: {  	s7 =	sshll.u32 @!p0 s1, $0xE  }
0xb0: {  	s7 =	sor.u32 @!p0 $0x4000, s7;
	s6 =	simm.s32 @!p0 $0x1B8D  }
0xb1: {  	s5 =	sshll.u32 @!p0 s5, $0x11;
	s7 =	sadd.s32 @!p0 $0x11B8D, s7;
	_ =	swait.eq @!p0 [sflag:s6], $0x1  }
0xb2: {  	s5 =	sor.u32 @!p0 s5, s7;
	[sflag:s6] =	ssyncadd.s32 @!p0 $0xFFFFFFFF  }
0xb3: {  	s25 =	simm.s32 $0x1B8E;
	s24 =	sld [smem:$0x3FFE];
	[sflag:s5] =	ssyncadd.remote.s32 @!p0 $0x1  }
0xb4: {  	s26 =	simm.s32 $execute0_lowered;
	[smem:$0x3FD2] =	sst s25  }
0xb5: {  	s6 =	sshll.u32 s26, $0x1;
	_ =	strace $0x8000004C;
	[dreg:$0x1] =	wrdreg $0xFFFFFFFF  }
0xb6: {  	s28 =	simm.s32 $_size_execute0_lowered;
	s4 =	sadd.s32 s4, s6;
	[dreg:$0x0] =	wrdreg $0x0  }
0xb7: {  	s6 =	sshll.u32 s28, $0x1;
	[dreg:$0x2] =	wrdreg s4  }
0xb8: {  	[dreg:$0x3] =	wrdreg s6  }
0xb9: {  	[dreg:$0x4] =	wrdreg $0xC0  }
0xba: {  	_ =	task [dreg:s22], $0x5FFFF  }
0xbb: {  	[dreg:$0x1] =	wrdreg $0xFFFFFFFF  }
0xbc: {  	[dreg:$0x0] =	wrdreg $0x60  }
0xbd: {  	[dreg:$0x2] =	wrdreg s18  }
0xbe: {  	[dreg:$0x3] =	wrdreg s24  }
0xbf: {  	[dreg:$0x4] =	wrdreg $0xB  }
0xc0: {  	_ =	task.clear_ibuf [dreg:s22], $0x5FFFF;
	_ =	strace $0x9000004C  }
0xc1: {  	s29 =	simm.s32 $0xB;
	_ =	strace $0x8000004E  }
0xc2: {  	_ =	swait.ge [sflag:s29], $0x1  }
0xc3: {  	[sflag:s29] =	ssyncadd.s32 $0xFFFFFFFF  }
0xc4: {  	_ =	strace $0x9000004E  }
0xc5: {  	_ =	sfence  }
0xc6: {  	s30 =	sld [smem:$0x0];
	_ =	sdelay $0x2  }
0xc7: {  	s31 =	sshll.u32 s1, $0xD;
	s1 =	sshrl.u32 s1, $0x2  }
0xc8: {  	s4 =	sand.u32 $0x4000, s31;
	s1 =	sadd.s32 s1, s30  }
0xc9: {  	s0 =	sor.u32 s4, s0;
	s1 =	sshll.u32 s1, $0x11  }
0xca: {  	s0 =	sor.u32 s1, s0  }
0xcb: {  	s0 =	sadd.s32 $0x8F2B, s0  }
0xcc: {  	[sflag:s0] =	ssyncadd.remote.s32 $0x1  }
0xcd: {  	_ =	sfence.sel $0xFFFF  }
0xce: {  	[dreg:$0x0] =	wrdreg $0xFFFFFFFF;
	(pc) =	sbr.abs _section_cstart, $3  }
0xcf: {  	[dreg:$0x1] =	wrdreg $0xFFFFFFFF  }
0xd0: {  	_ =	task.clear_ibuf [dreg:s22], $0x2FFFF;
	_ =	strace $0x9FFFFFFF  }
0xd1: {  	(tm) =	ssettm $0x7FFFFFFF  }
tec
execute0_lowered:
.L_overlay_start_1:
0x0: {  	(tag) =	ssettag $0x1  }
0x1: {  	s2 =	rddreg [dreg:$0x0]  }
0x2: {  	s8 =	rddreg [dreg:$0x1]  }
0x3: {  	s0 =	rddreg [dreg:$0x2];
	s1 =	stileid.u32  }
0x4: {  	s3 =	srdreg.scid;
	_ =	strace $0x8000004D;
	s4 =	simm.s32 $0x1  }
0x5: {  	s7 =	simm.s32 $0x1;
	s9 =	simm.s32 $0x1;
	s10 =	simm.s32 $0x3  }
0x6: {  	s13 =	simm.s32 $0x0;
	s5 =	sand.u32 $0x1, s3;
	s6 =	sshll.u32 s1, $0x1  }
0x7: {  	s12 =	simm.s32 $0x0;
	s3 =	sadd.s32 $0x1AA00, s8;
	s5 =	sor.u32 s6, s5  }
.Ltmp0:
0x8: {  	[sflag:s4] =	ssyncpa.u1 $0x0;
	p0 =	slt.u32 s5, $0x13;
	(pc) =	sbr.rel .LBB2_1-.Ltmp0, $4  }
0x9: {  	s6 =	simm.s32 $0x2;
	s7 =	simm.s32 @!p0 $0x0;
	p0 =	sne.s32 s5, $0x12  }
0xa: {  	[sflag:s6] =	ssyncpa.u1 $0x0;
	s5 =	smul.u32 $0x1900, s5;
	s9 =	simm.s32 @!p0 $0x0  }
0xb: {  	s8 =	sadd.s32 $0x38400, s8;
	[sflag:s10] =	ssyncpa.u1 $0x0;
	s7 =	sadd.s32 s9, s7  }
0xc: {  	vm0 =	vmmov $0xffff;
	v0 =	vlaneseq.u32;
	s10 =	simm.s32 $0x0;
	s11 =	smov.u32 s5;
	s9 =	sadd.s32 $0x1, s7  }
.LBB2_4:
0xd: {  	_ =	sdelay $0x3  }
0xe: {  	[tilespmem:s22], [sflag:$0x1] =	stream.indirect_vreg.gather [hbm4b:s2+s10], $0x1, v1, vm0, $0x4038;
	[tilespmem:$0xFA00] =	vst v63  }
0xf: {  	s15 =	sadd.s32 s19, s15  }
0x10: {  	v1 =	vld.msk [tilespmem:s15+$0x0 ss:$0x1], $0xffff;
	_ =	sdelay $0x4  }
0x11: {  	vm1 =	vgt.s32 v1, $0x0  }
0x12: {  	p0 =	sgt.s32 s18, $0x0;
	v1 =	vnsel vm1, $0x0, v1  }
0x13: {  	s18 =	simm.s32 @!p0 $0x0;
	v1 =	vmin.u32 v1, $0x4E1FF  }
0x14: {  	s25 =	smin.u32 s18, $0x10;
	v2 =	vshll.u32 v1, $0x2  }
0x15: {  	v3 =	vmov s25;
	v1 =	vand.u32 $0x7F, v1;
	v2 =	vand.u32 $0x1FFE00, v2  }
0x16: {  	vm1 =	vgt.u32 v3, v0;
	v1 =	vor.u32 v1, v2  }
0x17: {  	v2 =	vnsel vm1, $0x7FFFFFFF, v1;
	_ =	sdelay $0x1  }
0x18: {  	s26 =	sand.u32 $0x7E00, s16;
	v3 =	vor.u32 $0x80, v1  }
0x19: {  	s28 =	sand.u32 $0x70, s17;
	(ifvalue) =	ssetifvalue $0x7FFFFFFF;
	s15 =	sadd.s32 s26, s14;
	v3 =	vnsel vm1, $0x7FFFFFFF, v3  }
0x1a: {  	s15 =	sadd.s32 s28, s15;
	(ifvalue) =	ssetifvalue $0x7FFFFFFF  }
0x1b: {  	v4 =	vor.u32 $0x100, v1;
	[tilespmem:s15], [sflag:$0x1] =	stream.indirect_vreg.gather [hbm4b:s2+s10], $0x1, v2, vm0, $0x4038;
	[tilespmem:$0xFA00] =	vst v63  }
0x1c: {  	(ifvalue) =	ssetifvalue $0x7FFFFFFF;
	v2 =	vnsel vm1, $0x7FFFFFFF, v4  }
0x1d: {  	s16 =	sadd.s32 $0x80, s15;
	(ifvalue) =	ssetifvalue $0x7FFFFFFF  }
0x1e: {  	v1 =	vor.u32 $0x180, v1;
	[tilespmem:s16], [sflag:$0x1] =	stream.indirect_vreg.gather [hbm4b:s2+s10], $0x1, v3, vm0, $0x4038;
	[tilespmem:$0xFA00] =	vst v63  }
0x1f: {  	v1 =	vnsel vm1, $0x7FFFFFFF, v1;
	(ifvalue) =	ssetifvalue $0x7FFFFFFF  }
0x20: {  	s29 =	sadd.s32 $0x100, s15;
	(ifvalue) =	ssetifvalue $0x7FFFFFFF  }
0x21: {  	[tilespmem:s29], [sflag:$0x1] =	stream.indirect_vreg.gather [hbm4b:s2+s10], $0x1, v2, vm0, $0x4038;
	[tilespmem:$0xFA00] =	vst v63  }
0x22: {  	(ifvalue) =	ssetifvalue $0x7FFFFFFF  }
0x23: {  	s30 =	sshll.u32 s13, $0x2;
	s15 =	sadd.s32 $0x180, s15;
	(ifvalue) =	ssetifvalue $0x7FFFFFFF  }
0x24: {  	[tilespmem:s15], [sflag:$0x1] =	stream.indirect_vreg.gather [hbm4b:s2+s10], $0x1, v1, vm0, $0x4038;
	[tilespmem:$0xFA00] =	vst v63  }
0x25: {  	s31 =	sand.u32 $0x78, s13;
	s15 =	sand.u32 $0xFFFFFE00, s30  }
0x26: {  	_ =	swait.ge [sflag:s4], $0x6400;
	s13 =	sor.u32 s31, s15  }
0x27: {  	[sflag:s4] =	ssyncset.done $0x0;
	s13 =	sshrl.u32 s13, $0x3  }
0x28: {  	[sflag:s4] =	ssyncadd.s32 $0xFFFF9C00;
	s13 =	sadd.s32 s8, s13  }
0x29: {  	[hbm:s13] =	stream.linear.scatter [tilespmem:s14], [sflag:$0x3], $0x6400, $0x38;
	[tilespmem:$0xFA00] =	vst v63  }
.LBB2_5:
0x2a: {  	s15 =	sadd.s32 $0x32000, s11  }
0x2b: {  	p1 =	sgt.s32 s15, $0x4E1FF  }
0x2c: {  	s15 =	smov.u32 @p1 s5;
	p1 =	sne.s32 s12, s9  }
.Ltmp1:
0x2d: {  	p0 =	slt.u32 s12, $0x2;
	(pc) =	sbr.rel @!p1 .LBB2_6-.Ltmp1, $4  }
0x2e: {  	s14 =	simm.s32 @!p0 $0x3  }
0x2f: {  	_ =	swait.ge @!p0 [sflag:s14], $0x6400  }
0x30: {  	s16 =	sadd.s32 $0x1, s12;
	s13 =	smov.u32 s11;
	[sflag:s14] =	ssyncset.done @!p0 $0x0  }
0x31: {  	s12 =	smov.u32 s16;
	s11 =	smov.u32 s15;
	[sflag:s14] =	ssyncadd.s32 @!p0 $0xFFFF9C00  }
.LBB2_1:
0x32: {  	p0 =	sge.u32 s12, s7  }
0x33: {  	s14 =	sxor.u32 @!p0 $0x1, s12  }
0x34: {  	s14 =	smul.u32 @!p0 $0x6400, s14  }
0x35: {  	s31 =	sadd.s32 $0xFFFFFFFF, s12;
	s15 =	sshrl.u32 @!p0 s11, $0x3  }
0x36: {  	s16 =	sand.u32 @!p0 $0x7, s11;
	s15 =	sadd.s32 @!p0 s3, s15;
	s14 =	sshra.s32 @!p0 s14, $0x2  }
0x37: {  	[tilespmem:s14], [sflag:$0x2] =	stream.linear.gather @!p0 [hbm4b:s15+s16], $0x1900, $0x38;
	[tilespmem:$0xFA00] =	vst v63  }
0x38: {  	p0 =	sge.u32 s31, s7  }
.Ltmp2:
0x39: {  	_ = 	snop;
	(pc) =	sbr.rel @p0 .LBB2_5-.Ltmp2, $1  }
0x3a: {  	_ =	sdelay $0x3  }
0x3b: {  	s14 =	sand.u32 $0x1, s12  }
0x3c: {  	p0 =	seq.s32 s14, $0x1;
	s14 =	simm.s32 $0x6400  }
0x3d: {  	_ =	swait.ge [sflag:s6], $0x1900;
	s14 =	simm.s32 @!p0 $0x0  }
0x3e: {  	[sflag:s6] =	ssyncset.done $0x0;
	s15 =	sshrl.u32 s14, $0x2  }
0x3f: {  	[sflag:s6] =	ssyncadd.s32 $0xFFFFE700;
	s16 =	sadd.s32 $0x0, s15  }
0x40: {  	v1 =	vld.msk [tilespmem:s16+$0x0 ss:$0x1], $0xffff;
	_ =	sdelay $0x2  }
0x41: {  	s17 =	ssub.s32 $0x4E200, s13  }
0x42: {  	p0 =	slt.s32 s17, $0x1900  }
0x43: {  	s17 =	simm.s32 @!p0 $0x1900;
	vm1 =	vgt.s32 v1, $0x0  }
0x44: {  	p0 =	sgt.s32 s17, $0x0;
	s16 =	smov.u32 s17;
	v1 =	vnsel vm1, $0x0, v1  }
0x45: {  	s16 =	simm.s32 @!p0 $0x0;
	v1 =	vmin.u32 v1, $0x4E1FF  }
0x46: {  	s16 =	smin.u32 s16, $0x10;
	v2 =	vshll.u32 v1, $0x2  }
0x47: {  	v3 =	vmov s16;
	v1 =	vand.u32 $0x7F, v1;
	v2 =	vand.u32 $0x1FFE00, v2  }
0x48: {  	vm1 =	vgt.u32 v3, v0;
	v1 =	vor.u32 v1, v2  }
0x49: {  	v2 =	vnsel vm1, $0x7FFFFFFF, v1  }
0x4a: {  	s31 =	simm.s32 $0x0  }
0x4b: {  	s18 =	sand.u32 $0x7E00, s31;
	s14 =	sadd.s32 $0x3200, s14;
	v3 =	vor.u32 $0x80, v1  }
0x4c: {  	s18 =	sadd.s32 s18, s14;
	(ifvalue) =	ssetifvalue $0x7FFFFFFF;
	s16 =	sand.u32 $0x70, s31;
	v3 =	vnsel vm1, $0x7FFFFFFF, v3  }
0x4d: {  	(ifvalue) =	ssetifvalue $0x7FFFFFFF;
	s20 =	sadd.s32 s16, s18  }
0x4e: {  	v4 =	vor.u32 $0x100, v1;
	[tilespmem:s20], [sflag:$0x1] =	stream.indirect_vreg.gather [hbm4b:s2+s10], $0x1, v2, vm0, $0x4038;
	[tilespmem:$0xFA00] =	vst v63  }
0x4f: {  	(ifvalue) =	ssetifvalue $0x7FFFFFFF;
	v2 =	vnsel vm1, $0x7FFFFFFF, v4  }
0x50: {  	s16 =	sadd.s32 $0x80, s20;
	(ifvalue) =	ssetifvalue $0x7FFFFFFF  }
0x51: {  	v1 =	vor.u32 $0x180, v1;
	[tilespmem:s16], [sflag:$0x1] =	stream.indirect_vreg.gather [hbm4b:s2+s10], $0x1, v3, vm0, $0x4038;
	[tilespmem:$0xFA00] =	vst v63  }
0x52: {  	s19 =	simm.s32 $0x10;
	v1 =	vnsel vm1, $0x7FFFFFFF, v1;
	(ifvalue) =	ssetifvalue $0x7FFFFFFF  }
0x53: {  	s21 =	simm.s32 $0x80;
	s18 =	sadd.s32 $0x100, s20;
	(ifvalue) =	ssetifvalue $0x7FFFFFFF  }
0x54: {  	[tilespmem:s18], [sflag:$0x1] =	stream.indirect_vreg.gather [hbm4b:s2+s10], $0x1, v2, vm0, $0x4038;
	[tilespmem:$0xFA00] =	vst v63  }
0x55: {  	s22 =	sadd.s32 $0x180, s20;
	s16 =	simm.s32 $0x40;
	(ifvalue) =	ssetifvalue $0x7FFFFFFF  }
0x56: {  	s18 =	sadd.s32 $0xFFFFFFF0, s17;
	s17 =	simm.s32 $0x10;
	(ifvalue) =	ssetifvalue $0x7FFFFFFF  }
.LBB2_3:
0x57: {  	[tilespmem:s22], [sflag:$0x1] =	stream.indirect_vreg.gather [hbm4b:s2+s10], $0x1, v1, vm0, $0x4038;
	[tilespmem:$0xFA00] =	vst v63  }
0x58: {  	s22 =	smov.u32 s21  }
0x59: {  	s20 =	sadd.s32 $0x40, s21;
	s23 =	sadd.s32 s19, s15;
	s19 =	sshra.s32 s22, $0x2  }
0x5a: {  	p0 =	sne.s32 s21, $0x63C0;
	v1 =	vld.msk [tilespmem:s23+$0x0 ss:$0x1], $0xffff  }
0x5b: {  	(ifvalue) =	ssetifvalue $0x7FFFFFFF;
	_ =	sdelay $0x4  }
0x5c: {  	vm1 =	vgt.s32 v1, $0x0  }
0x5d: {  	p1 =	sgt.s32 s18, $0x0;
	s21 =	smov.u32 s18;
	v1 =	vnsel vm1, $0x0, v1  }
0x5e: {  	s21 =	simm.s32 @!p1 $0x0;
	v1 =	vmin.u32 v1, $0x4E1FF  }
0x5f: {  	s21 =	smin.u32 s21, $0x10;
	v2 =	vshll.u32 v1, $0x2  }
0x60: {  	v3 =	vmov s21;
	v1 =	vand.u32 $0x7F, v1;
	v2 =	vand.u32 $0x1FFE00, v2  }
0x61: {  	vm1 =	vgt.u32 v3, v0;
	v1 =	vor.u32 v1, v2  }
0x62: {  	v2 =	vnsel vm1, $0x7FFFFFFF, v1;
	v3 =	vor.u32 $0x80, v1;
	v4 =	vor.u32 $0x100, v1  }
0x63: {  	v1 =	vor.u32 $0x180, v1  }
0x64: {  	s21 =	sand.u32 $0x7E00, s16;
	s16 =	smov.u32 s22  }
0x65: {  	s22 =	sand.u32 $0x70, s17;
	s21 =	sadd.s32 s21, s14;
	v3 =	vnsel vm1, $0x7FFFFFFF, v3  }
0x66: {  	s21 =	sadd.s32 s22, s21;
	(ifvalue) =	ssetifvalue $0x7FFFFFFF  }
0x67: {  	[tilespmem:s21], [sflag:$0x1] =	stream.indirect_vreg.gather [hbm4b:s2+s10], $0x1, v2, vm0, $0x4038;
	[tilespmem:$0xFA00] =	vst v63  }
0x68: {  	v2 =	vnsel vm1, $0x7FFFFFFF, v4;
	(ifvalue) =	ssetifvalue $0x7FFFFFFF  }
0x69: {  	s22 =	sadd.s32 $0x80, s21;
	(ifvalue) =	ssetifvalue $0x7FFFFFFF  }
0x6a: {  	[tilespmem:s22], [sflag:$0x1] =	stream.indirect_vreg.gather [hbm4b:s2+s10], $0x1, v3, vm0, $0x4038;
	[tilespmem:$0xFA00] =	vst v63  }
.Ltmp3:
0x6b: {  	v1 =	vnsel vm1, $0x7FFFFFFF, v1;
	(ifvalue) =	ssetifvalue $0x7FFFFFFF;
	(pc) =	sbr.rel @p0 .LBB2_3-.Ltmp3, $4  }
0x6c: {  	s22 =	sadd.s32 $0x100, s21;
	(ifvalue) =	ssetifvalue $0x7FFFFFFF  }
0x6d: {  	[tilespmem:s22], [sflag:$0x1] =	stream.indirect_vreg.gather [hbm4b:s2+s10], $0x1, v2, vm0, $0x4038;
	[tilespmem:$0xFA00] =	vst v63  }
0x6e: {  	s18 =	sadd.s32 $0xFFFFFFF0, s18;
	s17 =	sadd.s32 $0x10, s17;
	(ifvalue) =	ssetifvalue $0x7FFFFFFF  }
0x6f: {  	s22 =	sadd.s32 $0x180, s21;
	s21 =	smov.u32 s20;
	(ifvalue) =	ssetifvalue $0x7FFFFFFF  }
.Ltmp4:
0x70: {  	_ = 	snop;
	(pc) =	sbr.rel .LBB2_4-.Ltmp4, $1  }
0x71: {  	_ =	sdelay $0x3  }
.LBB2_6:
0x72: {  	_ =	sfence.sel $0x180000  }
0x73: {  	s2 =	simm.s32 $0x2;
	[bflag:$0x0] =	sbarrier.arrive $0xFFFF  }
0x74: {  	s30 =	simm.s32 $0x3;
	[sflag:s2] =	ssyncpa.u1 $0x1  }
0x75: {  	s31 =	simm.s32 $0x1;
	[sflag:s30] =	ssyncpa.u1 $0x1  }
0x76: {  	[sflag:s31] =	ssyncpa.u1 $0x1  }
0x77: {  	p0 =	sne.s32 s1, $0x0;
	_ =	strace $0x9000004D  }
0x78: {  	s0 =	sadd.s32 @!p0 $0x100000, s0;
	[bflag:$0x2] =	sbarrier.arrive $0xFFFF  }
0x79: {  	[sflag:s0] =	ssyncadd.tile.s32 @!p0 $0x1;
	_ =	shalt  }
.Lfunc_end2:
_tile_overlayer_lowered:
.L_overlay_start_2:
0x7a: {  	(tag) =	ssettag $0x2  }
0x7b: {  	s0 =	rddreg [dreg:$0x0];
	s2 =	stileid.u32  }
0x7c: {  	s1 =	rddreg [dreg:$0x1];
	p0 =	sne.s32 s2, $0x0  }
0x7d: {  	s3 =	rddreg [dreg:$0x2];
	[bflag:$0x3] =	sbarrier.arrive $0xFFFF;
	s2 =	simm.s32 @!p0 $0x1C01  }
0x7e: {  	[timem:s3], [sflag:s2] =	dma.local @!p0 [hbm:s0], s1  }
0x7f: {  	s0 =	simm.s32 @!p0 $0x1  }
0x80: {  	_ =	swait.ge @!p0 [sflag:s0], s1  }
0x81: {  	s1 =	ssub.s32 @!p0 $0x0, s1;
	[sflag:s0] =	ssyncset.done @!p0 $0x0  }
0x82: {  	[sflag:s0] =	ssyncadd.s32 @!p0 s1  }
0x83: {  	[bflag:$0x3] =	sbarrier.arrive $0xFFFF  }
0x84: {  	_ =	shalt  }

// kernel: gather_offload_async_start
scs
__scs_entry_jumppad:
0x0: {  	(pc) =	sbr.rel $0x88, $3  }
0x1: {  	(tag) =	ssettag $0x0;
	lr =	simm.s32 $0x1  }
0x2: {  	[smem:$0x3F92] =	sst lr;
	_ =	strace $0xD0000000  }
0x3: {  	_ = 	snop  }
0x4: {  	_ = 	snop  }
0x5: {  	_ = 	snop  }
0x6: {  	_ = 	snop  }
0x7: {  	_ = 	snop  }
__scs_overlays_trampoline_lowered:
0x8: {  	[smem:$0x3FA1] =	sst s0  }
0x9: {  	[smem:$0x3FA2] =	sst s1  }
0xa: {  	[smem:$0x3FA3] =	sst s2  }
0xb: {  	[smem:$0x3FA4] =	sst s3  }
0xc: {  	[smem:$0x3FA5] =	sst s4  }
0xd: {  	[smem:$0x3FA6] =	sst s5  }
0xe: {  	[smem:$0x3FA7] =	sst s6  }
0xf: {  	[smem:$0x3FA8] =	sst s7  }
0x10: {  	[smem:$0x3FA9] =	sst s8  }
0x11: {  	[smem:$0x3FAA] =	sst s9;
	s0 =	simm.s32 @!p0 $0x0  }
0x12: {  	s1 =	sld [smem:$0x3F90];
	s0 =	simm.s32 @p0 $0x1  }
0x13: {  	[smem:$0x3FAB] =	sst s0;
	s0 =	simm.s32 @!p1 $0x0  }
0x14: {  	s2 =	sld [smem:$0x3F8F];
	s0 =	simm.s32 @p1 $0x1  }
0x15: {  	[smem:$0x3FAC] =	sst s0;
	s0 =	simm.s32 @!p2 $0x0  }
0x16: {  	s3 =	sld [smem:$0x3FDB];
	s0 =	simm.s32 @p2 $0x1  }
0x17: {  	s4 =	simm.s32 $0x1BF5;
	[smem:$0x3FAE] =	sst s0  }
0x18: {  	s0 =	sld [smem:$0x3F91];
	_ =	swait.ge [sflag:s4], $0x0  }
0x19: {  	s7 =	sld [smem:$0x3F92]  }
0x1a: {  	s8 =	sadd.s32 $0xFFFFE003, lr  }
0x1b: {  	s9 =	sadd.s32 $0xFFFFFEF7, lr;
	s5 =	simm.s32 $0xFFFFFFFF;
	p2 =	slt.u32 s8, $0xFFFFF086  }
0x1c: {  	p1 =	slt.u32 s9, $0xF7A;
	s5 =	simm.s32 @!p2 $0x0  }
0x1d: {  	s5 =	simm.s32 @p1 $0x1;
	p0 =	seq.s32 s7, s2  }
0x1e: {  	s7 =	smul.u32 @!p0 $0xF7A, s2;
	p2 =	seq.s32 @!p0 s5, $0x0  }
0x1f: {  	s9 =	smul.u32 $0xF7A, s1;
	s8 =	simm.s32 @!p0 $0x1BF5;
	p2 =	por !p2, p0  }
0x20: {  	[sflag:s8] =	ssyncset.s32 @!p0 $0xFFFFF086;
	s6 =	sadd.s32 @!p0 s3, s7;
	s7 =	simm.s32 @!p0 $0x108  }
0x21: {  	s3 =	sadd.s32 s3, s9;
	s6 =	sadd.s32 @!p0 $0x88, s6;
	s7 =	simm.s32 @p2 $0x1082  }
0x22: {  	[simem:s7], [sflag:s8] =	dma.local @!p0 [hbm:s6], $0xF7A  }
0x23: {  	s9 =	sor.u32 $0xD0000000, s2;
	s6 =	simm.s32 $0x108;
	_ =	swait.ge @!p0 [sflag:s8], $0x0  }
0x24: {  	s3 =	sadd.s32 $0x88, s3;
	s6 =	simm.s32 @!p1 $0x1082;
	[sflag:s4] =	ssyncset.s32 $0xFFFFF086  }
0x25: {  	[simem:s6], [sflag:s4] =	dma.local [hbm:s3], $0xF7A  }
0x26: {  	[smem:$0x3F92] =	sst s1;
	(tag) =	ssettag s2;
	_ =	strace s9  }
0x27: {  	s1 =	sld [smem:$0x3FA2]  }
0x28: {  	s2 =	sld [smem:$0x3FA3]  }
0x29: {  	s4 =	sld [smem:$0x3FA5]  }
0x2a: {  	p0 =	seq.s32 s5, $0x0;
	s5 =	sld [smem:$0x3FA6]  }
0x2b: {  	s6 =	sld [smem:$0x3FA7]  }
0x2c: {  	s7 =	sld [smem:$0x3FA8]  }
0x2d: {  	s3 =	simm.s32 $0x108;
	s8 =	sld [smem:$0x3FA9]  }
0x2e: {  	s3 =	simm.s32 @!p0 $0x1082;
	s9 =	sld [smem:$0x3FAA]  }
0x2f: {  	lr =	sadd.s32 s0, s3;
	s0 =	sld [smem:$0x3FA1]  }
0x30: {  	s3 =	sld [smem:$0x3FA4]  }
0x31: {  	[smem:$0x3FAD] =	sst s10  }
0x32: {  	s10 =	sld [smem:$0x3FAB];
	_ =	sdelay $0x3  }
0x33: {  	p0 =	seq.s32 s10, $0x1;
	s10 =	sld [smem:$0x3FAD];
	_ =	sdelay $0x3  }
0x34: {  	[smem:$0x3FAD] =	sst s10  }
0x35: {  	s10 =	sld [smem:$0x3FAC];
	_ =	sdelay $0x3  }
0x36: {  	p1 =	seq.s32 s10, $0x1;
	s10 =	sld [smem:$0x3FAD];
	_ =	sdelay $0x3  }
0x37: {  	[smem:$0x3FAD] =	sst s10  }
0x38: {  	s10 =	sld [smem:$0x3FAE]  }
0x39: {  	_ = 	snop;
	(pc) =	sbr.ind lr, $3  }
0x3a: {  	_ = 	snop  }
0x3b: {  	_ = 	snop  }
0x3c: {  	p2 =	seq.s32 s10, $0x1;
	s10 =	sld [smem:$0x3FAD]  }
0x3d: {  	_ =	shalt  }
0x3e: {  	_ =	shalt  }
0x3f: {  	_ =	shalt  }
0x40: {  	_ =	shalt  }
0x41: {  	_ =	shalt  }
0x42: {  	_ =	shalt  }
0x43: {  	_ =	shalt  }
0x44: {  	_ =	shalt  }
0x45: {  	_ =	shalt  }
0x46: {  	_ =	shalt  }
0x47: {  	_ =	shalt  }
0x48: {  	_ =	shalt  }
0x49: {  	_ =	shalt  }
0x4a: {  	_ =	shalt  }
0x4b: {  	_ =	shalt  }
0x4c: {  	_ =	shalt  }
0x4d: {  	_ =	shalt  }
0x4e: {  	_ =	shalt  }
0x4f: {  	_ =	shalt  }
0x50: {  	_ =	shalt  }
0x51: {  	_ =	shalt  }
0x52: {  	_ =	shalt  }
0x53: {  	_ =	shalt  }
0x54: {  	_ =	shalt  }
0x55: {  	_ =	shalt  }
0x56: {  	_ =	shalt  }
0x57: {  	_ =	shalt  }
0x58: {  	_ =	shalt  }
0x59: {  	_ =	shalt  }
0x5a: {  	_ =	shalt  }
0x5b: {  	_ =	shalt  }
0x5c: {  	_ =	shalt  }
0x5d: {  	_ =	shalt  }
0x5e: {  	_ =	shalt  }
0x5f: {  	_ =	shalt  }
0x60: {  	_ =	shalt  }
0x61: {  	_ =	shalt  }
0x62: {  	_ =	shalt  }
0x63: {  	_ =	shalt  }
0x64: {  	_ =	shalt  }
0x65: {  	_ =	shalt  }
0x66: {  	_ =	shalt  }
0x67: {  	_ =	shalt  }
0x68: {  	_ =	shalt  }
0x69: {  	_ =	shalt  }
0x6a: {  	_ =	shalt  }
0x6b: {  	_ =	shalt  }
0x6c: {  	_ =	shalt  }
0x6d: {  	_ =	shalt  }
0x6e: {  	_ =	shalt  }
0x6f: {  	_ =	shalt  }
0x70: {  	_ =	shalt  }
0x71: {  	_ =	shalt  }
0x72: {  	_ =	shalt  }
0x73: {  	_ =	shalt  }
0x74: {  	_ =	shalt  }
0x75: {  	_ =	shalt  }
0x76: {  	_ =	shalt  }
0x77: {  	_ =	shalt  }
0x78: {  	_ =	shalt  }
0x79: {  	_ =	shalt  }
0x7a: {  	_ =	shalt  }
0x7b: {  	_ =	shalt  }
0x7c: {  	_ =	shalt  }
0x7d: {  	_ =	shalt  }
0x7e: {  	_ =	shalt  }
0x7f: {  	_ =	shalt  }
0x80: {  	_ =	shalt  }
0x81: {  	_ =	shalt  }
0x82: {  	_ =	shalt  }
0x83: {  	_ =	shalt  }
0x84: {  	_ =	shalt  }
0x85: {  	_ =	shalt  }
0x86: {  	_ =	shalt  }
0x87: {  	_ =	shalt  }
.Lfunc_end0:
.L_simem_size_0:
called_computation_lowered:
.L_overlay_start_0:
0x88: {  	s2 =	sld [smem:$0x3FD9]  }
0x89: {  	s3 =	sld [smem:$0x3FFE];
	_ =	sdelay $0x1  }
0x8a: {  	s1 =	srdreg.scid  }
0x8b: {  	s0 =	sand.u32 $0x1, s1  }
0x8c: {  	s17 =	sshll.u32 s0, $0xA;
	s2 =	sadd.s32 s3, s2  }
0x8d: {  	s2 =	sadd.s32 s2, s17  }
0x8e: {  	[smem:$0x3FB9] =	sst s2  }
0x8f: {  	_ = 	snop  }
0x90: {  	(tm) =	ssettm $0x1  }
0x91: {  	s18 =	sld [smem:$0x3FFB];
	_ =	sdelay $0x3  }
0x92: {  	_ =	strace s18  }
0x93: {  	s2 =	sld [smem:$0x3FFC];
	_ =	sdelay $0x3  }
0x94: {  	_ =	strace s2  }
0x95: {  	s2 =	sld [smem:$0x3FFD];
	_ =	sdelay $0x3  }
0x96: {  	_ =	strace s2  }
0x97: {  	_ =	strace $0x8FFFFFFF  }
0x98: {  	s19 =	sld [smem:$0x3FDB];
	_ =	sdelay $0x1  }
0x99: {  	s20 =	simm.s32 $_scs_section_size  }
0x9a: {  	s4 =	simm.s32 $_size__tile_overlayer_lowered;
	s5 =	simm.s32 $_tile_overlayer_lowered  }
0x9b: {  	s6 =	simm.s32 $0x1BFF;
	s21 =	sshll.u32 s5, $0x1;
	s3 =	sadd.s32 s20, s19  }
0x9c: {  	s22 =	simm.s32 $0x0;
	s4 =	sshll.u32 s4, $0x1;
	s5 =	sadd.s32 s21, s3  }
0x9d: {  	[timem:s22], [sflag:s6] =	dma.local [hbm:s5], s4  }
0x9e: {  	_ =	swait.ge [sflag:s6], s4  }
0x9f: {  	s4 =	ssub.s32 $0x0, s4;
	[sflag:s6] =	ssyncset.done $0x0  }
0xa0: {  	[sflag:s6] =	ssyncadd.s32 s4;
	_ =	sdelay $0x1  }
0xa1: {  	s23 =	simm.s32 $0x1B8B  }
0xa2: {  	_ =	swait.ge [sflag:s23], $0x1  }
0xa3: {  	[sflag:s23] =	ssyncset.done $0x0  }
0xa4: {  	[sflag:s23] =	ssyncadd.s32 $0xFFFFFFFF  }
0xa5: {  	s4 =	sld [smem:$0x0]  }
0xa6: {  	s5 =	sand.u32 $0xFFFFFFFE, s1  }
0xa7: {  	p0 =	sne.s32 s1, s5  }
0xa8: {  	s5 =	sshll.u32 @p0 s5, $0xE  }
0xa9: {  	s5 =	sadd.s32 @p0 $0x11B8D, s5;
	s6 =	sshll.u32 @p0 s4, $0x11  }
0xaa: {  	s5 =	sor.u32 @p0 s6, s5  }
0xab: {  	[sflag:s5] =	ssyncadd.remote.s32 @p0 $0x1;
	_ =	sdelay $0x1  }
0xac: {  	s5 =	simm.s32 @p0 $0x1B8D  }
0xad: {  	_ =	swait.eq @p0 [sflag:s5], $0x1  }
0xae: {  	[sflag:s5] =	ssyncadd.s32 @p0 $0xFFFFFFFF  }
0xaf: {  	s6 =	sshll.u32 @!p0 s1, $0xE  }
0xb0: {  	s6 =	sor.u32 @!p0 $0x4000, s6;
	s5 =	simm.s32 @!p0 $0x1B8D  }
0xb1: {  	s4 =	sshll.u32 @!p0 s4, $0x11;
	s6 =	sadd.s32 @!p0 $0x11B8D, s6;
	_ =	swait.eq @!p0 [sflag:s5], $0x1  }
0xb2: {  	s4 =	sor.u32 @!p0 s4, s6;
	[sflag:s5] =	ssyncadd.s32 @!p0 $0xFFFFFFFF  }
0xb3: {  	s25 =	simm.s32 $0x1B8E;
	s24 =	sld [smem:$0x3FFE];
	[sflag:s4] =	ssyncadd.remote.s32 @!p0 $0x1  }
0xb4: {  	s26 =	simm.s32 $execute0_lowered;
	[smem:$0x3FD2] =	sst s25  }
0xb5: {  	s5 =	sshll.u32 s26, $0x1;
	_ =	strace $0x80000049;
	[dreg:$0x1] =	wrdreg $0xFFFFFFFF  }
0xb6: {  	s28 =	simm.s32 $_size_execute0_lowered;
	s3 =	sadd.s32 s3, s5;
	[dreg:$0x0] =	wrdreg $0x0  }
0xb7: {  	s5 =	sshll.u32 s28, $0x1;
	[dreg:$0x2] =	wrdreg s3  }
0xb8: {  	[dreg:$0x3] =	wrdreg s5  }
0xb9: {  	[dreg:$0x4] =	wrdreg $0xC0  }
0xba: {  	_ =	task [dreg:s22], $0x5FFFF  }
0xbb: {  	[dreg:$0x1] =	wrdreg $0xFFFFFFFF  }
0xbc: {  	[dreg:$0x0] =	wrdreg $0x60  }
0xbd: {  	[dreg:$0x2] =	wrdreg s24  }
0xbe: {  	[dreg:$0x3] =	wrdreg $0x9  }
0xbf: {  	_ =	task.clear_ibuf [dreg:s22], $0x4FFFF;
	_ =	strace $0x90000049  }
0xc0: {  	s29 =	simm.s32 $0x9;
	_ =	strace $0x8000004B  }
0xc1: {  	_ =	swait.ge [sflag:s29], $0x1  }
0xc2: {  	[sflag:s29] =	ssyncadd.s32 $0xFFFFFFFF  }
0xc3: {  	_ =	strace $0x9000004B  }
0xc4: {  	_ =	sfence  }
0xc5: {  	s30 =	sld [smem:$0x0];
	_ =	sdelay $0x2  }
0xc6: {  	s31 =	sshll.u32 s1, $0xD;
	s1 =	sshrl.u32 s1, $0x2  }
0xc7: {  	s4 =	sand.u32 $0x4000, s31;
	s1 =	sadd.s32 s1, s30  }
0xc8: {  	s0 =	sor.u32 s4, s0;
	s1 =	sshll.u32 s1, $0x11  }
0xc9: {  	s0 =	sor.u32 s1, s0  }
0xca: {  	s0 =	sadd.s32 $0x8F2B, s0  }
0xcb: {  	[sflag:s0] =	ssyncadd.remote.s32 $0x1  }
0xcc: {  	_ =	sfence.sel $0xFFFF  }
0xcd: {  	[dreg:$0x0] =	wrdreg $0xFFFFFFFF;
	(pc) =	sbr.abs _section_cstart, $3  }
0xce: {  	[dreg:$0x1] =	wrdreg $0xFFFFFFFF  }
0xcf: {  	_ =	task.clear_ibuf [dreg:s22], $0x2FFFF;
	_ =	strace $0x9FFFFFFF  }
0xd0: {  	(tm) =	ssettm $0x7FFFFFFF  }
0xd1: {  	_ =	shalt  }
tec
execute0_lowered:
.L_overlay_start_1:
0x0: {  	(tag) =	ssettag $0x1  }
0x1: {  	s8 =	rddreg [dreg:$0x0]  }
0x2: {  	s0 =	rddreg [dreg:$0x1];
	_ =	strace $0x8000004A;
	s1 =	stileid.u32  }
0x3: {  	s3 =	srdreg.scid;
	s4 =	simm.s32 $0x1;
	s7 =	simm.s32 $0x1  }
0x4: {  	s9 =	simm.s32 $0x1;
	s10 =	simm.s32 $0x3;
	s13 =	simm.s32 $0x0  }
0x5: {  	s12 =	simm.s32 $0x0;
	s5 =	sand.u32 $0x1, s3;
	s6 =	sshll.u32 s1, $0x1  }
0x6: {  	s2 =	sadd.s32 $0x6E00, s8;
	s3 =	sadd.s32 $0x1AA00, s8;
	s5 =	sor.u32 s6, s5  }
.Ltmp0:
0x7: {  	[sflag:s4] =	ssyncpa.u1 $0x0;
	p0 =	slt.u32 s5, $0x9;
	(pc) =	sbr.rel .LBB2_1-.Ltmp0, $4  }
0x8: {  	s6 =	simm.s32 $0x2;
	s7 =	simm.s32 @!p0 $0x0;
	p0 =	sne.s32 s5, $0x8  }
0x9: {  	[sflag:s6] =	ssyncpa.u1 $0x0;
	s5 =	smul.u32 $0x1F40, s5;
	s9 =	simm.s32 @!p0 $0x0  }
0xa: {  	s8 =	sadd.s32 $0x2E600, s8;
	[sflag:s10] =	ssyncpa.u1 $0x0;
	s7 =	sadd.s32 s9, s7  }
0xb: {  	vm0 =	vmmov $0xffff;
	s10 =	simm.s32 $0x0;
	s11 =	smov.u32 s5;
	s9 =	sadd.s32 $0x1, s7  }
.LBB2_4:
0xc: {  	v2 =	vnsel vm1, $0x0, v2  }
0xd: {  	vm1 =	vgt.s32 v0, $0x0;
	v2 =	vmin.u32 v2, $0x4E1FF  }
0xe: {  	v0 =	vnsel vm1, $0x0, v0  }
0xf: {  	v0 =	vmin.u32 v0, $0x4E1FF  }
0x10: {  	[tilespmem:s18], [sflag:$0x1] =	stream.indirect_vreg.gather [hbm4b:s2+s10], $0x1, v1, vm0, $0x4038;
	[tilespmem:$0x7D00] =	vst v63  }
0x11: {  	(ifvalue) =	ssetifvalue $0x7FFFFFFF  }
0x12: {  	[tilespmem:s15], [sflag:$0x1] =	stream.indirect_vreg.gather [hbm4b:s2+s10], $0x1, v2, vm0, $0x4038;
	[tilespmem:$0x7D00] =	vst v63  }
0x13: {  	s29 =	sadd.s32 $0x10, s15;
	(ifvalue) =	ssetifvalue $0x7FFFFFFF  }
0x14: {  	[tilespmem:s29], [sflag:$0x1] =	stream.indirect_vreg.gather [hbm4b:s2+s10], $0x1, v0, vm0, $0x4038;
	[tilespmem:$0x7D00] =	vst v63  }
0x15: {  	_ =	swait.ge [sflag:s4], $0x1F40  }
0x16: {  	s30 =	sshrl.u32 s13, $0x3;
	[sflag:s4] =	ssyncset.done $0x0  }
0x17: {  	s31 =	sand.u32 $0x7, s13;
	s15 =	sadd.s32 s8, s30;
	[sflag:s4] =	ssyncadd.s32 $0xFFFFE0C0  }
0x18: {  	[hbm4b:s15+s31] =	stream.linear.scatter [tilespmem:s14], [sflag:$0x3], $0x1F40, $0x38;
	[tilespmem:$0x7D00] =	vst v63  }
.LBB2_5:
0x19: {  	s15 =	sadd.s32 $0x3E800, s11  }
0x1a: {  	p1 =	sgt.s32 s15, $0x4E1FF  }
0x1b: {  	s15 =	smov.u32 @p1 s5;
	p1 =	sne.s32 s12, s9  }
.Ltmp1:
0x1c: {  	p0 =	slt.u32 s12, $0x2;
	(pc) =	sbr.rel @!p1 .LBB2_6-.Ltmp1, $4  }
0x1d: {  	s14 =	simm.s32 @!p0 $0x3  }
0x1e: {  	_ =	swait.ge @!p0 [sflag:s14], $0x1F40  }
0x1f: {  	s16 =	sadd.s32 $0x1, s12;
	s13 =	smov.u32 s11;
	[sflag:s14] =	ssyncset.done @!p0 $0x0  }
0x20: {  	s12 =	smov.u32 s16;
	s11 =	smov.u32 s15;
	[sflag:s14] =	ssyncadd.s32 @!p0 $0xFFFFE0C0  }
.LBB2_1:
0x21: {  	p0 =	sge.u32 s12, s7  }
0x22: {  	s14 =	sxor.u32 @!p0 $0x1, s12  }
0x23: {  	s14 =	smul.u32 @!p0 $0x7D00, s14  }
0x24: {  	s31 =	sadd.s32 $0xFFFFFFFF, s12;
	s15 =	sshrl.u32 @!p0 s11, $0x3  }
0x25: {  	s16 =	sand.u32 @!p0 $0x7, s11;
	s15 =	sadd.s32 @!p0 s3, s15;
	s14 =	sshra.s32 @!p0 s14, $0x2  }
0x26: {  	[tilespmem:s14], [sflag:$0x2] =	stream.linear.gather @!p0 [hbm4b:s15+s16], $0x1F40, $0x38;
	[tilespmem:$0x7D00] =	vst v63  }
0x27: {  	p0 =	sge.u32 s31, s7  }
.Ltmp2:
0x28: {  	_ = 	snop;
	(pc) =	sbr.rel @p0 .LBB2_5-.Ltmp2, $1  }
0x29: {  	_ =	sdelay $0x3  }
0x2a: {  	s14 =	sand.u32 $0x1, s12  }
0x2b: {  	_ =	swait.ge [sflag:s6], $0x1F40;
	p0 =	seq.s32 s14, $0x1;
	s14 =	simm.s32 $0x1F40  }
0x2c: {  	[sflag:s6] =	ssyncset.done $0x0;
	s14 =	simm.s32 @!p0 $0x0  }
0x2d: {  	[sflag:s6] =	ssyncadd.s32 $0xFFFFE0C0;
	(ifvalue) =	ssetifvalue $0x7FFFFFFF;
	v0 =	vld.msk [tilespmem:s14+$0x0 ss:$0x1], $0xffff;
	_ =	sdelay $0x4  }
0x2e: {  	s15 =	sadd.s32 $0x10, s14;
	vm1 =	vgt.s32 v0, $0x0  }
0x2f: {  	v2 =	vld.msk [tilespmem:s15+$0x0 ss:$0x1], $0xffff;
	v1 =	vnsel vm1, $0x0, v0  }
0x30: {  	v1 =	vmin.u32 v1, $0x4E1FF;
	_ =	sdelay $0x2  }
0x31: {  	s17 =	simm.s32 $0x20;
	s14 =	sadd.s32 $0x3E80, s14;
	s16 =	sadd.s32 $0x10, s15  }
0x32: {  	s15 =	sadd.s32 $0x10, s14;
	s18 =	smov.u32 s14;
	v0 =	vld.msk [tilespmem:s16+$0x0 ss:$0x1], $0xffff;
	vm1 =	vgt.s32 v2, $0x0;
	(ifvalue) =	ssetifvalue $0x7FFFFFFF  }
.LBB2_3:
0x33: {  	[tilespmem:s18], [sflag:$0x1] =	stream.indirect_vreg.gather [hbm4b:s2+s10], $0x1, v1, vm0, $0x4038;
	[tilespmem:$0x7D00] =	vst v63  }
0x34: {  	s17 =	sadd.s32 $0x10, s17  }
0x35: {  	v2 =	vnsel vm1, $0x0, v2;
	p0 =	slt.u32 s17, $0x1F30  }
.Ltmp3:
0x36: {  	s18 =	smov.u32 s15;
	v1 =	vmin.u32 v2, $0x4E1FF;
	(pc) =	sbr.rel @p0 .LBB2_3-.Ltmp3, $3  }
0x37: {  	_ =	sdelay $0x1  }
0x38: {  	s16 =	sadd.s32 $0x10, s16  }
0x39: {  	vm1 =	vgt.s32 v0, $0x0;
	s15 =	sadd.s32 $0x10, s15;
	v2 =	vmov v0;
	(ifvalue) =	ssetifvalue $0x7FFFFFFF;
	v0 =	vld.msk [tilespmem:s16+$0x0 ss:$0x1], $0xffff  }
.Ltmp4:
0x3a: {  	_ = 	snop;
	(pc) =	sbr.rel .LBB2_4-.Ltmp4, $1  }
0x3b: {  	_ =	sdelay $0x3  }
.LBB2_6:
0x3c: {  	_ =	sfence.sel $0x180000  }
0x3d: {  	s2 =	simm.s32 $0x2;
	[bflag:$0x0] =	sbarrier.arrive $0xFFFF  }
0x3e: {  	s30 =	simm.s32 $0x3;
	[sflag:s2] =	ssyncpa.u1 $0x1  }
0x3f: {  	s31 =	simm.s32 $0x1;
	[sflag:s30] =	ssyncpa.u1 $0x1  }
0x40: {  	[sflag:s31] =	ssyncpa.u1 $0x1  }
0x41: {  	p0 =	sne.s32 s1, $0x0;
	_ =	strace $0x9000004A  }
0x42: {  	s0 =	sadd.s32 @!p0 $0x100000, s0;
	[bflag:$0x2] =	sbarrier.arrive $0xFFFF  }
0x43: {  	[sflag:s0] =	ssyncadd.tile.s32 @!p0 $0x1;
	_ =	shalt  }
.Lfunc_end2:
_tile_overlayer_lowered:
.L_overlay_start_2:
0x44: {  	(tag) =	ssettag $0x2  }
0x45: {  	s0 =	rddreg [dreg:$0x0];
	s2 =	stileid.u32  }
0x46: {  	s1 =	rddreg [dreg:$0x1];
	p0 =	sne.s32 s2, $0x0  }
0x47: {  	s3 =	rddreg [dreg:$0x2];
	[bflag:$0x3] =	sbarrier.arrive $0xFFFF;
	s2 =	simm.s32 @!p0 $0x1C01  }
0x48: {  	[timem:s3], [sflag:s2] =	dma.local @!p0 [hbm:s0], s1  }
0x49: {  	s0 =	simm.s32 @!p0 $0x1  }
0x4a: {  	_ =	swait.ge @!p0 [sflag:s0], s1  }
0x4b: {  	s1 =	ssub.s32 @!p0 $0x0, s1;
	[sflag:s0] =	ssyncset.done @!p0 $0x0  }
0x4c: {  	[sflag:s0] =	ssyncadd.s32 @!p0 s1  }
0x4d: {  	[bflag:$0x3] =	sbarrier.arrive $0xFFFF  }
0x4e: {  	_ =	shalt  }

// kernel: kernel.12.cloned.1.call-start
scs
__scs_entry_jumppad:
0x0: {  	(pc) =	sbr.rel $0x88, $3  }
0x1: {  	(tag) =	ssettag $0x0;
	lr =	simm.s32 $0x1  }
0x2: {  	[smem:$0x3F92] =	sst lr;
	_ =	strace $0xD0000000  }
0x3: {  	_ = 	snop  }
0x4: {  	_ = 	snop  }
0x5: {  	_ = 	snop  }
0x6: {  	_ = 	snop  }
0x7: {  	_ = 	snop  }
__scs_overlays_trampoline_lowered:
0x8: {  	[smem:$0x3FA1] =	sst s0  }
0x9: {  	[smem:$0x3FA2] =	sst s1  }
0xa: {  	[smem:$0x3FA3] =	sst s2  }
0xb: {  	[smem:$0x3FA4] =	sst s3  }
0xc: {  	[smem:$0x3FA5] =	sst s4  }
0xd: {  	[smem:$0x3FA6] =	sst s5  }
0xe: {  	[smem:$0x3FA7] =	sst s6  }
0xf: {  	[smem:$0x3FA8] =	sst s7  }
0x10: {  	[smem:$0x3FA9] =	sst s8  }
0x11: {  	[smem:$0x3FAA] =	sst s9;
	s0 =	simm.s32 @!p0 $0x0  }
0x12: {  	s1 =	sld [smem:$0x3F90];
	s0 =	simm.s32 @p0 $0x1  }
0x13: {  	[smem:$0x3FAB] =	sst s0;
	s0 =	simm.s32 @!p1 $0x0  }
0x14: {  	s2 =	sld [smem:$0x3F8F];
	s0 =	simm.s32 @p1 $0x1  }
0x15: {  	[smem:$0x3FAC] =	sst s0;
	s0 =	simm.s32 @!p2 $0x0  }
0x16: {  	s3 =	sld [smem:$0x3FDB];
	s0 =	simm.s32 @p2 $0x1  }
0x17: {  	s4 =	simm.s32 $0x1BF5;
	[smem:$0x3FAE] =	sst s0  }
0x18: {  	s0 =	sld [smem:$0x3F91];
	_ =	swait.ge [sflag:s4], $0x0  }
0x19: {  	s7 =	sld [smem:$0x3F92]  }
0x1a: {  	s8 =	sadd.s32 $0xFFFFE003, lr  }
0x1b: {  	s9 =	sadd.s32 $0xFFFFFEF7, lr;
	s5 =	simm.s32 $0xFFFFFFFF;
	p2 =	slt.u32 s8, $0xFFFFF086  }
0x1c: {  	p1 =	slt.u32 s9, $0xF7A;
	s5 =	simm.s32 @!p2 $0x0  }
0x1d: {  	s5 =	simm.s32 @p1 $0x1;
	p0 =	seq.s32 s7, s2  }
0x1e: {  	s7 =	smul.u32 @!p0 $0xF7A, s2;
	p2 =	seq.s32 @!p0 s5, $0x0  }
0x1f: {  	s9 =	smul.u32 $0xF7A, s1;
	s8 =	simm.s32 @!p0 $0x1BF5;
	p2 =	por !p2, p0  }
0x20: {  	[sflag:s8] =	ssyncset.s32 @!p0 $0xFFFFF086;
	s6 =	sadd.s32 @!p0 s3, s7;
	s7 =	simm.s32 @!p0 $0x108  }
0x21: {  	s3 =	sadd.s32 s3, s9;
	s6 =	sadd.s32 @!p0 $0x88, s6;
	s7 =	simm.s32 @p2 $0x1082  }
0x22: {  	[simem:s7], [sflag:s8] =	dma.local @!p0 [hbm:s6], $0xF7A  }
0x23: {  	s9 =	sor.u32 $0xD0000000, s2;
	s6 =	simm.s32 $0x108;
	_ =	swait.ge @!p0 [sflag:s8], $0x0  }
0x24: {  	s3 =	sadd.s32 $0x88, s3;
	s6 =	simm.s32 @!p1 $0x1082;
	[sflag:s4] =	ssyncset.s32 $0xFFFFF086  }
0x25: {  	[simem:s6], [sflag:s4] =	dma.local [hbm:s3], $0xF7A  }
0x26: {  	[smem:$0x3F92] =	sst s1;
	(tag) =	ssettag s2;
	_ =	strace s9  }
0x27: {  	s1 =	sld [smem:$0x3FA2]  }
0x28: {  	s2 =	sld [smem:$0x3FA3]  }
0x29: {  	s4 =	sld [smem:$0x3FA5]  }
0x2a: {  	p0 =	seq.s32 s5, $0x0;
	s5 =	sld [smem:$0x3FA6]  }
0x2b: {  	s6 =	sld [smem:$0x3FA7]  }
0x2c: {  	s7 =	sld [smem:$0x3FA8]  }
0x2d: {  	s3 =	simm.s32 $0x108;
	s8 =	sld [smem:$0x3FA9]  }
0x2e: {  	s3 =	simm.s32 @!p0 $0x1082;
	s9 =	sld [smem:$0x3FAA]  }
0x2f: {  	lr =	sadd.s32 s0, s3;
	s0 =	sld [smem:$0x3FA1]  }
0x30: {  	s3 =	sld [smem:$0x3FA4]  }
0x31: {  	[smem:$0x3FAD] =	sst s10  }
0x32: {  	s10 =	sld [smem:$0x3FAB];
	_ =	sdelay $0x3  }
0x33: {  	p0 =	seq.s32 s10, $0x1;
	s10 =	sld [smem:$0x3FAD];
	_ =	sdelay $0x3  }
0x34: {  	[smem:$0x3FAD] =	sst s10  }
0x35: {  	s10 =	sld [smem:$0x3FAC];
	_ =	sdelay $0x3  }
0x36: {  	p1 =	seq.s32 s10, $0x1;
	s10 =	sld [smem:$0x3FAD];
	_ =	sdelay $0x3  }
0x37: {  	[smem:$0x3FAD] =	sst s10  }
0x38: {  	s10 =	sld [smem:$0x3FAE]  }
0x39: {  	_ = 	snop;
	(pc) =	sbr.ind lr, $3  }
0x3a: {  	_ = 	snop  }
0x3b: {  	_ = 	snop  }
0x3c: {  	p2 =	seq.s32 s10, $0x1;
	s10 =	sld [smem:$0x3FAD]  }
0x3d: {  	_ =	shalt  }
0x3e: {  	_ =	shalt  }
0x3f: {  	_ =	shalt  }
0x40: {  	_ =	shalt  }
0x41: {  	_ =	shalt  }
0x42: {  	_ =	shalt  }
0x43: {  	_ =	shalt  }
0x44: {  	_ =	shalt  }
0x45: {  	_ =	shalt  }
0x46: {  	_ =	shalt  }
0x47: {  	_ =	shalt  }
0x48: {  	_ =	shalt  }
0x49: {  	_ =	shalt  }
0x4a: {  	_ =	shalt  }
0x4b: {  	_ =	shalt  }
0x4c: {  	_ =	shalt  }
0x4d: {  	_ =	shalt  }
0x4e: {  	_ =	shalt  }
0x4f: {  	_ =	shalt  }
0x50: {  	_ =	shalt  }
0x51: {  	_ =	shalt  }
0x52: {  	_ =	shalt  }
0x53: {  	_ =	shalt  }
0x54: {  	_ =	shalt  }
0x55: {  	_ =	shalt  }
0x56: {  	_ =	shalt  }
0x57: {  	_ =	shalt  }
0x58: {  	_ =	shalt  }
0x59: {  	_ =	shalt  }
0x5a: {  	_ =	shalt  }
0x5b: {  	_ =	shalt  }
0x5c: {  	_ =	shalt  }
0x5d: {  	_ =	shalt  }
0x5e: {  	_ =	shalt  }
0x5f: {  	_ =	shalt  }
0x60: {  	_ =	shalt  }
0x61: {  	_ =	shalt  }
0x62: {  	_ =	shalt  }
0x63: {  	_ =	shalt  }
0x64: {  	_ =	shalt  }
0x65: {  	_ =	shalt  }
0x66: {  	_ =	shalt  }
0x67: {  	_ =	shalt  }
0x68: {  	_ =	shalt  }
0x69: {  	_ =	shalt  }
0x6a: {  	_ =	shalt  }
0x6b: {  	_ =	shalt  }
0x6c: {  	_ =	shalt  }
0x6d: {  	_ =	shalt  }
0x6e: {  	_ =	shalt  }
0x6f: {  	_ =	shalt  }
0x70: {  	_ =	shalt  }
0x71: {  	_ =	shalt  }
0x72: {  	_ =	shalt  }
0x73: {  	_ =	shalt  }
0x74: {  	_ =	shalt  }
0x75: {  	_ =	shalt  }
0x76: {  	_ =	shalt  }
0x77: {  	_ =	shalt  }
0x78: {  	_ =	shalt  }
0x79: {  	_ =	shalt  }
0x7a: {  	_ =	shalt  }
0x7b: {  	_ =	shalt  }
0x7c: {  	_ =	shalt  }
0x7d: {  	_ =	shalt  }
0x7e: {  	_ =	shalt  }
0x7f: {  	_ =	shalt  }
0x80: {  	_ =	shalt  }
0x81: {  	_ =	shalt  }
0x82: {  	_ =	shalt  }
0x83: {  	_ =	shalt  }
0x84: {  	_ =	shalt  }
0x85: {  	_ =	shalt  }
0x86: {  	_ =	shalt  }
0x87: {  	_ =	shalt  }
.Lfunc_end0:
.L_simem_size_0:
called_computation.3_lowered:
.L_overlay_start_0:
0x88: {  	s2 =	sld [smem:$0x3FD9]  }
0x89: {  	s3 =	sld [smem:$0x3FFE];
	_ =	sdelay $0x1  }
0x8a: {  	s1 =	srdreg.scid  }
0x8b: {  	s0 =	sand.u32 $0x1, s1  }
0x8c: {  	s17 =	sshll.u32 s0, $0xA;
	s2 =	sadd.s32 s3, s2  }
0x8d: {  	s2 =	sadd.s32 s2, s17  }
0x8e: {  	[smem:$0x3FB9] =	sst s2  }
0x8f: {  	_ = 	snop  }
0x90: {  	s2 =	sld [smem:$0x3FD0];
	(tm) =	ssettm $0x1  }
0x91: {  	s18 =	sld [smem:$0x3FFB];
	_ =	sdelay $0x3  }
0x92: {  	_ =	strace s18  }
0x93: {  	s3 =	sld [smem:$0x3FFC];
	_ =	sdelay $0x3  }
0x94: {  	_ =	strace s3  }
0x95: {  	s3 =	sld [smem:$0x3FFD];
	_ =	sdelay $0x3  }
0x96: {  	_ =	strace s3  }
0x97: {  	_ =	strace $0x8FFFFFFF  }
0x98: {  	s19 =	sld [smem:$0x3FDB];
	_ =	sdelay $0x1  }
0x99: {  	s4 =	simm.s32 $_scs_section_size  }
0x9a: {  	s5 =	simm.s32 $_size__tile_overlayer_lowered;
	s6 =	simm.s32 $_tile_overlayer_lowered  }
0x9b: {  	s22 =	simm.s32 $0x1BFF;
	s21 =	sshll.u32 s6, $0x1;
	s3 =	sadd.s32 s4, s19  }
0x9c: {  	s7 =	simm.s32 $0x0;
	s20 =	sshll.u32 s5, $0x1;
	s5 =	sadd.s32 s21, s3  }
0x9d: {  	[timem:s7], [sflag:s22] =	dma.local [hbm:s5], s20  }
0x9e: {  	_ =	swait.ge [sflag:s22], s20  }
0x9f: {  	s4 =	ssub.s32 $0x0, s20;
	[sflag:s22] =	ssyncset.done $0x0  }
0xa0: {  	[sflag:s22] =	ssyncadd.s32 s4;
	_ =	sdelay $0x1  }
0xa1: {  	s23 =	simm.s32 $0x1B8B  }
0xa2: {  	_ =	swait.ge [sflag:s23], $0x1  }
0xa3: {  	[sflag:s23] =	ssyncset.done $0x0  }
0xa4: {  	s25 =	simm.s32 $0x1B8E;
	s24 =	sld [smem:$0x3FFE];
	[sflag:s23] =	ssyncadd.s32 $0xFFFFFFFF  }
0xa5: {  	s26 =	simm.s32 $execute0_lowered;
	[smem:$0x3FD2] =	sst s25  }
0xa6: {  	s5 =	sshll.u32 s26, $0x1;
	_ =	strace $0x8000004F;
	[dreg:$0x1] =	wrdreg $0xFFFFFFFF  }
0xa7: {  	s28 =	simm.s32 $_size_execute0_lowered;
	s3 =	sadd.s32 s3, s5;
	[dreg:$0x0] =	wrdreg $0x0  }
0xa8: {  	s5 =	sshll.u32 s28, $0x1;
	[dreg:$0x2] =	wrdreg s3  }
0xa9: {  	[dreg:$0x3] =	wrdreg s5  }
0xaa: {  	[dreg:$0x4] =	wrdreg $0xC0  }
0xab: {  	_ =	task [dreg:s7], $0x5FFFF  }
0xac: {  	[dreg:$0x1] =	wrdreg $0xFFFFFFFF  }
0xad: {  	[dreg:$0x0] =	wrdreg $0x60  }
0xae: {  	[dreg:$0x2] =	wrdreg s2  }
0xaf: {  	[dreg:$0x3] =	wrdreg s24  }
0xb0: {  	[dreg:$0x4] =	wrdreg $0x81000  }
0xb1: {  	[dreg:$0x5] =	wrdreg $0x9  }
0xb2: {  	_ =	task.clear_ibuf [dreg:s7], $0x6FFFF;
	_ =	strace $0x9000004F  }
0xb3: {  	s29 =	simm.s32 $0x9;
	_ =	strace $0x80000051  }
0xb4: {  	_ =	swait.ge [sflag:s29], $0x1  }
0xb5: {  	[sflag:s29] =	ssyncadd.s32 $0xFFFFFFFF  }
0xb6: {  	_ =	strace $0x90000051  }
0xb7: {  	_ =	sfence  }
0xb8: {  	s30 =	sld [smem:$0x0];
	_ =	sdelay $0x2  }
0xb9: {  	s31 =	sshll.u32 s1, $0xD;
	s1 =	sshrl.u32 s1, $0x2  }
0xba: {  	s3 =	sand.u32 $0x4000, s31;
	s1 =	sadd.s32 s1, s30  }
0xbb: {  	s0 =	sor.u32 s3, s0;
	s1 =	sshll.u32 s1, $0x11  }
0xbc: {  	s0 =	sor.u32 s1, s0  }
0xbd: {  	s0 =	sadd.s32 $0x8F2B, s0  }
0xbe: {  	[sflag:s0] =	ssyncadd.remote.s32 $0x1  }
0xbf: {  	_ =	sfence.sel $0xFFFF  }
0xc0: {  	[dreg:$0x0] =	wrdreg $0xFFFFFFFF;
	(pc) =	sbr.abs _section_cstart, $3  }
0xc1: {  	[dreg:$0x1] =	wrdreg $0xFFFFFFFF  }
0xc2: {  	_ =	task.clear_ibuf [dreg:s7], $0x2FFFF;
	_ =	strace $0x9FFFFFFF  }
0xc3: {  	(tm) =	ssettm $0x7FFFFFFF  }
tec
execute0_lowered:
.L_overlay_start_1:
0x0: {  	(tag) =	ssettag $0x1  }
0x1: {  	s0 =	rddreg [dreg:$0x0]  }
0x2: {  	s8 =	rddreg [dreg:$0x1];
	s1 =	srdreg.scid  }
0x3: {  	s3 =	rddreg [dreg:$0x2];
	s2 =	stileid.u32  }
0x4: {  	s4 =	simm.s32 $0x0;
	s16 =	simm.s32 $0x4100;
	s17 =	simm.s32 $0x2  }
0x5: {  	s18 =	simm.s32 $0x80;
	s19 =	simm.s32 $0x100;
	s20 =	simm.s32 $0x1  }
0x6: {  	s9 =	sand.u32 $0x1, s1;
	s1 =	rddreg [dreg:$0x3];
	s7 =	smul.u32 $0x13C00, s2  }
0x7: {  	[smem:$0x7FF] =	sst s4;
	s5 =	sadd.s32 $0x6E00, s8;
	s11 =	smul.u32 $0x4F000, s2  }
0x8: {  	s21 =	sshll.u32 s2, $0x6;
	s6 =	smul.u32 $0x13C000, s9;
	_ =	strace $0x80000050  }
0x9: {  	s30 =	ssub.s32 $0x2, s9;
	s9 =	sshll.u32 s9, $0x4;
	s21 =	sor.u32 $0x1C02, s21  }
0xa: {  	s31 =	sshrl.u32 s30, $0x1;
	s11 =	sshrl.u32 s11, $0x2;
	s9 =	sor.u32 s2, s9  }
0xb: {  	s7 =	sadd.s32 s7, s6;
	s6 =	sadd.s32 $0x5FE00, s8;
	s15 =	ssub.s32 s30, s31  }
0xc: {  	s9 =	smul.u32 $0x2780, s9;
	s10 =	sshrl.u32 s7, $0x3;
	s7 =	sadd.s32 $0xA3BC00, s8  }
0xd: {  	s15 =	smax.u32 s15, $0x1;
	s14 =	sadd.s32 s10, s8;
	s8 =	sadd.s32 s11, s3  }
0xe: {  	s10 =	sadd.s32 $0x4000, s8;
	s11 =	sadd.s32 $0x8000, s8;
	s12 =	sadd.s32 $0xC000, s8  }
0xf: {  	v0 =	vimm.f32 $0.0e+00;
	s13 =	sadd.s32 $0x10000, s8;
	s14 =	sadd.s32 $0x69C00, s14;
	s22 =	sshrl.u32 s8, $0x3  }
.LBB2_1:
0x10: {  	s23 =	simm.s32 $0x0;
	s24 =	simm.s32 $0x200  }
.LBB2_2:
0x11: {  	p0 =	sne.s32 s24, $0xFE00;
	[tilespmem:s23+$0x4170] =	vst v0  }
0x12: {  	[tilespmem:s23+$0x4100] =	vst v0  }
0x13: {  	[tilespmem:s23+$0x4110] =	vst v0  }
.Ltmp0:
0x14: {  	[tilespmem:s23+$0x4120] =	vst v0;
	(pc) =	sbr.rel @p0 .LBB2_2-.Ltmp0, $4  }
0x15: {  	[tilespmem:s23+$0x4130] =	vst v0  }
0x16: {  	[tilespmem:s23+$0x4140] =	vst v0  }
0x17: {  	[tilespmem:s23+$0x4150] =	vst v0  }
0x18: {  	[tilespmem:s23+$0x4160] =	vst v0;
	s23 =	sshra.s32 s24, $0x2;
	s24 =	sadd.s32 $0x200, s24  }
0x19: {  	[tilespmem:s23+$0x4170] =	vst v0  }
0x1a: {  	[tilespmem:s23+$0x4100] =	vst v0  }
0x1b: {  	[tilespmem:s23+$0x4110] =	vst v0  }
0x1c: {  	[tilespmem:s23+$0x4120] =	vst v0  }
0x1d: {  	[tilespmem:s23+$0x4130] =	vst v0  }
0x1e: {  	[tilespmem:s23+$0x4140] =	vst v0  }
0x1f: {  	[tilespmem:s23+$0x4150] =	vst v0  }
0x20: {  	[tilespmem:s23+$0x4160] =	vst v0  }
0x21: {  	[spmem:s8] =	stream.linear.scatter [tilespmem:s16], [sflag:$0x2], $0x4000, $0x38;
	[tilespmem:$0x1BD00] =	vst v63  }
0x22: {  	_ =	swait.ge [sflag:s17], $0x4000  }
0x23: {  	[sflag:s17] =	ssyncset.done $0x0  }
0x24: {  	[sflag:s17] =	ssyncadd.s32 $0xFFFFC000  }
0x25: {  	[spmem:s10] =	stream.linear.scatter [tilespmem:s16], [sflag:$0x2], $0x4000, $0x38;
	[tilespmem:$0x1BD00] =	vst v63  }
0x26: {  	_ =	swait.ge [sflag:s17], $0x4000  }
0x27: {  	[sflag:s17] =	ssyncset.done $0x0  }
0x28: {  	[sflag:s17] =	ssyncadd.s32 $0xFFFFC000  }
0x29: {  	[spmem:s11] =	stream.linear.scatter [tilespmem:s16], [sflag:$0x2], $0x4000, $0x38;
	[tilespmem:$0x1BD00] =	vst v63  }
0x2a: {  	_ =	swait.ge [sflag:s17], $0x4000  }
0x2b: {  	[sflag:s17] =	ssyncset.done $0x0  }
0x2c: {  	[sflag:s17] =	ssyncadd.s32 $0xFFFFC000  }
0x2d: {  	[spmem:s12] =	stream.linear.scatter [tilespmem:s16], [sflag:$0x2], $0x4000, $0x38;
	[tilespmem:$0x1BD00] =	vst v63  }
0x2e: {  	_ =	swait.ge [sflag:s17], $0x4000  }
0x2f: {  	[sflag:s17] =	ssyncset.done $0x0  }
0x30: {  	[sflag:s17] =	ssyncadd.s32 $0xFFFFC000  }
0x31: {  	[spmem:s13] =	stream.linear.scatter [tilespmem:s16], [sflag:$0x2], $0x3C00, $0x38;
	[tilespmem:$0x1BD00] =	vst v63  }
0x32: {  	_ =	swait.ge [sflag:s17], $0x3C00  }
0x33: {  	[sflag:s17] =	ssyncset.done $0x0  }
0x34: {  	[sflag:s17] =	ssyncadd.s32 $0xFFFFC400  }
0x35: {  	s23 =	simm.s32 $0x0;
	s24 =	simm.s32 $0x0;
	[bflag:$0x0] =	sbarrier.arrive $0xFFFF  }
.LBB2_4:
0x36: {  	s25 =	sshll.u32 s24, $0x7  }
0x37: {  	s25 =	sadd.s32 s9, s25  }
0x38: {  	s26 =	sshrl.u32 s25, $0x3  }
0x39: {  	s28 =	sadd.s32 s5, s26  }
0x3a: {  	[tilespmem:s23], [sflag:$0x2] =	stream.linear.gather [hbm4b:s28+s23], $0x80, $0x38;
	[tilespmem:$0x1BD00] =	vst v63  }
0x3b: {  	_ =	swait.ge [sflag:s17], $0x80  }
0x3c: {  	[sflag:s17] =	ssyncset.done $0x0  }
0x3d: {  	s26 =	sadd.s32 s6, s26;
	[sflag:s17] =	ssyncadd.s32 $0xFFFFFF80  }
0x3e: {  	[tilespmem:s18], [sflag:$0x2] =	stream.linear.gather [hbm4b:s26+s23], $0x80, $0x38;
	[tilespmem:$0x1BD00] =	vst v63  }
0x3f: {  	_ =	swait.ge [sflag:s17], $0x80  }
0x40: {  	s25 =	sshll.u32 s25, $0x4;
	[sflag:s17] =	ssyncset.done $0x0  }
0x41: {  	s25 =	sadd.s32 s7, s25;
	[sflag:s17] =	ssyncadd.s32 $0xFFFFFF80  }
0x42: {  	[tilespmem:s19], [sflag:$0x2] =	stream.linear.gather [hbm4b:s25+s23], $0x4000, $0x38;
	[tilespmem:$0x1BD00] =	vst v63  }
0x43: {  	_ =	swait.ge [sflag:s17], $0x4000  }
0x44: {  	[sflag:s17] =	ssyncset.done $0x0  }
0x45: {  	[sflag:s17] =	ssyncadd.s32 $0xFFFFC000  }
0x46: {  	[tilespmem:s16], [sflag:$0x1] =	stream.indirect.gather [hbm4b:s0+s18], $0x80, s23, s18, $0xb8;
	[tilespmem:$0x1BD00] =	vst v63  }
0x47: {  	_ =	swait.ge [sflag:s20], $0x4000  }
0x48: {  	[sflag:s20] =	ssyncset.done $0x0  }
0x49: {  	s25 =	simm.s32 $0x0;
	[sflag:s20] =	ssyncadd.s32 $0xFFFFC000  }
0x4a: {  	v7 =	vld [tilespmem:s25+$0x100]  }
0x4b: {  	v12 =	vld [tilespmem:s25+$0x110]  }
0x4c: {  	v6 =	vld [tilespmem:s25+$0x120]  }
0x4d: {  	v5 =	vld [tilespmem:s25+$0x130]  }
0x4e: {  	v4 =	vld [tilespmem:s25+$0x140]  }
0x4f: {  	v3 =	vld [tilespmem:s25+$0x150]  }
0x50: {  	v2 =	vld [tilespmem:s25+$0x160]  }
0x51: {  	v1 =	vld [tilespmem:s25+$0x170]  }
0x52: {  	v13 =	vld [tilespmem:s25+$0x4100]  }
0x53: {  	v14 =	vld [tilespmem:s25+$0x4110]  }
0x54: {  	v11 =	vld [tilespmem:s25+$0x4120]  }
0x55: {  	v10 =	vld [tilespmem:s25+$0x4130]  }
0x56: {  	v9 =	vld [tilespmem:s25+$0x4140]  }
0x57: {  	v8 =	vld [tilespmem:s25+$0x4150];
	v13 =	vadd.f32 v7, v13  }
0x58: {  	s26 =	simm.s32 $0x200;
	v12 =	vadd.f32 v12, v14;
	v7 =	vld [tilespmem:s25+$0x4160]  }
.LBB2_5:
0x59: {  	s28 =	sshra.s32 s26, $0x2;
	p0 =	sne.s32 s26, $0xFE00;
	v13 =	vmax.f32 v13, $0.0e+00;
	v6 =	vadd.f32 v6, v11;
	v11 =	vld [tilespmem:s25+$0x4170]  }
0x5a: {  	v14 =	vld [tilespmem:s28+$0x100];
	[tilespmem:s25+$0x4100] =	vst v13;
	v12 =	vmax.f32 v12, $0.0e+00;
	v5 =	vadd.f32 v5, v10  }
0x5b: {  	v15 =	vld [tilespmem:s28+$0x110];
	[tilespmem:s25+$0x4110] =	vst v12;
	v10 =	vmax.f32 v6, $0.0e+00;
	v4 =	vadd.f32 v4, v9  }
0x5c: {  	v6 =	vld [tilespmem:s28+$0x120];
	[tilespmem:s25+$0x4120] =	vst v10;
	v9 =	vmax.f32 v5, $0.0e+00;
	v3 =	vadd.f32 v3, v8  }
0x5d: {  	v5 =	vld [tilespmem:s28+$0x130];
	[tilespmem:s25+$0x4130] =	vst v9;
	v8 =	vmax.f32 v4, $0.0e+00;
	v2 =	vadd.f32 v2, v7  }
0x5e: {  	v4 =	vld [tilespmem:s28+$0x140];
	[tilespmem:s25+$0x4140] =	vst v8;
	v7 =	vmax.f32 v3, $0.0e+00;
	v1 =	vadd.f32 v1, v11  }
0x5f: {  	v3 =	vld [tilespmem:s28+$0x150];
	[tilespmem:s25+$0x4150] =	vst v7;
	v7 =	vmax.f32 v2, $0.0e+00  }
0x60: {  	v2 =	vld [tilespmem:s28+$0x160];
	[tilespmem:s25+$0x4160] =	vst v7;
	v7 =	vmax.f32 v1, $0.0e+00  }
0x61: {  	v1 =	vld [tilespmem:s28+$0x170];
	[tilespmem:s25+$0x4170] =	vst v7;
	s25 =	smov.u32 s28  }
0x62: {  	v7 =	vld [tilespmem:s25+$0x4100]  }
0x63: {  	v12 =	vld [tilespmem:s25+$0x4110]  }
.Ltmp1:
0x64: {  	v11 =	vld [tilespmem:s25+$0x4120];
	(pc) =	sbr.rel @p0 .LBB2_5-.Ltmp1, $4  }
0x65: {  	v10 =	vld [tilespmem:s25+$0x4130]  }
0x66: {  	v9 =	vld [tilespmem:s25+$0x4140]  }
0x67: {  	v13 =	vadd.f32 v14, v7;
	v8 =	vld [tilespmem:s25+$0x4150]  }
0x68: {  	s26 =	sadd.s32 $0x200, s26;
	v12 =	vadd.f32 v15, v12;
	v7 =	vld [tilespmem:s25+$0x4160]  }
0x69: {  	v13 =	vmax.f32 v13, $0.0e+00;
	v6 =	vadd.f32 v6, v11;
	v63 =	vld [tilespmem:s25+$0x4170]  }
0x6a: {  	[tilespmem:s25+$0x4100] =	vst v13;
	v12 =	vmax.f32 v12, $0.0e+00;
	v5 =	vadd.f32 v5, v10  }
0x6b: {  	[tilespmem:s25+$0x4110] =	vst v12;
	v6 =	vmax.f32 v6, $0.0e+00;
	v4 =	vadd.f32 v4, v9  }
0x6c: {  	[tilespmem:s25+$0x4120] =	vst v6;
	v5 =	vmax.f32 v5, $0.0e+00;
	v3 =	vadd.f32 v3, v8  }
0x6d: {  	[tilespmem:s25+$0x4130] =	vst v5;
	v4 =	vmax.f32 v4, $0.0e+00;
	v2 =	vadd.f32 v2, v7  }
0x6e: {  	[tilespmem:s25+$0x4140] =	vst v4;
	v3 =	vmax.f32 v3, $0.0e+00;
	v1 =	vadd.f32 v1, v63  }
0x6f: {  	s24 =	sadd.s32 $0x1, s24;
	[tilespmem:s25+$0x4150] =	vst v3;
	v2 =	vmax.f32 v2, $0.0e+00  }
0x70: {  	p0 =	sne.s32 s24, $0x4F;
	[tilespmem:s25+$0x4160] =	vst v2;
	v1 =	vmax.f32 v1, $0.0e+00  }
.Ltmp2:
0x71: {  	[tilespmem:s25+$0x4170] =	vst v1;
	(pc) =	sbr.rel @p0 .LBB2_4-.Ltmp2, $4  }
0x72: {  	[spmem:s3] =	stream.indirect.scatter.add.f32 [tilespmem:s16], [sflag:$0x2], $0x80, s18, s18, $0xb8;
	[tilespmem:$0x1BD00] =	vst v63  }
0x73: {  	_ =	swait.ge [sflag:s17], $0x4000  }
0x74: {  	[sflag:s17] =	ssyncset.done $0x0  }
0x75: {  	[sflag:s17] =	ssyncadd.s32 $0xFFFFC000  }
0x76: {  	s4 =	sadd.s32 $0x1, s4  }
0x77: {  	p0 =	sne.s32 s4, s15  }
.Ltmp3:
0x78: {  	[bflag:$0x0] =	sbarrier.arrive $0xFFFF;
	(pc) =	sbr.rel @p0 .LBB2_1-.Ltmp3, $4  }
0x79: {  	[hbm:s14], [sflag:s21] =	dma.local [spmem:s22], $0x2780  }
0x7a: {  	_ =	swait.ge [sflag:s17], $0x2780  }
0x7b: {  	[sflag:s17] =	ssyncset.done $0x0  }
0x7c: {  	[sflag:s17] =	ssyncadd.s32 $0xFFFFD880  }
0x7d: {  	_ =	sfence.sel $0x180000  }
0x7e: {  	[bflag:$0x0] =	sbarrier.arrive $0xFFFF  }
0x7f: {  	p0 =	sne.s32 s2, $0x0;
	_ =	strace $0x90000050  }
0x80: {  	s0 =	sadd.s32 @!p0 $0x100000, s1;
	[bflag:$0x2] =	sbarrier.arrive $0xFFFF  }
0x81: {  	[sflag:s0] =	ssyncadd.tile.s32 @!p0 $0x1;
	_ =	shalt  }
.Lfunc_end2:
_tile_overlayer_lowered:
.L_overlay_start_2:
0x82: {  	(tag) =	ssettag $0x2  }
0x83: {  	s0 =	rddreg [dreg:$0x0];
	s2 =	stileid.u32  }
0x84: {  	s1 =	rddreg [dreg:$0x1];
	p0 =	sne.s32 s2, $0x0  }
0x85: {  	s3 =	rddreg [dreg:$0x2];
	[bflag:$0x3] =	sbarrier.arrive $0xFFFF;
	s2 =	simm.s32 @!p0 $0x1C02  }
0x86: {  	[timem:s3], [sflag:s2] =	dma.local @!p0 [hbm:s0], s1  }
0x87: {  	s0 =	simm.s32 @!p0 $0x2  }
0x88: {  	_ =	swait.ge @!p0 [sflag:s0], s1  }
0x89: {  	s1 =	ssub.s32 @!p0 $0x0, s1;
	[sflag:s0] =	ssyncset.done @!p0 $0x0  }
0x8a: {  	[sflag:s0] =	ssyncadd.s32 @!p0 s1  }
0x8b: {  	[bflag:$0x3] =	sbarrier.arrive $0xFFFF  }
0x8c: {  	_ =	shalt  }

// kernel: kernel.15.cloned.1.call-start
scs
__scs_entry_jumppad:
0x0: {  	(pc) =	sbr.rel $0x88, $3  }
0x1: {  	(tag) =	ssettag $0x0;
	lr =	simm.s32 $0x1  }
0x2: {  	[smem:$0x3F92] =	sst lr;
	_ =	strace $0xD0000000  }
0x3: {  	_ = 	snop  }
0x4: {  	_ = 	snop  }
0x5: {  	_ = 	snop  }
0x6: {  	_ = 	snop  }
0x7: {  	_ = 	snop  }
__scs_overlays_trampoline_lowered:
0x8: {  	[smem:$0x3FA1] =	sst s0  }
0x9: {  	[smem:$0x3FA2] =	sst s1  }
0xa: {  	[smem:$0x3FA3] =	sst s2  }
0xb: {  	[smem:$0x3FA4] =	sst s3  }
0xc: {  	[smem:$0x3FA5] =	sst s4  }
0xd: {  	[smem:$0x3FA6] =	sst s5  }
0xe: {  	[smem:$0x3FA7] =	sst s6  }
0xf: {  	[smem:$0x3FA8] =	sst s7  }
0x10: {  	[smem:$0x3FA9] =	sst s8  }
0x11: {  	[smem:$0x3FAA] =	sst s9;
	s0 =	simm.s32 @!p0 $0x0  }
0x12: {  	s1 =	sld [smem:$0x3F90];
	s0 =	simm.s32 @p0 $0x1  }
0x13: {  	[smem:$0x3FAB] =	sst s0;
	s0 =	simm.s32 @!p1 $0x0  }
0x14: {  	s2 =	sld [smem:$0x3F8F];
	s0 =	simm.s32 @p1 $0x1  }
0x15: {  	[smem:$0x3FAC] =	sst s0;
	s0 =	simm.s32 @!p2 $0x0  }
0x16: {  	s3 =	sld [smem:$0x3FDB];
	s0 =	simm.s32 @p2 $0x1  }
0x17: {  	s4 =	simm.s32 $0x1BF5;
	[smem:$0x3FAE] =	sst s0  }
0x18: {  	s0 =	sld [smem:$0x3F91];
	_ =	swait.ge [sflag:s4], $0x0  }
0x19: {  	s7 =	sld [smem:$0x3F92]  }
0x1a: {  	s8 =	sadd.s32 $0xFFFFE003, lr  }
0x1b: {  	s9 =	sadd.s32 $0xFFFFFEF7, lr;
	s5 =	simm.s32 $0xFFFFFFFF;
	p2 =	slt.u32 s8, $0xFFFFF086  }
0x1c: {  	p1 =	slt.u32 s9, $0xF7A;
	s5 =	simm.s32 @!p2 $0x0  }
0x1d: {  	s5 =	simm.s32 @p1 $0x1;
	p0 =	seq.s32 s7, s2  }
0x1e: {  	s7 =	smul.u32 @!p0 $0xF7A, s2;
	p2 =	seq.s32 @!p0 s5, $0x0  }
0x1f: {  	s9 =	smul.u32 $0xF7A, s1;
	s8 =	simm.s32 @!p0 $0x1BF5;
	p2 =	por !p2, p0  }
0x20: {  	[sflag:s8] =	ssyncset.s32 @!p0 $0xFFFFF086;
	s6 =	sadd.s32 @!p0 s3, s7;
	s7 =	simm.s32 @!p0 $0x108  }
0x21: {  	s3 =	sadd.s32 s3, s9;
	s6 =	sadd.s32 @!p0 $0x88, s6;
	s7 =	simm.s32 @p2 $0x1082  }
0x22: {  	[simem:s7], [sflag:s8] =	dma.local @!p0 [hbm:s6], $0xF7A  }
0x23: {  	s9 =	sor.u32 $0xD0000000, s2;
	s6 =	simm.s32 $0x108;
	_ =	swait.ge @!p0 [sflag:s8], $0x0  }
0x24: {  	s3 =	sadd.s32 $0x88, s3;
	s6 =	simm.s32 @!p1 $0x1082;
	[sflag:s4] =	ssyncset.s32 $0xFFFFF086  }
0x25: {  	[simem:s6], [sflag:s4] =	dma.local [hbm:s3], $0xF7A  }
0x26: {  	[smem:$0x3F92] =	sst s1;
	(tag) =	ssettag s2;
	_ =	strace s9  }
0x27: {  	s1 =	sld [smem:$0x3FA2]  }
0x28: {  	s2 =	sld [smem:$0x3FA3]  }
0x29: {  	s4 =	sld [smem:$0x3FA5]  }
0x2a: {  	p0 =	seq.s32 s5, $0x0;
	s5 =	sld [smem:$0x3FA6]  }
0x2b: {  	s6 =	sld [smem:$0x3FA7]  }
0x2c: {  	s7 =	sld [smem:$0x3FA8]  }
0x2d: {  	s3 =	simm.s32 $0x108;
	s8 =	sld [smem:$0x3FA9]  }
0x2e: {  	s3 =	simm.s32 @!p0 $0x1082;
	s9 =	sld [smem:$0x3FAA]  }
0x2f: {  	lr =	sadd.s32 s0, s3;
	s0 =	sld [smem:$0x3FA1]  }
0x30: {  	s3 =	sld [smem:$0x3FA4]  }
0x31: {  	[smem:$0x3FAD] =	sst s10  }
0x32: {  	s10 =	sld [smem:$0x3FAB];
	_ =	sdelay $0x3  }
0x33: {  	p0 =	seq.s32 s10, $0x1;
	s10 =	sld [smem:$0x3FAD];
	_ =	sdelay $0x3  }
0x34: {  	[smem:$0x3FAD] =	sst s10  }
0x35: {  	s10 =	sld [smem:$0x3FAC];
	_ =	sdelay $0x3  }
0x36: {  	p1 =	seq.s32 s10, $0x1;
	s10 =	sld [smem:$0x3FAD];
	_ =	sdelay $0x3  }
0x37: {  	[smem:$0x3FAD] =	sst s10  }
0x38: {  	s10 =	sld [smem:$0x3FAE]  }
0x39: {  	_ = 	snop;
	(pc) =	sbr.ind lr, $3  }
0x3a: {  	_ = 	snop  }
0x3b: {  	_ = 	snop  }
0x3c: {  	p2 =	seq.s32 s10, $0x1;
	s10 =	sld [smem:$0x3FAD]  }
0x3d: {  	_ =	shalt  }
0x3e: {  	_ =	shalt  }
0x3f: {  	_ =	shalt  }
0x40: {  	_ =	shalt  }
0x41: {  	_ =	shalt  }
0x42: {  	_ =	shalt  }
0x43: {  	_ =	shalt  }
0x44: {  	_ =	shalt  }
0x45: {  	_ =	shalt  }
0x46: {  	_ =	shalt  }
0x47: {  	_ =	shalt  }
0x48: {  	_ =	shalt  }
0x49: {  	_ =	shalt  }
0x4a: {  	_ =	shalt  }
0x4b: {  	_ =	shalt  }
0x4c: {  	_ =	shalt  }
0x4d: {  	_ =	shalt  }
0x4e: {  	_ =	shalt  }
0x4f: {  	_ =	shalt  }
0x50: {  	_ =	shalt  }
0x51: {  	_ =	shalt  }
0x52: {  	_ =	shalt  }
0x53: {  	_ =	shalt  }
0x54: {  	_ =	shalt  }
0x55: {  	_ =	shalt  }
0x56: {  	_ =	shalt  }
0x57: {  	_ =	shalt  }
0x58: {  	_ =	shalt  }
0x59: {  	_ =	shalt  }
0x5a: {  	_ =	shalt  }
0x5b: {  	_ =	shalt  }
0x5c: {  	_ =	shalt  }
0x5d: {  	_ =	shalt  }
0x5e: {  	_ =	shalt  }
0x5f: {  	_ =	shalt  }
0x60: {  	_ =	shalt  }
0x61: {  	_ =	shalt  }
0x62: {  	_ =	shalt  }
0x63: {  	_ =	shalt  }
0x64: {  	_ =	shalt  }
0x65: {  	_ =	shalt  }
0x66: {  	_ =	shalt  }
0x67: {  	_ =	shalt  }
0x68: {  	_ =	shalt  }
0x69: {  	_ =	shalt  }
0x6a: {  	_ =	shalt  }
0x6b: {  	_ =	shalt  }
0x6c: {  	_ =	shalt  }
0x6d: {  	_ =	shalt  }
0x6e: {  	_ =	shalt  }
0x6f: {  	_ =	shalt  }
0x70: {  	_ =	shalt  }
0x71: {  	_ =	shalt  }
0x72: {  	_ =	shalt  }
0x73: {  	_ =	shalt  }
0x74: {  	_ =	shalt  }
0x75: {  	_ =	shalt  }
0x76: {  	_ =	shalt  }
0x77: {  	_ =	shalt  }
0x78: {  	_ =	shalt  }
0x79: {  	_ =	shalt  }
0x7a: {  	_ =	shalt  }
0x7b: {  	_ =	shalt  }
0x7c: {  	_ =	shalt  }
0x7d: {  	_ =	shalt  }
0x7e: {  	_ =	shalt  }
0x7f: {  	_ =	shalt  }
0x80: {  	_ =	shalt  }
0x81: {  	_ =	shalt  }
0x82: {  	_ =	shalt  }
0x83: {  	_ =	shalt  }
0x84: {  	_ =	shalt  }
0x85: {  	_ =	shalt  }
0x86: {  	_ =	shalt  }
0x87: {  	_ =	shalt  }
.Lfunc_end0:
.L_simem_size_0:
called_computation.4_lowered:
.L_overlay_start_0:
0x88: {  	s2 =	sld [smem:$0x3FD9]  }
0x89: {  	s3 =	sld [smem:$0x3FFE];
	_ =	sdelay $0x1  }
0x8a: {  	s1 =	srdreg.scid  }
0x8b: {  	s0 =	sand.u32 $0x1, s1  }
0x8c: {  	s17 =	sshll.u32 s0, $0xA;
	s2 =	sadd.s32 s3, s2  }
0x8d: {  	s2 =	sadd.s32 s2, s17  }
0x8e: {  	[smem:$0x3FB9] =	sst s2  }
0x8f: {  	_ = 	snop  }
0x90: {  	s2 =	sld [smem:$0x3FD0];
	(tm) =	ssettm $0x1  }
0x91: {  	s18 =	sld [smem:$0x3FFB];
	_ =	sdelay $0x3  }
0x92: {  	_ =	strace s18  }
0x93: {  	s3 =	sld [smem:$0x3FFC];
	_ =	sdelay $0x3  }
0x94: {  	_ =	strace s3  }
0x95: {  	s3 =	sld [smem:$0x3FFD];
	_ =	sdelay $0x3  }
0x96: {  	_ =	strace s3  }
0x97: {  	_ =	strace $0x8FFFFFFF  }
0x98: {  	s19 =	sld [smem:$0x3FDB];
	_ =	sdelay $0x1  }
0x99: {  	s4 =	simm.s32 $_scs_section_size  }
0x9a: {  	s5 =	simm.s32 $_size__tile_overlayer_lowered;
	s6 =	simm.s32 $_tile_overlayer_lowered  }
0x9b: {  	s22 =	simm.s32 $0x1BFF;
	s21 =	sshll.u32 s6, $0x1;
	s3 =	sadd.s32 s4, s19  }
0x9c: {  	s7 =	simm.s32 $0x0;
	s20 =	sshll.u32 s5, $0x1;
	s5 =	sadd.s32 s21, s3  }
0x9d: {  	[timem:s7], [sflag:s22] =	dma.local [hbm:s5], s20  }
0x9e: {  	_ =	swait.ge [sflag:s22], s20  }
0x9f: {  	s4 =	ssub.s32 $0x0, s20;
	[sflag:s22] =	ssyncset.done $0x0  }
0xa0: {  	[sflag:s22] =	ssyncadd.s32 s4;
	_ =	sdelay $0x1  }
0xa1: {  	s23 =	simm.s32 $0x1B8B  }
0xa2: {  	_ =	swait.ge [sflag:s23], $0x1  }
0xa3: {  	[sflag:s23] =	ssyncset.done $0x0  }
0xa4: {  	s25 =	simm.s32 $0x1B8E;
	s24 =	sld [smem:$0x3FFE];
	[sflag:s23] =	ssyncadd.s32 $0xFFFFFFFF  }
0xa5: {  	s26 =	simm.s32 $execute0_lowered;
	[smem:$0x3FD2] =	sst s25  }
0xa6: {  	s5 =	sshll.u32 s26, $0x1;
	_ =	strace $0x80000052;
	[dreg:$0x1] =	wrdreg $0xFFFFFFFF  }
0xa7: {  	s28 =	simm.s32 $_size_execute0_lowered;
	s3 =	sadd.s32 s3, s5;
	[dreg:$0x0] =	wrdreg $0x0  }
0xa8: {  	s5 =	sshll.u32 s28, $0x1;
	[dreg:$0x2] =	wrdreg s3  }
0xa9: {  	[dreg:$0x3] =	wrdreg s5  }
0xaa: {  	[dreg:$0x4] =	wrdreg $0xC0  }
0xab: {  	_ =	task [dreg:s7], $0x5FFFF  }
0xac: {  	[dreg:$0x1] =	wrdreg $0xFFFFFFFF  }
0xad: {  	[dreg:$0x0] =	wrdreg $0x60  }
0xae: {  	[dreg:$0x2] =	wrdreg s2  }
0xaf: {  	[dreg:$0x3] =	wrdreg s24  }
0xb0: {  	[dreg:$0x4] =	wrdreg $0x81000  }
0xb1: {  	[dreg:$0x5] =	wrdreg $0x9  }
0xb2: {  	_ =	task.clear_ibuf [dreg:s7], $0x6FFFF;
	_ =	strace $0x90000052  }
0xb3: {  	s29 =	simm.s32 $0x9;
	_ =	strace $0x80000054  }
0xb4: {  	_ =	swait.ge [sflag:s29], $0x1  }
0xb5: {  	[sflag:s29] =	ssyncadd.s32 $0xFFFFFFFF  }
0xb6: {  	_ =	strace $0x90000054  }
0xb7: {  	_ =	sfence  }
0xb8: {  	s30 =	sld [smem:$0x0];
	_ =	sdelay $0x2  }
0xb9: {  	s31 =	sshll.u32 s1, $0xD;
	s1 =	sshrl.u32 s1, $0x2  }
0xba: {  	s3 =	sand.u32 $0x4000, s31;
	s1 =	sadd.s32 s1, s30  }
0xbb: {  	s0 =	sor.u32 s3, s0;
	s1 =	sshll.u32 s1, $0x11  }
0xbc: {  	s0 =	sor.u32 s1, s0  }
0xbd: {  	s0 =	sadd.s32 $0x8F2B, s0  }
0xbe: {  	[sflag:s0] =	ssyncadd.remote.s32 $0x1  }
0xbf: {  	_ =	sfence.sel $0xFFFF  }
0xc0: {  	[dreg:$0x0] =	wrdreg $0xFFFFFFFF;
	(pc) =	sbr.abs _section_cstart, $3  }
0xc1: {  	[dreg:$0x1] =	wrdreg $0xFFFFFFFF  }
0xc2: {  	_ =	task.clear_ibuf [dreg:s7], $0x2FFFF;
	_ =	strace $0x9FFFFFFF  }
0xc3: {  	(tm) =	ssettm $0x7FFFFFFF  }
tec
execute0_lowered:
.L_overlay_start_1:
0x0: {  	(tag) =	ssettag $0x1  }
0x1: {  	s0 =	rddreg [dreg:$0x0]  }
0x2: {  	s8 =	rddreg [dreg:$0x1];
	s1 =	srdreg.scid  }
0x3: {  	s3 =	rddreg [dreg:$0x2];
	s2 =	stileid.u32  }
0x4: {  	s4 =	simm.s32 $0x0;
	s16 =	simm.s32 $0x4100;
	s17 =	simm.s32 $0x2  }
0x5: {  	s18 =	simm.s32 $0x80;
	s19 =	simm.s32 $0x100;
	s20 =	simm.s32 $0x1  }
0x6: {  	s9 =	sand.u32 $0x1, s1;
	s1 =	rddreg [dreg:$0x3];
	s7 =	smul.u32 $0x13C00, s2  }
0x7: {  	[smem:$0x7FF] =	sst s4;
	s5 =	sadd.s32 $0x6E00, s8;
	s11 =	smul.u32 $0x4F000, s2  }
0x8: {  	s21 =	sshll.u32 s2, $0x6;
	s6 =	smul.u32 $0x13C000, s9;
	_ =	strace $0x80000053  }
0x9: {  	s30 =	ssub.s32 $0x2, s9;
	s9 =	sshll.u32 s9, $0x4;
	s21 =	sor.u32 $0x1C02, s21  }
0xa: {  	s31 =	sshrl.u32 s30, $0x1;
	s11 =	sshrl.u32 s11, $0x2;
	s9 =	sor.u32 s2, s9  }
0xb: {  	s7 =	sadd.s32 s7, s6;
	s6 =	sadd.s32 $0x5FE00, s8;
	s15 =	ssub.s32 s30, s31  }
0xc: {  	s9 =	smul.u32 $0x2780, s9;
	s10 =	sshrl.u32 s7, $0x3;
	s7 =	sadd.s32 $0xF2BC00, s8  }
0xd: {  	s15 =	smax.u32 s15, $0x1;
	s14 =	sadd.s32 s10, s8;
	s8 =	sadd.s32 s11, s3  }
0xe: {  	s10 =	sadd.s32 $0x4000, s8;
	s11 =	sadd.s32 $0x8000, s8;
	s12 =	sadd.s32 $0xC000, s8  }
0xf: {  	v0 =	vimm.f32 $0.0e+00;
	s13 =	sadd.s32 $0x10000, s8;
	s14 =	sadd.s32 $0x69C00, s14;
	s22 =	sshrl.u32 s8, $0x3  }
.LBB2_1:
0x10: {  	s23 =	simm.s32 $0x0;
	s24 =	simm.s32 $0x200  }
.LBB2_2:
0x11: {  	p0 =	sne.s32 s24, $0xFE00;
	[tilespmem:s23+$0x4170] =	vst v0  }
0x12: {  	[tilespmem:s23+$0x4100] =	vst v0  }
0x13: {  	[tilespmem:s23+$0x4110] =	vst v0  }
.Ltmp0:
0x14: {  	[tilespmem:s23+$0x4120] =	vst v0;
	(pc) =	sbr.rel @p0 .LBB2_2-.Ltmp0, $4  }
0x15: {  	[tilespmem:s23+$0x4130] =	vst v0  }
0x16: {  	[tilespmem:s23+$0x4140] =	vst v0  }
0x17: {  	[tilespmem:s23+$0x4150] =	vst v0  }
0x18: {  	[tilespmem:s23+$0x4160] =	vst v0;
	s23 =	sshra.s32 s24, $0x2;
	s24 =	sadd.s32 $0x200, s24  }
0x19: {  	[tilespmem:s23+$0x4170] =	vst v0  }
0x1a: {  	[tilespmem:s23+$0x4100] =	vst v0  }
0x1b: {  	[tilespmem:s23+$0x4110] =	vst v0  }
0x1c: {  	[tilespmem:s23+$0x4120] =	vst v0  }
0x1d: {  	[tilespmem:s23+$0x4130] =	vst v0  }
0x1e: {  	[tilespmem:s23+$0x4140] =	vst v0  }
0x1f: {  	[tilespmem:s23+$0x4150] =	vst v0  }
0x20: {  	[tilespmem:s23+$0x4160] =	vst v0  }
0x21: {  	[spmem:s8] =	stream.linear.scatter [tilespmem:s16], [sflag:$0x2], $0x4000, $0x38;
	[tilespmem:$0x1BD00] =	vst v63  }
0x22: {  	_ =	swait.ge [sflag:s17], $0x4000  }
0x23: {  	[sflag:s17] =	ssyncset.done $0x0  }
0x24: {  	[sflag:s17] =	ssyncadd.s32 $0xFFFFC000  }
0x25: {  	[spmem:s10] =	stream.linear.scatter [tilespmem:s16], [sflag:$0x2], $0x4000, $0x38;
	[tilespmem:$0x1BD00] =	vst v63  }
0x26: {  	_ =	swait.ge [sflag:s17], $0x4000  }
0x27: {  	[sflag:s17] =	ssyncset.done $0x0  }
0x28: {  	[sflag:s17] =	ssyncadd.s32 $0xFFFFC000  }
0x29: {  	[spmem:s11] =	stream.linear.scatter [tilespmem:s16], [sflag:$0x2], $0x4000, $0x38;
	[tilespmem:$0x1BD00] =	vst v63  }
0x2a: {  	_ =	swait.ge [sflag:s17], $0x4000  }
0x2b: {  	[sflag:s17] =	ssyncset.done $0x0  }
0x2c: {  	[sflag:s17] =	ssyncadd.s32 $0xFFFFC000  }
0x2d: {  	[spmem:s12] =	stream.linear.scatter [tilespmem:s16], [sflag:$0x2], $0x4000, $0x38;
	[tilespmem:$0x1BD00] =	vst v63  }
0x2e: {  	_ =	swait.ge [sflag:s17], $0x4000  }
0x2f: {  	[sflag:s17] =	ssyncset.done $0x0  }
0x30: {  	[sflag:s17] =	ssyncadd.s32 $0xFFFFC000  }
0x31: {  	[spmem:s13] =	stream.linear.scatter [tilespmem:s16], [sflag:$0x2], $0x3C00, $0x38;
	[tilespmem:$0x1BD00] =	vst v63  }
0x32: {  	_ =	swait.ge [sflag:s17], $0x3C00  }
0x33: {  	[sflag:s17] =	ssyncset.done $0x0  }
0x34: {  	[sflag:s17] =	ssyncadd.s32 $0xFFFFC400  }
0x35: {  	s23 =	simm.s32 $0x0;
	s24 =	simm.s32 $0x0;
	[bflag:$0x0] =	sbarrier.arrive $0xFFFF  }
.LBB2_4:
0x36: {  	s25 =	sshll.u32 s24, $0x7  }
0x37: {  	s25 =	sadd.s32 s9, s25  }
0x38: {  	s26 =	sshrl.u32 s25, $0x3  }
0x39: {  	s28 =	sadd.s32 s5, s26  }
0x3a: {  	[tilespmem:s23], [sflag:$0x2] =	stream.linear.gather [hbm4b:s28+s23], $0x80, $0x38;
	[tilespmem:$0x1BD00] =	vst v63  }
0x3b: {  	_ =	swait.ge [sflag:s17], $0x80  }
0x3c: {  	[sflag:s17] =	ssyncset.done $0x0  }
0x3d: {  	s26 =	sadd.s32 s6, s26;
	[sflag:s17] =	ssyncadd.s32 $0xFFFFFF80  }
0x3e: {  	[tilespmem:s18], [sflag:$0x2] =	stream.linear.gather [hbm4b:s26+s23], $0x80, $0x38;
	[tilespmem:$0x1BD00] =	vst v63  }
0x3f: {  	_ =	swait.ge [sflag:s17], $0x80  }
0x40: {  	s25 =	sshll.u32 s25, $0x4;
	[sflag:s17] =	ssyncset.done $0x0  }
0x41: {  	s25 =	sadd.s32 s7, s25;
	[sflag:s17] =	ssyncadd.s32 $0xFFFFFF80  }
0x42: {  	[tilespmem:s19], [sflag:$0x2] =	stream.linear.gather [hbm4b:s25+s23], $0x4000, $0x38;
	[tilespmem:$0x1BD00] =	vst v63  }
0x43: {  	_ =	swait.ge [sflag:s17], $0x4000  }
0x44: {  	[sflag:s17] =	ssyncset.done $0x0  }
0x45: {  	[sflag:s17] =	ssyncadd.s32 $0xFFFFC000  }
0x46: {  	[tilespmem:s16], [sflag:$0x1] =	stream.indirect.gather [hbm4b:s0+s18], $0x80, s23, s18, $0xb8;
	[tilespmem:$0x1BD00] =	vst v63  }
0x47: {  	_ =	swait.ge [sflag:s20], $0x4000  }
0x48: {  	[sflag:s20] =	ssyncset.done $0x0  }
0x49: {  	s25 =	simm.s32 $0x0;
	[sflag:s20] =	ssyncadd.s32 $0xFFFFC000  }
0x4a: {  	v7 =	vld [tilespmem:s25+$0x100]  }
0x4b: {  	v12 =	vld [tilespmem:s25+$0x110]  }
0x4c: {  	v6 =	vld [tilespmem:s25+$0x120]  }
0x4d: {  	v5 =	vld [tilespmem:s25+$0x130]  }
0x4e: {  	v4 =	vld [tilespmem:s25+$0x140]  }
0x4f: {  	v3 =	vld [tilespmem:s25+$0x150]  }
0x50: {  	v2 =	vld [tilespmem:s25+$0x160]  }
0x51: {  	v1 =	vld [tilespmem:s25+$0x170]  }
0x52: {  	v13 =	vld [tilespmem:s25+$0x4100]  }
0x53: {  	v14 =	vld [tilespmem:s25+$0x4110]  }
0x54: {  	v11 =	vld [tilespmem:s25+$0x4120]  }
0x55: {  	v10 =	vld [tilespmem:s25+$0x4130]  }
0x56: {  	v9 =	vld [tilespmem:s25+$0x4140]  }
0x57: {  	v8 =	vld [tilespmem:s25+$0x4150];
	v13 =	vadd.f32 v7, v13  }
0x58: {  	s26 =	simm.s32 $0x200;
	v12 =	vadd.f32 v12, v14;
	v7 =	vld [tilespmem:s25+$0x4160]  }
.LBB2_5:
0x59: {  	s28 =	sshra.s32 s26, $0x2;
	p0 =	sne.s32 s26, $0xFE00;
	v13 =	vmax.f32 v13, $0.0e+00;
	v6 =	vadd.f32 v6, v11;
	v11 =	vld [tilespmem:s25+$0x4170]  }
0x5a: {  	v14 =	vld [tilespmem:s28+$0x100];
	[tilespmem:s25+$0x4100] =	vst v13;
	v12 =	vmax.f32 v12, $0.0e+00;
	v5 =	vadd.f32 v5, v10  }
0x5b: {  	v15 =	vld [tilespmem:s28+$0x110];
	[tilespmem:s25+$0x4110] =	vst v12;
	v10 =	vmax.f32 v6, $0.0e+00;
	v4 =	vadd.f32 v4, v9  }
0x5c: {  	v6 =	vld [tilespmem:s28+$0x120];
	[tilespmem:s25+$0x4120] =	vst v10;
	v9 =	vmax.f32 v5, $0.0e+00;
	v3 =	vadd.f32 v3, v8  }
0x5d: {  	v5 =	vld [tilespmem:s28+$0x130];
	[tilespmem:s25+$0x4130] =	vst v9;
	v8 =	vmax.f32 v4, $0.0e+00;
	v2 =	vadd.f32 v2, v7  }
0x5e: {  	v4 =	vld [tilespmem:s28+$0x140];
	[tilespmem:s25+$0x4140] =	vst v8;
	v7 =	vmax.f32 v3, $0.0e+00;
	v1 =	vadd.f32 v1, v11  }
0x5f: {  	v3 =	vld [tilespmem:s28+$0x150];
	[tilespmem:s25+$0x4150] =	vst v7;
	v7 =	vmax.f32 v2, $0.0e+00  }
0x60: {  	v2 =	vld [tilespmem:s28+$0x160];
	[tilespmem:s25+$0x4160] =	vst v7;
	v7 =	vmax.f32 v1, $0.0e+00  }
0x61: {  	v1 =	vld [tilespmem:s28+$0x170];
	[tilespmem:s25+$0x4170] =	vst v7;
	s25 =	smov.u32 s28  }
0x62: {  	v7 =	vld [tilespmem:s25+$0x4100]  }
0x63: {  	v12 =	vld [tilespmem:s25+$0x4110]  }
.Ltmp1:
0x64: {  	v11 =	vld [tilespmem:s25+$0x4120];
	(pc) =	sbr.rel @p0 .LBB2_5-.Ltmp1, $4  }
0x65: {  	v10 =	vld [tilespmem:s25+$0x4130]  }
0x66: {  	v9 =	vld [tilespmem:s25+$0x4140]  }
0x67: {  	v13 =	vadd.f32 v14, v7;
	v8 =	vld [tilespmem:s25+$0x4150]  }
0x68: {  	s26 =	sadd.s32 $0x200, s26;
	v12 =	vadd.f32 v15, v12;
	v7 =	vld [tilespmem:s25+$0x4160]  }
0x69: {  	v13 =	vmax.f32 v13, $0.0e+00;
	v6 =	vadd.f32 v6, v11;
	v63 =	vld [tilespmem:s25+$0x4170]  }
0x6a: {  	[tilespmem:s25+$0x4100] =	vst v13;
	v12 =	vmax.f32 v12, $0.0e+00;
	v5 =	vadd.f32 v5, v10  }
0x6b: {  	[tilespmem:s25+$0x4110] =	vst v12;
	v6 =	vmax.f32 v6, $0.0e+00;
	v4 =	vadd.f32 v4, v9  }
0x6c: {  	[tilespmem:s25+$0x4120] =	vst v6;
	v5 =	vmax.f32 v5, $0.0e+00;
	v3 =	vadd.f32 v3, v8  }
0x6d: {  	[tilespmem:s25+$0x4130] =	vst v5;
	v4 =	vmax.f32 v4, $0.0e+00;
	v2 =	vadd.f32 v2, v7  }
0x6e: {  	[tilespmem:s25+$0x4140] =	vst v4;
	v3 =	vmax.f32 v3, $0.0e+00;
	v1 =	vadd.f32 v1, v63  }
0x6f: {  	s24 =	sadd.s32 $0x1, s24;
	[tilespmem:s25+$0x4150] =	vst v3;
	v2 =	vmax.f32 v2, $0.0e+00  }
0x70: {  	p0 =	sne.s32 s24, $0x4F;
	[tilespmem:s25+$0x4160] =	vst v2;
	v1 =	vmax.f32 v1, $0.0e+00  }
.Ltmp2:
0x71: {  	[tilespmem:s25+$0x4170] =	vst v1;
	(pc) =	sbr.rel @p0 .LBB2_4-.Ltmp2, $4  }
0x72: {  	[spmem:s3] =	stream.indirect.scatter.add.f32 [tilespmem:s16], [sflag:$0x2], $0x80, s18, s18, $0xb8;
	[tilespmem:$0x1BD00] =	vst v63  }
0x73: {  	_ =	swait.ge [sflag:s17], $0x4000  }
0x74: {  	[sflag:s17] =	ssyncset.done $0x0  }
0x75: {  	[sflag:s17] =	ssyncadd.s32 $0xFFFFC000  }
0x76: {  	s4 =	sadd.s32 $0x1, s4  }
0x77: {  	p0 =	sne.s32 s4, s15  }
.Ltmp3:
0x78: {  	[bflag:$0x0] =	sbarrier.arrive $0xFFFF;
	(pc) =	sbr.rel @p0 .LBB2_1-.Ltmp3, $4  }
0x79: {  	[hbm:s14], [sflag:s21] =	dma.local [spmem:s22], $0x2780  }
0x7a: {  	_ =	swait.ge [sflag:s17], $0x2780  }
0x7b: {  	[sflag:s17] =	ssyncset.done $0x0  }
0x7c: {  	[sflag:s17] =	ssyncadd.s32 $0xFFFFD880  }
0x7d: {  	_ =	sfence.sel $0x180000  }
0x7e: {  	[bflag:$0x0] =	sbarrier.arrive $0xFFFF  }
0x7f: {  	p0 =	sne.s32 s2, $0x0;
	_ =	strace $0x90000053  }
0x80: {  	s0 =	sadd.s32 @!p0 $0x100000, s1;
	[bflag:$0x2] =	sbarrier.arrive $0xFFFF  }
0x81: {  	[sflag:s0] =	ssyncadd.tile.s32 @!p0 $0x1;
	_ =	shalt  }
.Lfunc_end2:
_tile_overlayer_lowered:
.L_overlay_start_2:
0x82: {  	(tag) =	ssettag $0x2  }
0x83: {  	s0 =	rddreg [dreg:$0x0];
	s2 =	stileid.u32  }
0x84: {  	s1 =	rddreg [dreg:$0x1];
	p0 =	sne.s32 s2, $0x0  }
0x85: {  	s3 =	rddreg [dreg:$0x2];
	[bflag:$0x3] =	sbarrier.arrive $0xFFFF;
	s2 =	simm.s32 @!p0 $0x1C02  }
0x86: {  	[timem:s3], [sflag:s2] =	dma.local @!p0 [hbm:s0], s1  }
0x87: {  	s0 =	simm.s32 @!p0 $0x2  }
0x88: {  	_ =	swait.ge @!p0 [sflag:s0], s1  }
0x89: {  	s1 =	ssub.s32 @!p0 $0x0, s1;
	[sflag:s0] =	ssyncset.done @!p0 $0x0  }
0x8a: {  	[sflag:s0] =	ssyncadd.s32 @!p0 s1  }
0x8b: {  	[bflag:$0x3] =	sbarrier.arrive $0xFFFF  }
0x8c: {  	_ =	shalt  }

// kernel: kernel.18.cloned.1.call-start
scs
__scs_entry_jumppad:
0x0: {  	(pc) =	sbr.rel $0x88, $3  }
0x1: {  	(tag) =	ssettag $0x0;
	lr =	simm.s32 $0x1  }
0x2: {  	[smem:$0x3F92] =	sst lr;
	_ =	strace $0xD0000000  }
0x3: {  	_ = 	snop  }
0x4: {  	_ = 	snop  }
0x5: {  	_ = 	snop  }
0x6: {  	_ = 	snop  }
0x7: {  	_ = 	snop  }
__scs_overlays_trampoline_lowered:
0x8: {  	[smem:$0x3FA1] =	sst s0  }
0x9: {  	[smem:$0x3FA2] =	sst s1  }
0xa: {  	[smem:$0x3FA3] =	sst s2  }
0xb: {  	[smem:$0x3FA4] =	sst s3  }
0xc: {  	[smem:$0x3FA5] =	sst s4  }
0xd: {  	[smem:$0x3FA6] =	sst s5  }
0xe: {  	[smem:$0x3FA7] =	sst s6  }
0xf: {  	[smem:$0x3FA8] =	sst s7  }
0x10: {  	[smem:$0x3FA9] =	sst s8  }
0x11: {  	[smem:$0x3FAA] =	sst s9;
	s0 =	simm.s32 @!p0 $0x0  }
0x12: {  	s1 =	sld [smem:$0x3F90];
	s0 =	simm.s32 @p0 $0x1  }
0x13: {  	[smem:$0x3FAB] =	sst s0;
	s0 =	simm.s32 @!p1 $0x0  }
0x14: {  	s2 =	sld [smem:$0x3F8F];
	s0 =	simm.s32 @p1 $0x1  }
0x15: {  	[smem:$0x3FAC] =	sst s0;
	s0 =	simm.s32 @!p2 $0x0  }
0x16: {  	s3 =	sld [smem:$0x3FDB];
	s0 =	simm.s32 @p2 $0x1  }
0x17: {  	s4 =	simm.s32 $0x1BF5;
	[smem:$0x3FAE] =	sst s0  }
0x18: {  	s0 =	sld [smem:$0x3F91];
	_ =	swait.ge [sflag:s4], $0x0  }
0x19: {  	s7 =	sld [smem:$0x3F92]  }
0x1a: {  	s8 =	sadd.s32 $0xFFFFE003, lr  }
0x1b: {  	s9 =	sadd.s32 $0xFFFFFEF7, lr;
	s5 =	simm.s32 $0xFFFFFFFF;
	p2 =	slt.u32 s8, $0xFFFFF086  }
0x1c: {  	p1 =	slt.u32 s9, $0xF7A;
	s5 =	simm.s32 @!p2 $0x0  }
0x1d: {  	s5 =	simm.s32 @p1 $0x1;
	p0 =	seq.s32 s7, s2  }
0x1e: {  	s7 =	smul.u32 @!p0 $0xF7A, s2;
	p2 =	seq.s32 @!p0 s5, $0x0  }
0x1f: {  	s9 =	smul.u32 $0xF7A, s1;
	s8 =	simm.s32 @!p0 $0x1BF5;
	p2 =	por !p2, p0  }
0x20: {  	[sflag:s8] =	ssyncset.s32 @!p0 $0xFFFFF086;
	s6 =	sadd.s32 @!p0 s3, s7;
	s7 =	simm.s32 @!p0 $0x108  }
0x21: {  	s3 =	sadd.s32 s3, s9;
	s6 =	sadd.s32 @!p0 $0x88, s6;
	s7 =	simm.s32 @p2 $0x1082  }
0x22: {  	[simem:s7], [sflag:s8] =	dma.local @!p0 [hbm:s6], $0xF7A  }
0x23: {  	s9 =	sor.u32 $0xD0000000, s2;
	s6 =	simm.s32 $0x108;
	_ =	swait.ge @!p0 [sflag:s8], $0x0  }
0x24: {  	s3 =	sadd.s32 $0x88, s3;
	s6 =	simm.s32 @!p1 $0x1082;
	[sflag:s4] =	ssyncset.s32 $0xFFFFF086  }
0x25: {  	[simem:s6], [sflag:s4] =	dma.local [hbm:s3], $0xF7A  }
0x26: {  	[smem:$0x3F92] =	sst s1;
	(tag) =	ssettag s2;
	_ =	strace s9  }
0x27: {  	s1 =	sld [smem:$0x3FA2]  }
0x28: {  	s2 =	sld [smem:$0x3FA3]  }
0x29: {  	s4 =	sld [smem:$0x3FA5]  }
0x2a: {  	p0 =	seq.s32 s5, $0x0;
	s5 =	sld [smem:$0x3FA6]  }
0x2b: {  	s6 =	sld [smem:$0x3FA7]  }
0x2c: {  	s7 =	sld [smem:$0x3FA8]  }
0x2d: {  	s3 =	simm.s32 $0x108;
	s8 =	sld [smem:$0x3FA9]  }
0x2e: {  	s3 =	simm.s32 @!p0 $0x1082;
	s9 =	sld [smem:$0x3FAA]  }
0x2f: {  	lr =	sadd.s32 s0, s3;
	s0 =	sld [smem:$0x3FA1]  }
0x30: {  	s3 =	sld [smem:$0x3FA4]  }
0x31: {  	[smem:$0x3FAD] =	sst s10  }
0x32: {  	s10 =	sld [smem:$0x3FAB];
	_ =	sdelay $0x3  }
0x33: {  	p0 =	seq.s32 s10, $0x1;
	s10 =	sld [smem:$0x3FAD];
	_ =	sdelay $0x3  }
0x34: {  	[smem:$0x3FAD] =	sst s10  }
0x35: {  	s10 =	sld [smem:$0x3FAC];
	_ =	sdelay $0x3  }
0x36: {  	p1 =	seq.s32 s10, $0x1;
	s10 =	sld [smem:$0x3FAD];
	_ =	sdelay $0x3  }
0x37: {  	[smem:$0x3FAD] =	sst s10  }
0x38: {  	s10 =	sld [smem:$0x3FAE]  }
0x39: {  	_ = 	snop;
	(pc) =	sbr.ind lr, $3  }
0x3a: {  	_ = 	snop  }
0x3b: {  	_ = 	snop  }
0x3c: {  	p2 =	seq.s32 s10, $0x1;
	s10 =	sld [smem:$0x3FAD]  }
0x3d: {  	_ =	shalt  }
0x3e: {  	_ =	shalt  }
0x3f: {  	_ =	shalt  }
0x40: {  	_ =	shalt  }
0x41: {  	_ =	shalt  }
0x42: {  	_ =	shalt  }
0x43: {  	_ =	shalt  }
0x44: {  	_ =	shalt  }
0x45: {  	_ =	shalt  }
0x46: {  	_ =	shalt  }
0x47: {  	_ =	shalt  }
0x48: {  	_ =	shalt  }
0x49: {  	_ =	shalt  }
0x4a: {  	_ =	shalt  }
0x4b: {  	_ =	shalt  }
0x4c: {  	_ =	shalt  }
0x4d: {  	_ =	shalt  }
0x4e: {  	_ =	shalt  }
0x4f: {  	_ =	shalt  }
0x50: {  	_ =	shalt  }
0x51: {  	_ =	shalt  }
0x52: {  	_ =	shalt  }
0x53: {  	_ =	shalt  }
0x54: {  	_ =	shalt  }
0x55: {  	_ =	shalt  }
0x56: {  	_ =	shalt  }
0x57: {  	_ =	shalt  }
0x58: {  	_ =	shalt  }
0x59: {  	_ =	shalt  }
0x5a: {  	_ =	shalt  }
0x5b: {  	_ =	shalt  }
0x5c: {  	_ =	shalt  }
0x5d: {  	_ =	shalt  }
0x5e: {  	_ =	shalt  }
0x5f: {  	_ =	shalt  }
0x60: {  	_ =	shalt  }
0x61: {  	_ =	shalt  }
0x62: {  	_ =	shalt  }
0x63: {  	_ =	shalt  }
0x64: {  	_ =	shalt  }
0x65: {  	_ =	shalt  }
0x66: {  	_ =	shalt  }
0x67: {  	_ =	shalt  }
0x68: {  	_ =	shalt  }
0x69: {  	_ =	shalt  }
0x6a: {  	_ =	shalt  }
0x6b: {  	_ =	shalt  }
0x6c: {  	_ =	shalt  }
0x6d: {  	_ =	shalt  }
0x6e: {  	_ =	shalt  }
0x6f: {  	_ =	shalt  }
0x70: {  	_ =	shalt  }
0x71: {  	_ =	shalt  }
0x72: {  	_ =	shalt  }
0x73: {  	_ =	shalt  }
0x74: {  	_ =	shalt  }
0x75: {  	_ =	shalt  }
0x76: {  	_ =	shalt  }
0x77: {  	_ =	shalt  }
0x78: {  	_ =	shalt  }
0x79: {  	_ =	shalt  }
0x7a: {  	_ =	shalt  }
0x7b: {  	_ =	shalt  }
0x7c: {  	_ =	shalt  }
0x7d: {  	_ =	shalt  }
0x7e: {  	_ =	shalt  }
0x7f: {  	_ =	shalt  }
0x80: {  	_ =	shalt  }
0x81: {  	_ =	shalt  }
0x82: {  	_ =	shalt  }
0x83: {  	_ =	shalt  }
0x84: {  	_ =	shalt  }
0x85: {  	_ =	shalt  }
0x86: {  	_ =	shalt  }
0x87: {  	_ =	shalt  }
.Lfunc_end0:
.L_simem_size_0:
called_computation.5_lowered:
.L_overlay_start_0:
0x88: {  	s2 =	sld [smem:$0x3FD9]  }
0x89: {  	s3 =	sld [smem:$0x3FFE];
	_ =	sdelay $0x1  }
0x8a: {  	s1 =	srdreg.scid  }
0x8b: {  	s0 =	sand.u32 $0x1, s1  }
0x8c: {  	s17 =	sshll.u32 s0, $0xA;
	s2 =	sadd.s32 s3, s2  }
0x8d: {  	s2 =	sadd.s32 s2, s17  }
0x8e: {  	[smem:$0x3FB9] =	sst s2  }
0x8f: {  	_ = 	snop  }
0x90: {  	s2 =	sld [smem:$0x3FD0];
	(tm) =	ssettm $0x1  }
0x91: {  	s18 =	sld [smem:$0x3FFB];
	_ =	sdelay $0x3  }
0x92: {  	_ =	strace s18  }
0x93: {  	s3 =	sld [smem:$0x3FFC];
	_ =	sdelay $0x3  }
0x94: {  	_ =	strace s3  }
0x95: {  	s3 =	sld [smem:$0x3FFD];
	_ =	sdelay $0x3  }
0x96: {  	_ =	strace s3  }
0x97: {  	_ =	strace $0x8FFFFFFF  }
0x98: {  	s19 =	sld [smem:$0x3FDB];
	_ =	sdelay $0x1  }
0x99: {  	s4 =	simm.s32 $_scs_section_size  }
0x9a: {  	s5 =	simm.s32 $_size__tile_overlayer_lowered;
	s6 =	simm.s32 $_tile_overlayer_lowered  }
0x9b: {  	s22 =	simm.s32 $0x1BFF;
	s21 =	sshll.u32 s6, $0x1;
	s3 =	sadd.s32 s4, s19  }
0x9c: {  	s7 =	simm.s32 $0x0;
	s20 =	sshll.u32 s5, $0x1;
	s5 =	sadd.s32 s21, s3  }
0x9d: {  	[timem:s7], [sflag:s22] =	dma.local [hbm:s5], s20  }
0x9e: {  	_ =	swait.ge [sflag:s22], s20  }
0x9f: {  	s4 =	ssub.s32 $0x0, s20;
	[sflag:s22] =	ssyncset.done $0x0  }
0xa0: {  	[sflag:s22] =	ssyncadd.s32 s4;
	_ =	sdelay $0x1  }
0xa1: {  	s23 =	simm.s32 $0x1B8B  }
0xa2: {  	_ =	swait.ge [sflag:s23], $0x1  }
0xa3: {  	[sflag:s23] =	ssyncset.done $0x0  }
0xa4: {  	s25 =	simm.s32 $0x1B8E;
	s24 =	sld [smem:$0x3FFE];
	[sflag:s23] =	ssyncadd.s32 $0xFFFFFFFF  }
0xa5: {  	s26 =	simm.s32 $execute0_lowered;
	[smem:$0x3FD2] =	sst s25  }
0xa6: {  	s5 =	sshll.u32 s26, $0x1;
	_ =	strace $0x80000055;
	[dreg:$0x1] =	wrdreg $0xFFFFFFFF  }
0xa7: {  	s28 =	simm.s32 $_size_execute0_lowered;
	s3 =	sadd.s32 s3, s5;
	[dreg:$0x0] =	wrdreg $0x0  }
0xa8: {  	s5 =	sshll.u32 s28, $0x1;
	[dreg:$0x2] =	wrdreg s3  }
0xa9: {  	[dreg:$0x3] =	wrdreg s5  }
0xaa: {  	[dreg:$0x4] =	wrdreg $0xC0  }
0xab: {  	_ =	task [dreg:s7], $0x5FFFF  }
0xac: {  	[dreg:$0x1] =	wrdreg $0xFFFFFFFF  }
0xad: {  	[dreg:$0x0] =	wrdreg $0x60  }
0xae: {  	[dreg:$0x2] =	wrdreg s2  }
0xaf: {  	[dreg:$0x3] =	wrdreg s24  }
0xb0: {  	[dreg:$0x4] =	wrdreg $0x81000  }
0xb1: {  	[dreg:$0x5] =	wrdreg $0x9  }
0xb2: {  	_ =	task.clear_ibuf [dreg:s7], $0x6FFFF;
	_ =	strace $0x90000055  }
0xb3: {  	s29 =	simm.s32 $0x9;
	_ =	strace $0x80000057  }
0xb4: {  	_ =	swait.ge [sflag:s29], $0x1  }
0xb5: {  	[sflag:s29] =	ssyncadd.s32 $0xFFFFFFFF  }
0xb6: {  	_ =	strace $0x90000057  }
0xb7: {  	_ =	sfence  }
0xb8: {  	s30 =	sld [smem:$0x0];
	_ =	sdelay $0x2  }
0xb9: {  	s31 =	sshll.u32 s1, $0xD;
	s1 =	sshrl.u32 s1, $0x2  }
0xba: {  	s3 =	sand.u32 $0x4000, s31;
	s1 =	sadd.s32 s1, s30  }
0xbb: {  	s0 =	sor.u32 s3, s0;
	s1 =	sshll.u32 s1, $0x11  }
0xbc: {  	s0 =	sor.u32 s1, s0  }
0xbd: {  	s0 =	sadd.s32 $0x8F2B, s0  }
0xbe: {  	[sflag:s0] =	ssyncadd.remote.s32 $0x1  }
0xbf: {  	_ =	sfence.sel $0xFFFF  }
0xc0: {  	[dreg:$0x0] =	wrdreg $0xFFFFFFFF;
	(pc) =	sbr.abs _section_cstart, $3  }
0xc1: {  	[dreg:$0x1] =	wrdreg $0xFFFFFFFF  }
0xc2: {  	_ =	task.clear_ibuf [dreg:s7], $0x2FFFF;
	_ =	strace $0x9FFFFFFF  }
0xc3: {  	(tm) =	ssettm $0x7FFFFFFF  }
tec
execute0_lowered:
.L_overlay_start_1:
0x0: {  	(tag) =	ssettag $0x1  }
0x1: {  	s0 =	rddreg [dreg:$0x0]  }
0x2: {  	s8 =	rddreg [dreg:$0x1];
	s1 =	srdreg.scid  }
0x3: {  	s3 =	rddreg [dreg:$0x2];
	s2 =	stileid.u32  }
0x4: {  	s4 =	simm.s32 $0x0;
	s16 =	simm.s32 $0x4100;
	s17 =	simm.s32 $0x2  }
0x5: {  	s18 =	simm.s32 $0x80;
	s19 =	simm.s32 $0x100;
	s20 =	simm.s32 $0x1  }
0x6: {  	s9 =	sand.u32 $0x1, s1;
	s1 =	rddreg [dreg:$0x3];
	s7 =	smul.u32 $0x13C00, s2  }
0x7: {  	[smem:$0x7FF] =	sst s4;
	s5 =	sadd.s32 $0x6E00, s8;
	s11 =	smul.u32 $0x4F000, s2  }
0x8: {  	s21 =	sshll.u32 s2, $0x6;
	s6 =	smul.u32 $0x13C000, s9;
	_ =	strace $0x80000056  }
0x9: {  	s30 =	ssub.s32 $0x2, s9;
	s9 =	sshll.u32 s9, $0x4;
	s21 =	sor.u32 $0x1C02, s21  }
0xa: {  	s31 =	sshrl.u32 s30, $0x1;
	s11 =	sshrl.u32 s11, $0x2;
	s9 =	sor.u32 s2, s9  }
0xb: {  	s7 =	sadd.s32 s7, s6;
	s6 =	sadd.s32 $0x5FE00, s8;
	s15 =	ssub.s32 s30, s31  }
0xc: {  	s9 =	smul.u32 $0x2780, s9;
	s10 =	sshrl.u32 s7, $0x3;
	s7 =	sadd.s32 $0xA3BC00, s8  }
0xd: {  	s15 =	smax.u32 s15, $0x1;
	s14 =	sadd.s32 s10, s8;
	s8 =	sadd.s32 s11, s3  }
0xe: {  	s10 =	sadd.s32 $0x4000, s8;
	s11 =	sadd.s32 $0x8000, s8;
	s12 =	sadd.s32 $0xC000, s8  }
0xf: {  	v0 =	vimm.f32 $0.0e+00;
	s13 =	sadd.s32 $0x10000, s8;
	s14 =	sadd.s32 $0x69C00, s14;
	s22 =	sshrl.u32 s8, $0x3  }
.LBB2_1:
0x10: {  	s23 =	simm.s32 $0x0;
	s24 =	simm.s32 $0x200  }
.LBB2_2:
0x11: {  	p0 =	sne.s32 s24, $0xFE00;
	[tilespmem:s23+$0x4170] =	vst v0  }
0x12: {  	[tilespmem:s23+$0x4100] =	vst v0  }
0x13: {  	[tilespmem:s23+$0x4110] =	vst v0  }
.Ltmp0:
0x14: {  	[tilespmem:s23+$0x4120] =	vst v0;
	(pc) =	sbr.rel @p0 .LBB2_2-.Ltmp0, $4  }
0x15: {  	[tilespmem:s23+$0x4130] =	vst v0  }
0x16: {  	[tilespmem:s23+$0x4140] =	vst v0  }
0x17: {  	[tilespmem:s23+$0x4150] =	vst v0  }
0x18: {  	[tilespmem:s23+$0x4160] =	vst v0;
	s23 =	sshra.s32 s24, $0x2;
	s24 =	sadd.s32 $0x200, s24  }
0x19: {  	[tilespmem:s23+$0x4170] =	vst v0  }
0x1a: {  	[tilespmem:s23+$0x4100] =	vst v0  }
0x1b: {  	[tilespmem:s23+$0x4110] =	vst v0  }
0x1c: {  	[tilespmem:s23+$0x4120] =	vst v0  }
0x1d: {  	[tilespmem:s23+$0x4130] =	vst v0  }
0x1e: {  	[tilespmem:s23+$0x4140] =	vst v0  }
0x1f: {  	[tilespmem:s23+$0x4150] =	vst v0  }
0x20: {  	[tilespmem:s23+$0x4160] =	vst v0  }
0x21: {  	[spmem:s8] =	stream.linear.scatter [tilespmem:s16], [sflag:$0x2], $0x4000, $0x38;
	[tilespmem:$0x1BD00] =	vst v63  }
0x22: {  	_ =	swait.ge [sflag:s17], $0x4000  }
0x23: {  	[sflag:s17] =	ssyncset.done $0x0  }
0x24: {  	[sflag:s17] =	ssyncadd.s32 $0xFFFFC000  }
0x25: {  	[spmem:s10] =	stream.linear.scatter [tilespmem:s16], [sflag:$0x2], $0x4000, $0x38;
	[tilespmem:$0x1BD00] =	vst v63  }
0x26: {  	_ =	swait.ge [sflag:s17], $0x4000  }
0x27: {  	[sflag:s17] =	ssyncset.done $0x0  }
0x28: {  	[sflag:s17] =	ssyncadd.s32 $0xFFFFC000  }
0x29: {  	[spmem:s11] =	stream.linear.scatter [tilespmem:s16], [sflag:$0x2], $0x4000, $0x38;
	[tilespmem:$0x1BD00] =	vst v63  }
0x2a: {  	_ =	swait.ge [sflag:s17], $0x4000  }
0x2b: {  	[sflag:s17] =	ssyncset.done $0x0  }
0x2c: {  	[sflag:s17] =	ssyncadd.s32 $0xFFFFC000  }
0x2d: {  	[spmem:s12] =	stream.linear.scatter [tilespmem:s16], [sflag:$0x2], $0x4000, $0x38;
	[tilespmem:$0x1BD00] =	vst v63  }
0x2e: {  	_ =	swait.ge [sflag:s17], $0x4000  }
0x2f: {  	[sflag:s17] =	ssyncset.done $0x0  }
0x30: {  	[sflag:s17] =	ssyncadd.s32 $0xFFFFC000  }
0x31: {  	[spmem:s13] =	stream.linear.scatter [tilespmem:s16], [sflag:$0x2], $0x3C00, $0x38;
	[tilespmem:$0x1BD00] =	vst v63  }
0x32: {  	_ =	swait.ge [sflag:s17], $0x3C00  }
0x33: {  	[sflag:s17] =	ssyncset.done $0x0  }
0x34: {  	[sflag:s17] =	ssyncadd.s32 $0xFFFFC400  }
0x35: {  	s23 =	simm.s32 $0x0;
	s24 =	simm.s32 $0x0;
	[bflag:$0x0] =	sbarrier.arrive $0xFFFF  }
.LBB2_4:
0x36: {  	s25 =	sshll.u32 s24, $0x7  }
0x37: {  	s25 =	sadd.s32 s9, s25  }
0x38: {  	s26 =	sshrl.u32 s25, $0x3  }
0x39: {  	s28 =	sadd.s32 s5, s26  }
0x3a: {  	[tilespmem:s23], [sflag:$0x2] =	stream.linear.gather [hbm4b:s28+s23], $0x80, $0x38;
	[tilespmem:$0x1BD00] =	vst v63  }
0x3b: {  	_ =	swait.ge [sflag:s17], $0x80  }
0x3c: {  	[sflag:s17] =	ssyncset.done $0x0  }
0x3d: {  	s26 =	sadd.s32 s6, s26;
	[sflag:s17] =	ssyncadd.s32 $0xFFFFFF80  }
0x3e: {  	[tilespmem:s18], [sflag:$0x2] =	stream.linear.gather [hbm4b:s26+s23], $0x80, $0x38;
	[tilespmem:$0x1BD00] =	vst v63  }
0x3f: {  	_ =	swait.ge [sflag:s17], $0x80  }
0x40: {  	s25 =	sshll.u32 s25, $0x4;
	[sflag:s17] =	ssyncset.done $0x0  }
0x41: {  	s25 =	sadd.s32 s7, s25;
	[sflag:s17] =	ssyncadd.s32 $0xFFFFFF80  }
0x42: {  	[tilespmem:s19], [sflag:$0x2] =	stream.linear.gather [hbm4b:s25+s23], $0x4000, $0x38;
	[tilespmem:$0x1BD00] =	vst v63  }
0x43: {  	_ =	swait.ge [sflag:s17], $0x4000  }
0x44: {  	[sflag:s17] =	ssyncset.done $0x0  }
0x45: {  	[sflag:s17] =	ssyncadd.s32 $0xFFFFC000  }
0x46: {  	[tilespmem:s16], [sflag:$0x1] =	stream.indirect.gather [hbm4b:s0+s18], $0x80, s23, s18, $0xb8;
	[tilespmem:$0x1BD00] =	vst v63  }
0x47: {  	_ =	swait.ge [sflag:s20], $0x4000  }
0x48: {  	[sflag:s20] =	ssyncset.done $0x0  }
0x49: {  	s25 =	simm.s32 $0x0;
	[sflag:s20] =	ssyncadd.s32 $0xFFFFC000  }
0x4a: {  	v7 =	vld [tilespmem:s25+$0x100]  }
0x4b: {  	v12 =	vld [tilespmem:s25+$0x110]  }
0x4c: {  	v6 =	vld [tilespmem:s25+$0x120]  }
0x4d: {  	v5 =	vld [tilespmem:s25+$0x130]  }
0x4e: {  	v4 =	vld [tilespmem:s25+$0x140]  }
0x4f: {  	v3 =	vld [tilespmem:s25+$0x150]  }
0x50: {  	v2 =	vld [tilespmem:s25+$0x160]  }
0x51: {  	v1 =	vld [tilespmem:s25+$0x170]  }
0x52: {  	v13 =	vld [tilespmem:s25+$0x4100]  }
0x53: {  	v14 =	vld [tilespmem:s25+$0x4110]  }
0x54: {  	v11 =	vld [tilespmem:s25+$0x4120]  }
0x55: {  	v10 =	vld [tilespmem:s25+$0x4130]  }
0x56: {  	v9 =	vld [tilespmem:s25+$0x4140]  }
0x57: {  	v8 =	vld [tilespmem:s25+$0x4150];
	v13 =	vadd.f32 v7, v13  }
0x58: {  	s26 =	simm.s32 $0x200;
	v12 =	vadd.f32 v12, v14;
	v7 =	vld [tilespmem:s25+$0x4160]  }
.LBB2_5:
0x59: {  	s28 =	sshra.s32 s26, $0x2;
	p0 =	sne.s32 s26, $0xFE00;
	v13 =	vmax.f32 v13, $0.0e+00;
	v6 =	vadd.f32 v6, v11;
	v11 =	vld [tilespmem:s25+$0x4170]  }
0x5a: {  	v14 =	vld [tilespmem:s28+$0x100];
	[tilespmem:s25+$0x4100] =	vst v13;
	v12 =	vmax.f32 v12, $0.0e+00;
	v5 =	vadd.f32 v5, v10  }
0x5b: {  	v15 =	vld [tilespmem:s28+$0x110];
	[tilespmem:s25+$0x4110] =	vst v12;
	v10 =	vmax.f32 v6, $0.0e+00;
	v4 =	vadd.f32 v4, v9  }
0x5c: {  	v6 =	vld [tilespmem:s28+$0x120];
	[tilespmem:s25+$0x4120] =	vst v10;
	v9 =	vmax.f32 v5, $0.0e+00;
	v3 =	vadd.f32 v3, v8  }
0x5d: {  	v5 =	vld [tilespmem:s28+$0x130];
	[tilespmem:s25+$0x4130] =	vst v9;
	v8 =	vmax.f32 v4, $0.0e+00;
	v2 =	vadd.f32 v2, v7  }
0x5e: {  	v4 =	vld [tilespmem:s28+$0x140];
	[tilespmem:s25+$0x4140] =	vst v8;
	v7 =	vmax.f32 v3, $0.0e+00;
	v1 =	vadd.f32 v1, v11  }
0x5f: {  	v3 =	vld [tilespmem:s28+$0x150];
	[tilespmem:s25+$0x4150] =	vst v7;
	v7 =	vmax.f32 v2, $0.0e+00  }
0x60: {  	v2 =	vld [tilespmem:s28+$0x160];
	[tilespmem:s25+$0x4160] =	vst v7;
	v7 =	vmax.f32 v1, $0.0e+00  }
0x61: {  	v1 =	vld [tilespmem:s28+$0x170];
	[tilespmem:s25+$0x4170] =	vst v7;
	s25 =	smov.u32 s28  }
0x62: {  	v7 =	vld [tilespmem:s25+$0x4100]  }
0x63: {  	v12 =	vld [tilespmem:s25+$0x4110]  }
.Ltmp1:
0x64: {  	v11 =	vld [tilespmem:s25+$0x4120];
	(pc) =	sbr.rel @p0 .LBB2_5-.Ltmp1, $4  }
0x65: {  	v10 =	vld [tilespmem:s25+$0x4130]  }
0x66: {  	v9 =	vld [tilespmem:s25+$0x4140]  }
0x67: {  	v13 =	vadd.f32 v14, v7;
	v8 =	vld [tilespmem:s25+$0x4150]  }
0x68: {  	s26 =	sadd.s32 $0x200, s26;
	v12 =	vadd.f32 v15, v12;
	v7 =	vld [tilespmem:s25+$0x4160]  }
0x69: {  	v13 =	vmax.f32 v13, $0.0e+00;
	v6 =	vadd.f32 v6, v11;
	v63 =	vld [tilespmem:s25+$0x4170]  }
0x6a: {  	[tilespmem:s25+$0x4100] =	vst v13;
	v12 =	vmax.f32 v12, $0.0e+00;
	v5 =	vadd.f32 v5, v10  }
0x6b: {  	[tilespmem:s25+$0x4110] =	vst v12;
	v6 =	vmax.f32 v6, $0.0e+00;
	v4 =	vadd.f32 v4, v9  }
0x6c: {  	[tilespmem:s25+$0x4120] =	vst v6;
	v5 =	vmax.f32 v5, $0.0e+00;
	v3 =	vadd.f32 v3, v8  }
0x6d: {  	[tilespmem:s25+$0x4130] =	vst v5;
	v4 =	vmax.f32 v4, $0.0e+00;
	v2 =	vadd.f32 v2, v7  }
0x6e: {  	[tilespmem:s25+$0x4140] =	vst v4;
	v3 =	vmax.f32 v3, $0.0e+00;
	v1 =	vadd.f32 v1, v63  }
0x6f: {  	s24 =	sadd.s32 $0x1, s24;
	[tilespmem:s25+$0x4150] =	vst v3;
	v2 =	vmax.f32 v2, $0.0e+00  }
0x70: {  	p0 =	sne.s32 s24, $0x4F;
	[tilespmem:s25+$0x4160] =	vst v2;
	v1 =	vmax.f32 v1, $0.0e+00  }
.Ltmp2:
0x71: {  	[tilespmem:s25+$0x4170] =	vst v1;
	(pc) =	sbr.rel @p0 .LBB2_4-.Ltmp2, $4  }
0x72: {  	[spmem:s3] =	stream.indirect.scatter.add.f32 [tilespmem:s16], [sflag:$0x2], $0x80, s18, s18, $0xb8;
	[tilespmem:$0x1BD00] =	vst v63  }
0x73: {  	_ =	swait.ge [sflag:s17], $0x4000  }
0x74: {  	[sflag:s17] =	ssyncset.done $0x0  }
0x75: {  	[sflag:s17] =	ssyncadd.s32 $0xFFFFC000  }
0x76: {  	s4 =	sadd.s32 $0x1, s4  }
0x77: {  	p0 =	sne.s32 s4, s15  }
.Ltmp3:
0x78: {  	[bflag:$0x0] =	sbarrier.arrive $0xFFFF;
	(pc) =	sbr.rel @p0 .LBB2_1-.Ltmp3, $4  }
0x79: {  	[hbm:s14], [sflag:s21] =	dma.local [spmem:s22], $0x2780  }
0x7a: {  	_ =	swait.ge [sflag:s17], $0x2780  }
0x7b: {  	[sflag:s17] =	ssyncset.done $0x0  }
0x7c: {  	[sflag:s17] =	ssyncadd.s32 $0xFFFFD880  }
0x7d: {  	_ =	sfence.sel $0x180000  }
0x7e: {  	[bflag:$0x0] =	sbarrier.arrive $0xFFFF  }
0x7f: {  	p0 =	sne.s32 s2, $0x0;
	_ =	strace $0x90000056  }
0x80: {  	s0 =	sadd.s32 @!p0 $0x100000, s1;
	[bflag:$0x2] =	sbarrier.arrive $0xFFFF  }
0x81: {  	[sflag:s0] =	ssyncadd.tile.s32 @!p0 $0x1;
	_ =	shalt  }
.Lfunc_end2:
_tile_overlayer_lowered:
.L_overlay_start_2:
0x82: {  	(tag) =	ssettag $0x2  }
0x83: {  	s0 =	rddreg [dreg:$0x0];
	s2 =	stileid.u32  }
0x84: {  	s1 =	rddreg [dreg:$0x1];
	p0 =	sne.s32 s2, $0x0  }
0x85: {  	s3 =	rddreg [dreg:$0x2];
	[bflag:$0x3] =	sbarrier.arrive $0xFFFF;
	s2 =	simm.s32 @!p0 $0x1C02  }
0x86: {  	[timem:s3], [sflag:s2] =	dma.local @!p0 [hbm:s0], s1  }
0x87: {  	s0 =	simm.s32 @!p0 $0x2  }
0x88: {  	_ =	swait.ge @!p0 [sflag:s0], s1  }
0x89: {  	s1 =	ssub.s32 @!p0 $0x0, s1;
	[sflag:s0] =	ssyncset.done @!p0 $0x0  }
0x8a: {  	[sflag:s0] =	ssyncadd.s32 @!p0 s1  }
0x8b: {  	[bflag:$0x3] =	sbarrier.arrive $0xFFFF  }
0x8c: {  	_ =	shalt  }

</sc_bundles>
